<compile_context>
chip_gen: v7x
topology: tpu7x:2x2x1
jax: 0.10.2.dev20260603
libtpu: 0.0.44.dev20260713+nightly
codegen_flags: <defaults>
</compile_context>

<pallas_src>
import jax
import jax.numpy as jnp
from jax import lax
from jax.experimental import pallas as pl
from jax.experimental.pallas import tpu as pltpu
from jax.experimental.pallas import tpu_sc as plsc

NN = 10000
EE = 320000
NP = 10240
DIN = 128
HID = 64
NH = 4
HD = 16
NG = 64
WROW = 80
DROW = 16
NWORK = 32
EPW = EE // NWORK
CH = 125
FXS = 32768.0
NCHUNK = EPW // CH
NBUF = 4
LOOK = 2
RPT = NP // 16
BLK = 1024
NBLK = NP // BLK



def _proj_body(x_ref, wp_ref, bp_ref, wg_ref, bg_ref, ms_ref, md_ref,
               tsrc_ref, tdst_ref):
    h = jnp.dot(x_ref[...], wp_ref[...],
                preferred_element_type=jnp.float32) + bp_ref[...]
    hw = jnp.dot(h, wg_ref[...],
                 preferred_element_type=jnp.float32) + bg_ref[...]
    als = jnp.dot(hw, ms_ref[...], preferred_element_type=jnp.float32,
                  precision=lax.Precision.HIGHEST)
    ald = jnp.dot(hw, md_ref[...], preferred_element_type=jnp.float32,
                  precision=lax.Precision.HIGHEST)
    zpad = jnp.zeros((BLK, WROW - HID - NH), jnp.float32)
    tsrc_ref[...] = jnp.rint(
        jnp.concatenate([hw, als, zpad], axis=1) * FXS).astype(jnp.int32)
    tdst_ref[...] = jnp.concatenate(
        [ald, jnp.zeros((BLK, DROW - NH), jnp.float32)], axis=1)


def _build_tables(xp, W_proj, b_proj, W_gat, b_gat, Msrc, Mdst):
    full = lambda s: pl.BlockSpec(s, lambda i: (0, 0))
    return pl.pallas_call(
        _proj_body,
        grid=(NBLK,),
        in_specs=[
            pl.BlockSpec((BLK, DIN), lambda i: (i, 0)),
            full((DIN, HID)), full((1, HID)), full((HID, HID)),
            full((1, HID)), full((HID, NH)), full((HID, NH)),
        ],
        out_specs=[
            pl.BlockSpec((BLK, WROW), lambda i: (i, 0)),
            pl.BlockSpec((BLK, DROW), lambda i: (i, 0)),
        ],
        out_shape=[
            jax.ShapeDtypeStruct((NP, WROW), jnp.int32),
            jax.ShapeDtypeStruct((NP, DROW), jnp.float32),
        ],
    )(xp, W_proj, b_proj, W_gat, b_gat, Msrc, Mdst)



def _edge_body(tsrc, tdst, src3, dst3, zer, out,
               accum, sidx, didx, srows, drows, *sems):
    gs, ss = sems[:NBUF], sems[NBUF:]
    cid = lax.axis_index("c")
    sid = lax.axis_index("s")
    wid = cid * 16 + sid

    pltpu.sync_copy(zer.at[pl.ds(sid * RPT, RPT)],
                    accum.at[pl.ds(sid * RPT, RPT)])
    pltpu.sync_copy(src3.at[wid], sidx)
    pltpu.sync_copy(dst3.at[wid], didx)
    plsc.subcore_barrier()

    def issue_gather(j, b):
        pltpu.async_copy(tsrc.at[sidx.at[j]], srows.at[b], gs[b])
        pltpu.async_copy(tdst.at[didx.at[j]], drows.at[b], gs[b])

    def wait_gather(b):
        pltpu.make_async_copy(tsrc.at[sidx.at[0]], srows.at[b], gs[b]).wait()
        pltpu.make_async_copy(tdst.at[didx.at[0]], drows.at[b], gs[b]).wait()

    def wait_scatter(b):
        pltpu.make_async_copy(srows.at[b], accum.at[didx.at[0]], ss[b]).wait()

    def compute(b):
        @plsc.parallel_loop(0, CH, step=1, unroll=5)
        def _edge(e):
            t = srows[b, e, pl.ds(HID, 16)].astype(jnp.float32) * (1.0 / FXS)
            t = t + drows[b, e, :]
            ex16 = jnp.exp(jnp.maximum(t, 0.2 * t))
            srows[b, e, pl.ds(HID, 16)] = (ex16 * FXS).astype(jnp.int32)
            for h in range(NH):
                v = srows[b, e, pl.ds(h * HD, HD)].astype(jnp.float32)
                srows[b, e, pl.ds(h * HD, HD)] = (v * ex16[h]).astype(jnp.int32)

    for b in range(LOOK):
        issue_gather(b, b)

    def super_it(k, carry):
        for b in range(NBUF):
            j = NBUF * k + b
            wait_gather(b)
            compute(b)
            pltpu.async_copy(srows.at[b], accum.at[didx.at[j]],
                             ss[b], add=True)
            bn = (b + LOOK) % NBUF
            if b < NBUF - LOOK:
                @pl.when(k > 0)
                def _():
                    wait_scatter(bn)
                issue_gather(j + LOOK, bn)
            else:
                wait_scatter(bn)

                @pl.when(k < NCHUNK // NBUF - 1)
                def _():
                    issue_gather(j + LOOK, bn)
        return carry

    lax.fori_loop(0, NCHUNK // NBUF, super_it, 0)
    for b in range(NBUF - LOOK, NBUF):
        wait_scatter(b)

    plsc.subcore_barrier()
    pltpu.sync_copy(accum.at[pl.ds(sid * RPT, RPT)],
                    out.at[cid].at[pl.ds(sid * RPT, RPT)])


def _edge_pass(tsrc, tdst, src3, dst3, zer):
    mesh = plsc.VectorSubcoreMesh(core_axis_name="c", subcore_axis_name="s")
    return pl.kernel(
        _edge_body,
        out_type=jax.ShapeDtypeStruct((2, NP, WROW), jnp.int32),
        mesh=mesh,
        compiler_params=pltpu.CompilerParams(use_tc_tiling_on_sc=False),
        scratch_types=[
            pltpu.VMEM_SHARED((NP, WROW), jnp.int32),
            pltpu.VMEM((NCHUNK, CH), jnp.int32),
            pltpu.VMEM((NCHUNK, CH), jnp.int32),
            pltpu.VMEM((NBUF, CH, WROW), jnp.int32),
            pltpu.VMEM((NBUF, CH, DROW), jnp.float32),
        ] + [pltpu.SemaphoreType.DMA] * (2 * NBUF),
    )(tsrc, tdst, src3, dst3, zer)



def _pool_body(p0_ref, p1_ref, b_ref, w1_ref, b1_ref, w2_ref, b2_ref,
               out_ref, acc_ref):
    g = pl.program_id(0)

    @pl.when(g == 0)
    def _():
        acc_ref[...] = jnp.zeros_like(acc_ref)

    p = (p0_ref[...] + p1_ref[...]).astype(jnp.float32)
    aggun = p[:, :HID]
    denom = p[:, HID:HID + NH]
    cols = []
    for h in range(NH):
        cols.append(aggun[:, h * HD:(h + 1) * HD]
                    / (denom[:, h:h + 1] + 1e-3))
    agg = jnp.concatenate(cols, axis=1)
    agg = jnp.where(agg > 0.0, agg, jnp.exp(agg) - 1.0)

    bids = b_ref[0, 0, :]
    onehot = (bids[:, None] ==
              lax.broadcasted_iota(jnp.int32, (1, NG), 1)).astype(jnp.float32)
    aug = jnp.concatenate([agg, jnp.ones((BLK, 1), jnp.float32)], axis=1)
    acc_ref[...] += lax.dot_general(
        onehot, aug, (((0,), (0,)), ((), ())),
        preferred_element_type=jnp.float32)

    @pl.when(g == NBLK - 1)
    def _():
        s = acc_ref[...]
        pooled = s[:, :HID] / jnp.clip(s[:, HID:HID + 1], 1.0, None)
        hc = jnp.maximum(
            jnp.dot(pooled, w1_ref[...],
                    preferred_element_type=jnp.float32) + b1_ref[...], 0.0)
        out_ref[...] = jnp.dot(hc, w2_ref[...],
                               preferred_element_type=jnp.float32) + b2_ref[...]


def _pool_mlp(p0, p1, batch3, W1, b1, W2, b2):
    full = lambda s: pl.BlockSpec(s, lambda i: tuple(0 for _ in s))
    return pl.pallas_call(
        _pool_body,
        grid=(NBLK,),
        in_specs=[
            pl.BlockSpec((BLK, WROW), lambda i: (i, 0)),
            pl.BlockSpec((BLK, WROW), lambda i: (i, 0)),
            pl.BlockSpec((1, 1, BLK), lambda i: (i, 0, 0)),
            full((HID, HID // 2)), full((1, HID // 2)),
            full((HID // 2, 2)), full((1, 2)),
        ],
        out_specs=pl.BlockSpec((NG, 2), lambda i: (0, 0)),
        out_shape=jax.ShapeDtypeStruct((NG, 2), jnp.float32),
        scratch_shapes=[pltpu.VMEM((NG, HID + 1), jnp.float32)],
    )(p0, p1, batch3, W1, b1, W2, b2)



@jax.jit
def kernel(x, edge_index, batch, W_proj, b_proj, W_gat, b_gat,
           a_src, a_dst, W1, b1, W2, b2):
    xp = jnp.pad(x, ((0, NP - NN), (0, 0)))
    eye_h = jnp.eye(NH, dtype=jnp.float32)
    A_s = (a_src[:, :, None] * eye_h[:, None, :]).reshape(HID, NH)
    A_d = (a_dst[:, :, None] * eye_h[:, None, :]).reshape(HID, NH)

    tsrc, tdst = _build_tables(
        xp, W_proj, b_proj.reshape(1, HID), W_gat, b_gat.reshape(1, HID),
        A_s, A_d)

    zer = jnp.zeros((NP, WROW), jnp.int32)
    src3 = edge_index[0].reshape(NWORK, NCHUNK, CH)
    dst3 = edge_index[1].reshape(NWORK, NCHUNK, CH)
    parts = _edge_pass(tsrc, tdst, src3, dst3, zer)

    batch3 = jnp.pad(batch, (0, NP - NN),
                     constant_values=NG).reshape(NBLK, 1, BLK)
    return _pool_mlp(parts[0], parts[1], batch3,
                     W1, b1.reshape(1, HID // 2), W2, b2.reshape(1, 2))

# --- scband reference (transcript-rebuilt; emitter-appended) ---
"""Pipeline reference for scband-tggatlightweight-21638045237645 (READ-ONLY COPY).

The authoritative reference and input builder live on the scoring server;
editing this copy changes nothing except your own understanding.
"""

import jax, jax.numpy as jnp
import numpy as np

N = 10000
E = 320000
D_IN = 128
HID = 64          # config hidden_dim 128 // 2
HEADS = 4         # min(4, 4)
HD = HID // HEADS # per-head dim = 16
G = 64            # number of graphs in batch


def setup_inputs(seed: int = 0) -> dict:
    key = jax.random.key(seed)
    ks = jax.random.split(key, 14)
    x = jax.random.normal(ks[0], (N, D_IN), dtype=jnp.float32)
    edge_index = jax.random.randint(ks[1], (2, E), 0, N, dtype=jnp.int32)
    batch = jnp.sort(jax.random.randint(ks[2], (N,), 0, G, dtype=jnp.int32))
    s = 0.1
    W_proj = jax.random.normal(ks[3], (D_IN, HID), jnp.float32) * s
    b_proj = jnp.zeros((HID,), jnp.float32)
    W_gat = jax.random.normal(ks[4], (HID, HID), jnp.float32) * s
    b_gat = jnp.zeros((HID,), jnp.float32)
    a_src = jax.random.normal(ks[5], (HEADS, HD), jnp.float32) * s
    a_dst = jax.random.normal(ks[6], (HEADS, HD), jnp.float32) * s
    W1 = jax.random.normal(ks[7], (HID, HID // 2), jnp.float32) * s
    b1 = jnp.zeros((HID // 2,), jnp.float32)
    W2 = jax.random.normal(ks[8], (HID // 2, 2), jnp.float32) * s
    b2 = jnp.zeros((2,), jnp.float32)
    return {"x": x, "edge_index": edge_index, "batch": batch,
            "W_proj": W_proj, "b_proj": b_proj, "W_gat": W_gat, "b_gat": b_gat,
            "a_src": a_src, "a_dst": a_dst, "W1": W1, "b1": b1, "W2": W2, "b2": b2}


def reference(x, edge_index, batch, W_proj, b_proj, W_gat, b_gat, a_src, a_dst, W1, b1, W2, b2):
    # node_projection
    h = x @ W_proj + b_proj                              # [N, HID]
    # GraphAttentionLayer (multi-head GAT, dropout disabled at inference)
    hw = (h @ W_gat + b_gat).reshape(N, HEADS, HD)       # [N, H, D]
    alpha_s = (hw * a_src[None]).sum(-1)                 # [N, H]
    alpha_d = (hw * a_dst[None]).sum(-1)                 # [N, H]
    src = edge_index[0]
    dst = edge_index[1]
    e = jax.nn.leaky_relu(alpha_s[src] + alpha_d[dst], 0.2)   # [E, H]
    emax = jax.ops.segment_max(e, dst, num_segments=N)
    emax = jnp.where(jnp.isfinite(emax), emax, 0.0)
    ex = jnp.exp(e - emax[dst])
    denom = jax.ops.segment_sum(ex, dst, num_segments=N)
    att = ex / (denom[dst] + 1e-16)                      # [E, H]
    msg = hw[src] * att[:, :, None]                      # [E, H, D]
    agg = jax.ops.segment_sum(msg, dst, num_segments=N).reshape(N, HID)
    agg = jax.nn.elu(agg)
    # global_mean_pool over graph ids
    sums = jax.ops.segment_sum(agg, batch, num_segments=G)
    cnts = jax.ops.segment_sum(jnp.ones((N, 1), jnp.float32), batch, num_segments=G)
    pooled = sums / jnp.clip(cnts, 1.0, None)            # [G, HID]
    # classifier (dropout disabled)
    hc = jax.nn.relu(pooled @ W1 + b1)
    logits = hc @ W2 + b2                                # [G, 2]
    return logits

if __name__ == "__main__":
    import jax
    _d = setup_inputs()
    print(jax.jit(kernel)(*tuple(_d.values())))

</pallas_src>

<mosaic_0001>
#map = affine_map<(d0, d1) -> (0, 0)>
#map1 = affine_map<(d0, d1) -> (0, 0, 0)>
module attributes {stable_mosaic.version = 14 : i64} {
  func.func @_edge_body(%arg0: i32, %arg1: i32, %arg2: memref<10240x80xi32, #tpu.memory_space<hbm>>, %arg3: memref<10240x16xf32, #tpu.memory_space<hbm>>, %arg4: memref<32x80x125xi32, #tpu.memory_space<hbm>>, %arg5: memref<32x80x125xi32, #tpu.memory_space<hbm>>, %arg6: memref<10240x80xi32, #tpu.memory_space<hbm>>, %arg7: memref<2x10240x80xi32, #tpu.memory_space<hbm>>, %arg8: memref<10240x80xi32, #tpu.memory_space<vmem_shared>>, %arg9: memref<80x125xi32, #tpu.memory_space<vmem>>, %arg10: memref<80x125xi32, #tpu.memory_space<vmem>>, %arg11: memref<4x125x80xi32, #tpu.memory_space<vmem>>, %arg12: memref<4x125x16xf32, #tpu.memory_space<vmem>>, %arg13: memref<!tpu.dma_semaphore, #tpu.memory_space<semaphore_mem>>, %arg14: memref<!tpu.dma_semaphore, #tpu.memory_space<semaphore_mem>>, %arg15: memref<!tpu.dma_semaphore, #tpu.memory_space<semaphore_mem>>, %arg16: memref<!tpu.dma_semaphore, #tpu.memory_space<semaphore_mem>>, %arg17: memref<!tpu.dma_semaphore, #tpu.memory_space<semaphore_mem>>, %arg18: memref<!tpu.dma_semaphore, #tpu.memory_space<semaphore_mem>>, %arg19: memref<!tpu.dma_semaphore, #tpu.memory_space<semaphore_mem>>, %arg20: memref<!tpu.dma_semaphore, #tpu.memory_space<semaphore_mem>>) attributes {dimension_semantics = [#tpu.dimension_semantics<core_parallel>, #tpu.dimension_semantics<subcore_parallel>], iteration_bounds = array<i64: 2, 16>, scalar_prefetch = 0 : i64, scratch_operands = 13 : i64, tpu.core_type = #tpu.core_type<sc_vector_subcore>, window_params = [{transform_indices = #map}, {transform_indices = #map}, {transform_indices = #map1}, {transform_indices = #map1}, {transform_indices = #map}, {transform_indices = #map1}]} {
    %mul3A = arith.constant 16 : i32
    %mul3A_0 = arith.muli %arg0, %mul3A : i32
    %add3A = arith.addi %mul3A_0, %arg1 : i32
    %mul3A_1 = arith.constant 640 : i32
    %mul3A_2 = arith.muli %arg1, %mul3A_1 : i32
    %mul3A_3 = arith.constant 640 : i32
    %mul3A_4 = arith.muli %arg1, %mul3A_3 : i32
    "tpu.region"() ({
      %run_scoped3A = tpu.sem_alloc : memref<!tpu.dma_semaphore, #tpu.memory_space<semaphore_mem>>
      %dma_start3A_85 = arith.constant 0 : i32
      %dma_start3A_86 = tpu.memref_slice %arg8[%mul3A_4, %dma_start3A_85] : memref<10240x80xi32, #tpu.memory_space<vmem_shared>> -> memref<640x80xi32, #tpu.memory_space<vmem_shared>>
      %dma_start3A_87 = arith.constant 0 : i32
      %dma_start3A_88 = tpu.memref_slice %arg6[%mul3A_2, %dma_start3A_87] : memref<10240x80xi32, #tpu.memory_space<hbm>> -> memref<640x80xi32, #tpu.memory_space<hbm>>
      tpu.enqueue_dma source(%dma_start3A_88 : memref<640x80xi32, #tpu.memory_space<hbm>>) target(%dma_start3A_86 : memref<640x80xi32, #tpu.memory_space<vmem_shared>>) target_semaphore(%run_scoped3A : memref<!tpu.dma_semaphore, #tpu.memory_space<semaphore_mem>>)
      %dma_wait3A_89 = arith.constant 0 : i32
      %dma_wait3A_90 = tpu.memref_slice %arg8[%mul3A_4, %dma_wait3A_89] : memref<10240x80xi32, #tpu.memory_space<vmem_shared>> -> memref<640x80xi32, #tpu.memory_space<vmem_shared>>
      %dma_wait3A_91 = arith.constant 0 : i32
      %dma_wait3A_92 = tpu.memref_slice %arg6[%mul3A_2, %dma_wait3A_91] : memref<10240x80xi32, #tpu.memory_space<hbm>> -> memref<640x80xi32, #tpu.memory_space<hbm>>
      tpu.wait_dma2 semaphore(%run_scoped3A : memref<!tpu.dma_semaphore, #tpu.memory_space<semaphore_mem>>) src(%dma_wait3A_92 : memref<640x80xi32, #tpu.memory_space<hbm>>) dst(%dma_wait3A_90 : memref<640x80xi32, #tpu.memory_space<vmem_shared>>)
      tpu.yield
    }) : () -> ()
    "tpu.region"() ({
      %run_scoped3A = tpu.sem_alloc : memref<!tpu.dma_semaphore, #tpu.memory_space<semaphore_mem>>
      %dma_start3A_85 = arith.constant 0 : i32
      %dma_start3A_86 = arith.constant 0 : i32
      %dma_start3A_87 = tpu.memref_slice %arg4[%add3A, %dma_start3A_85, %dma_start3A_86] : memref<32x80x125xi32, #tpu.memory_space<hbm>> -> memref<1x80x125xi32, #tpu.memory_space<hbm>>
      %dma_start3A_88 = tpu.memref_squeeze %dma_start3A_87 : memref<1x80x125xi32, #tpu.memory_space<hbm>> -> memref<80x125xi32, #tpu.memory_space<hbm>>
      %dma_start3A_89 = arith.constant 0 : i32
      %dma_start3A_90 = arith.constant 0 : i32
      %dma_start3A_91 = tpu.memref_slice %arg4[%add3A, %dma_start3A_89, %dma_start3A_90] : memref<32x80x125xi32, #tpu.memory_space<hbm>> -> memref<1x80x125xi32, #tpu.memory_space<hbm>>
      %dma_start3A_92 = tpu.memref_squeeze %dma_start3A_91 : memref<1x80x125xi32, #tpu.memory_space<hbm>> -> memref<80x125xi32, #tpu.memory_space<hbm>>
      tpu.enqueue_dma source(%dma_start3A_92 : memref<80x125xi32, #tpu.memory_space<hbm>>) target(%arg9 : memref<80x125xi32, #tpu.memory_space<vmem>>) target_semaphore(%run_scoped3A : memref<!tpu.dma_semaphore, #tpu.memory_space<semaphore_mem>>)
      %dma_wait3A_93 = arith.constant 0 : i32
      %dma_wait3A_94 = arith.constant 0 : i32
      %dma_wait3A_95 = tpu.memref_slice %arg4[%add3A, %dma_wait3A_93, %dma_wait3A_94] : memref<32x80x125xi32, #tpu.memory_space<hbm>> -> memref<1x80x125xi32, #tpu.memory_space<hbm>>
      %dma_wait3A_96 = tpu.memref_squeeze %dma_wait3A_95 : memref<1x80x125xi32, #tpu.memory_space<hbm>> -> memref<80x125xi32, #tpu.memory_space<hbm>>
      %dma_wait3A_97 = arith.constant 0 : i32
      %dma_wait3A_98 = arith.constant 0 : i32
      %dma_wait3A_99 = tpu.memref_slice %arg4[%add3A, %dma_wait3A_97, %dma_wait3A_98] : memref<32x80x125xi32, #tpu.memory_space<hbm>> -> memref<1x80x125xi32, #tpu.memory_space<hbm>>
      %dma_wait3A_100 = tpu.memref_squeeze %dma_wait3A_99 : memref<1x80x125xi32, #tpu.memory_space<hbm>> -> memref<80x125xi32, #tpu.memory_space<hbm>>
      tpu.wait_dma2 semaphore(%run_scoped3A : memref<!tpu.dma_semaphore, #tpu.memory_space<semaphore_mem>>) src(%dma_wait3A_100 : memref<80x125xi32, #tpu.memory_space<hbm>>) dst(%arg9 : memref<80x125xi32, #tpu.memory_space<vmem>>)
      tpu.yield
    }) : () -> ()
    "tpu.region"() ({
      %run_scoped3A = tpu.sem_alloc : memref<!tpu.dma_semaphore, #tpu.memory_space<semaphore_mem>>
      %dma_start3A_85 = arith.constant 0 : i32
      %dma_start3A_86 = arith.constant 0 : i32
      %dma_start3A_87 = tpu.memref_slice %arg5[%add3A, %dma_start3A_85, %dma_start3A_86] : memref<32x80x125xi32, #tpu.memory_space<hbm>> -> memref<1x80x125xi32, #tpu.memory_space<hbm>>
      %dma_start3A_88 = tpu.memref_squeeze %dma_start3A_87 : memref<1x80x125xi32, #tpu.memory_space<hbm>> -> memref<80x125xi32, #tpu.memory_space<hbm>>
      %dma_start3A_89 = arith.constant 0 : i32
      %dma_start3A_90 = arith.constant 0 : i32
      %dma_start3A_91 = tpu.memref_slice %arg5[%add3A, %dma_start3A_89, %dma_start3A_90] : memref<32x80x125xi32, #tpu.memory_space<hbm>> -> memref<1x80x125xi32, #tpu.memory_space<hbm>>
      %dma_start3A_92 = tpu.memref_squeeze %dma_start3A_91 : memref<1x80x125xi32, #tpu.memory_space<hbm>> -> memref<80x125xi32, #tpu.memory_space<hbm>>
      tpu.enqueue_dma source(%dma_start3A_92 : memref<80x125xi32, #tpu.memory_space<hbm>>) target(%arg10 : memref<80x125xi32, #tpu.memory_space<vmem>>) target_semaphore(%run_scoped3A : memref<!tpu.dma_semaphore, #tpu.memory_space<semaphore_mem>>)
      %dma_wait3A_93 = arith.constant 0 : i32
      %dma_wait3A_94 = arith.constant 0 : i32
      %dma_wait3A_95 = tpu.memref_slice %arg5[%add3A, %dma_wait3A_93, %dma_wait3A_94] : memref<32x80x125xi32, #tpu.memory_space<hbm>> -> memref<1x80x125xi32, #tpu.memory_space<hbm>>
      %dma_wait3A_96 = tpu.memref_squeeze %dma_wait3A_95 : memref<1x80x125xi32, #tpu.memory_space<hbm>> -> memref<80x125xi32, #tpu.memory_space<hbm>>
      %dma_wait3A_97 = arith.constant 0 : i32
      %dma_wait3A_98 = arith.constant 0 : i32
      %dma_wait3A_99 = tpu.memref_slice %arg5[%add3A, %dma_wait3A_97, %dma_wait3A_98] : memref<32x80x125xi32, #tpu.memory_space<hbm>> -> memref<1x80x125xi32, #tpu.memory_space<hbm>>
      %dma_wait3A_100 = tpu.memref_squeeze %dma_wait3A_99 : memref<1x80x125xi32, #tpu.memory_space<hbm>> -> memref<80x125xi32, #tpu.memory_space<hbm>>
      tpu.wait_dma2 semaphore(%run_scoped3A : memref<!tpu.dma_semaphore, #tpu.memory_space<semaphore_mem>>) src(%dma_wait3A_100 : memref<80x125xi32, #tpu.memory_space<hbm>>) dst(%arg10 : memref<80x125xi32, #tpu.memory_space<vmem>>)
      tpu.yield
    }) : () -> ()
    %barrier3A = arith.constant 0 : index
    tpu.barrier barrier_id(%barrier3A)
    %dma_start3A = arith.constant 0 : i32
    %dma_start3A_5 = arith.constant 0 : i32
    %dma_start3A_6 = arith.constant 0 : i32
    %dma_start3A_7 = arith.constant 0 : i32
    %dma_start3A_8 = tpu.memref_slice %arg11[%dma_start3A_5, %dma_start3A_6, %dma_start3A_7] : memref<4x125x80xi32, #tpu.memory_space<vmem>> -> memref<1x125x80xi32, #tpu.memory_space<vmem>>
    %dma_start3A_9 = tpu.memref_squeeze %dma_start3A_8 : memref<1x125x80xi32, #tpu.memory_space<vmem>> -> memref<125x80xi32, #tpu.memory_space<vmem>>
    %dma_start3A_10 = arith.constant 0 : i32
    %dma_start3A_11 = tpu.memref_slice %arg9[%dma_start3A, %dma_start3A_10] : memref<80x125xi32, #tpu.memory_space<vmem>> -> memref<1x125xi32, #tpu.memory_space<vmem>>
    %dma_start3A_12 = tpu.memref_squeeze %dma_start3A_11 : memref<1x125xi32, #tpu.memory_space<vmem>> -> memref<125xi32, #tpu.memory_space<vmem>>
    %dma_start3A_13 = arith.constant 0 : i32
    %dma_start3A_14 = arith.constant 0 : i32
    %dma_start3A_15 = tpu.memref_slice %arg2[%dma_start3A_13, %dma_start3A_14] : memref<10240x80xi32, #tpu.memory_space<hbm>> -> memref<10240x80xi32, #tpu.memory_space<hbm>>
    tpu.enqueue_indirect_dma source(%dma_start3A_15 : memref<10240x80xi32, #tpu.memory_space<hbm>>) target(%dma_start3A_9 : memref<125x80xi32, #tpu.memory_space<vmem>>) offsets(%dma_start3A_12 : memref<125xi32, #tpu.memory_space<vmem>>) semaphore(%arg13 : memref<!tpu.dma_semaphore, #tpu.memory_space<semaphore_mem>>)
    %dma_start3A_16 = arith.constant 0 : i32
    %dma_start3A_17 = arith.constant 0 : i32
    %dma_start3A_18 = arith.constant 0 : i32
    %dma_start3A_19 = arith.constant 0 : i32
    %dma_start3A_20 = tpu.memref_slice %arg12[%dma_start3A_17, %dma_start3A_18, %dma_start3A_19] : memref<4x125x16xf32, #tpu.memory_space<vmem>> -> memref<1x125x16xf32, #tpu.memory_space<vmem>>
    %dma_start3A_21 = tpu.memref_squeeze %dma_start3A_20 : memref<1x125x16xf32, #tpu.memory_space<vmem>> -> memref<125x16xf32, #tpu.memory_space<vmem>>
    %dma_start3A_22 = arith.constant 0 : i32
    %dma_start3A_23 = tpu.memref_slice %arg10[%dma_start3A_16, %dma_start3A_22] : memref<80x125xi32, #tpu.memory_space<vmem>> -> memref<1x125xi32, #tpu.memory_space<vmem>>
    %dma_start3A_24 = tpu.memref_squeeze %dma_start3A_23 : memref<1x125xi32, #tpu.memory_space<vmem>> -> memref<125xi32, #tpu.memory_space<vmem>>
    %dma_start3A_25 = arith.constant 0 : i32
    %dma_start3A_26 = arith.constant 0 : i32
    %dma_start3A_27 = tpu.memref_slice %arg3[%dma_start3A_25, %dma_start3A_26] : memref<10240x16xf32, #tpu.memory_space<hbm>> -> memref<10240x16xf32, #tpu.memory_space<hbm>>
    tpu.enqueue_indirect_dma source(%dma_start3A_27 : memref<10240x16xf32, #tpu.memory_space<hbm>>) target(%dma_start3A_21 : memref<125x16xf32, #tpu.memory_space<vmem>>) offsets(%dma_start3A_24 : memref<125xi32, #tpu.memory_space<vmem>>) semaphore(%arg13 : memref<!tpu.dma_semaphore, #tpu.memory_space<semaphore_mem>>)
    %dma_start3A_28 = arith.constant 1 : i32
    %dma_start3A_29 = arith.constant 1 : i32
    %dma_start3A_30 = arith.constant 0 : i32
    %dma_start3A_31 = arith.constant 0 : i32
    %dma_start3A_32 = tpu.memref_slice %arg11[%dma_start3A_29, %dma_start3A_30, %dma_start3A_31] : memref<4x125x80xi32, #tpu.memory_space<vmem>> -> memref<1x125x80xi32, #tpu.memory_space<vmem>>
    %dma_start3A_33 = tpu.memref_squeeze %dma_start3A_32 : memref<1x125x80xi32, #tpu.memory_space<vmem>> -> memref<125x80xi32, #tpu.memory_space<vmem>>
    %dma_start3A_34 = arith.constant 0 : i32
    %dma_start3A_35 = tpu.memref_slice %arg9[%dma_start3A_28, %dma_start3A_34] : memref<80x125xi32, #tpu.memory_space<vmem>> -> memref<1x125xi32, #tpu.memory_space<vmem>>
    %dma_start3A_36 = tpu.memref_squeeze %dma_start3A_35 : memref<1x125xi32, #tpu.memory_space<vmem>> -> memref<125xi32, #tpu.memory_space<vmem>>
    %dma_start3A_37 = arith.constant 0 : i32
    %dma_start3A_38 = arith.constant 0 : i32
    %dma_start3A_39 = tpu.memref_slice %arg2[%dma_start3A_37, %dma_start3A_38] : memref<10240x80xi32, #tpu.memory_space<hbm>> -> memref<10240x80xi32, #tpu.memory_space<hbm>>
    tpu.enqueue_indirect_dma source(%dma_start3A_39 : memref<10240x80xi32, #tpu.memory_space<hbm>>) target(%dma_start3A_33 : memref<125x80xi32, #tpu.memory_space<vmem>>) offsets(%dma_start3A_36 : memref<125xi32, #tpu.memory_space<vmem>>) semaphore(%arg14 : memref<!tpu.dma_semaphore, #tpu.memory_space<semaphore_mem>>)
    %dma_start3A_40 = arith.constant 1 : i32
    %dma_start3A_41 = arith.constant 1 : i32
    %dma_start3A_42 = arith.constant 0 : i32
    %dma_start3A_43 = arith.constant 0 : i32
    %dma_start3A_44 = tpu.memref_slice %arg12[%dma_start3A_41, %dma_start3A_42, %dma_start3A_43] : memref<4x125x16xf32, #tpu.memory_space<vmem>> -> memref<1x125x16xf32, #tpu.memory_space<vmem>>
    %dma_start3A_45 = tpu.memref_squeeze %dma_start3A_44 : memref<1x125x16xf32, #tpu.memory_space<vmem>> -> memref<125x16xf32, #tpu.memory_space<vmem>>
    %dma_start3A_46 = arith.constant 0 : i32
    %dma_start3A_47 = tpu.memref_slice %arg10[%dma_start3A_40, %dma_start3A_46] : memref<80x125xi32, #tpu.memory_space<vmem>> -> memref<1x125xi32, #tpu.memory_space<vmem>>
    %dma_start3A_48 = tpu.memref_squeeze %dma_start3A_47 : memref<1x125xi32, #tpu.memory_space<vmem>> -> memref<125xi32, #tpu.memory_space<vmem>>
    %dma_start3A_49 = arith.constant 0 : i32
    %dma_start3A_50 = arith.constant 0 : i32
    %dma_start3A_51 = tpu.memref_slice %arg3[%dma_start3A_49, %dma_start3A_50] : memref<10240x16xf32, #tpu.memory_space<hbm>> -> memref<10240x16xf32, #tpu.memory_space<hbm>>
    tpu.enqueue_indirect_dma source(%dma_start3A_51 : memref<10240x16xf32, #tpu.memory_space<hbm>>) target(%dma_start3A_45 : memref<125x16xf32, #tpu.memory_space<vmem>>) offsets(%dma_start3A_48 : memref<125xi32, #tpu.memory_space<vmem>>) semaphore(%arg14 : memref<!tpu.dma_semaphore, #tpu.memory_space<semaphore_mem>>)
    %scan3A = arith.constant 0 : i32
    %scan3A_52 = arith.constant 0 : i32
    %scan3A_53 = arith.constant 20 : i32
    %scan3A_54 = arith.addi %scan3A_52, %scan3A_53 : i32
    %scan3A_55 = arith.constant 1 : i32
    scf.for %scan3A_85 = %scan3A_52 to %scan3A_54 step %scan3A_55  : i32 {
      %mul3A_86 = arith.constant 4 : i32
      %mul3A_87 = arith.muli %mul3A_86, %scan3A_85 : i32
      %add3A_88 = arith.constant 0 : i32
      %add3A_89 = arith.addi %mul3A_87, %add3A_88 : i32
      %dma_wait3A_90 = arith.constant 0 : i32
      %dma_wait3A_91 = arith.constant 0 : i32
      %dma_wait3A_92 = arith.constant 0 : i32
      %dma_wait3A_93 = arith.constant 0 : i32
      %dma_wait3A_94 = tpu.memref_slice %arg11[%dma_wait3A_91, %dma_wait3A_92, %dma_wait3A_93] : memref<4x125x80xi32, #tpu.memory_space<vmem>> -> memref<1x125x80xi32, #tpu.memory_space<vmem>>
      %dma_wait3A_95 = tpu.memref_squeeze %dma_wait3A_94 : memref<1x125x80xi32, #tpu.memory_space<vmem>> -> memref<125x80xi32, #tpu.memory_space<vmem>>
      %dma_wait3A_96 = arith.constant 0 : i32
      %dma_wait3A_97 = tpu.memref_slice %arg9[%dma_wait3A_90, %dma_wait3A_96] : memref<80x125xi32, #tpu.memory_space<vmem>> -> memref<1x125xi32, #tpu.memory_space<vmem>>
      %dma_wait3A_98 = tpu.memref_squeeze %dma_wait3A_97 : memref<1x125xi32, #tpu.memory_space<vmem>> -> memref<125xi32, #tpu.memory_space<vmem>>
      %dma_wait3A_99 = arith.constant 0 : i32
      %dma_wait3A_100 = arith.constant 0 : i32
      %dma_wait3A_101 = tpu.memref_slice %arg2[%dma_wait3A_99, %dma_wait3A_100] : memref<10240x80xi32, #tpu.memory_space<hbm>> -> memref<10240x80xi32, #tpu.memory_space<hbm>>
      tpu.wait_indirect_dma semaphore(%arg13 : memref<!tpu.dma_semaphore, #tpu.memory_space<semaphore_mem>>) src(%dma_wait3A_101 : memref<10240x80xi32, #tpu.memory_space<hbm>>) dst(%dma_wait3A_95 : memref<125x80xi32, #tpu.memory_space<vmem>>)
      %dma_wait3A_102 = arith.constant 0 : i32
      %dma_wait3A_103 = arith.constant 0 : i32
      %dma_wait3A_104 = arith.constant 0 : i32
      %dma_wait3A_105 = arith.constant 0 : i32
      %dma_wait3A_106 = tpu.memref_slice %arg12[%dma_wait3A_103, %dma_wait3A_104, %dma_wait3A_105] : memref<4x125x16xf32, #tpu.memory_space<vmem>> -> memref<1x125x16xf32, #tpu.memory_space<vmem>>
      %dma_wait3A_107 = tpu.memref_squeeze %dma_wait3A_106 : memref<1x125x16xf32, #tpu.memory_space<vmem>> -> memref<125x16xf32, #tpu.memory_space<vmem>>
      %dma_wait3A_108 = arith.constant 0 : i32
      %dma_wait3A_109 = tpu.memref_slice %arg10[%dma_wait3A_102, %dma_wait3A_108] : memref<80x125xi32, #tpu.memory_space<vmem>> -> memref<1x125xi32, #tpu.memory_space<vmem>>
      %dma_wait3A_110 = tpu.memref_squeeze %dma_wait3A_109 : memref<1x125xi32, #tpu.memory_space<vmem>> -> memref<125xi32, #tpu.memory_space<vmem>>
      %dma_wait3A_111 = arith.constant 0 : i32
      %dma_wait3A_112 = arith.constant 0 : i32
      %dma_wait3A_113 = tpu.memref_slice %arg3[%dma_wait3A_111, %dma_wait3A_112] : memref<10240x16xf32, #tpu.memory_space<hbm>> -> memref<10240x16xf32, #tpu.memory_space<hbm>>
      tpu.wait_indirect_dma semaphore(%arg13 : memref<!tpu.dma_semaphore, #tpu.memory_space<semaphore_mem>>) src(%dma_wait3A_113 : memref<10240x16xf32, #tpu.memory_space<hbm>>) dst(%dma_wait3A_107 : memref<125x16xf32, #tpu.memory_space<vmem>>)
      %parallel_loop3A = arith.constant 0 : i32
      %parallel_loop3A_114 = arith.constant 125 : i32
      %parallel_loop3A_115 = arith.constant 1 : i32
      scf.for %parallel_loop3A_341 = %parallel_loop3A to %parallel_loop3A_114 step %parallel_loop3A_115  : i32 {
        %parallel_loop3A_342 = arith.constant 0 : i32
        %parallel_loop3A_343 = arith.index_cast %parallel_loop3A_342 : i32 to index
        %parallel_loop3A_344 = arith.index_cast %parallel_loop3A_341 : i32 to index
        %parallel_loop3A_345 = arith.constant 64 : index
        %parallel_loop3A_346 = tpu.vector_load %arg11[%parallel_loop3A_343, %parallel_loop3A_344, %parallel_loop3A_345] {strides = array<i32>} : memref<4x125x80xi32, #tpu.memory_space<vmem>>, vector<1x1x16xi32>,
        %parallel_loop3A_347 = vector.shape_cast %parallel_loop3A_346 : vector<1x1x16xi32> to vector<16xi32>
        %parallel_loop3A_348 = arith.sitofp %parallel_loop3A_347 : vector<16xi32> to vector<16xf32>
        %parallel_loop3A_349 = arith.constant 3.05175781E-5 : f32
        %parallel_loop3A_350 = vector.broadcast %parallel_loop3A_349 : f32 to vector<16xf32>
        %parallel_loop3A_351 = arith.mulf %parallel_loop3A_348, %parallel_loop3A_350 : vector<16xf32>
        %parallel_loop3A_352 = arith.constant 0 : i32
        %parallel_loop3A_353 = arith.index_cast %parallel_loop3A_352 : i32 to index
        %parallel_loop3A_354 = arith.index_cast %parallel_loop3A_341 : i32 to index
        %parallel_loop3A_355 = arith.constant 0 : index
        %parallel_loop3A_356 = tpu.vector_load %arg12[%parallel_loop3A_353, %parallel_loop3A_354, %parallel_loop3A_355] {strides = array<i32>} : memref<4x125x16xf32, #tpu.memory_space<vmem>>, vector<1x1x16xf32>,
        %parallel_loop3A_357 = vector.shape_cast %parallel_loop3A_356 : vector<1x1x16xf32> to vector<16xf32>
        %parallel_loop3A_358 = arith.addf %parallel_loop3A_351, %parallel_loop3A_357 : vector<16xf32>
        %parallel_loop3A_359 = arith.constant 2.000000e-01 : f32
        %parallel_loop3A_360 = vector.broadcast %parallel_loop3A_359 : f32 to vector<16xf32>
        %parallel_loop3A_361 = arith.mulf %parallel_loop3A_360, %parallel_loop3A_358 : vector<16xf32>
        %parallel_loop3A_362 = arith.maximumf %parallel_loop3A_358, %parallel_loop3A_361 : vector<16xf32>
        %parallel_loop3A_363 = math.exp %parallel_loop3A_362 : vector<16xf32>
        %parallel_loop3A_364 = arith.constant 3.276800e+04 : f32
        %parallel_loop3A_365 = vector.broadcast %parallel_loop3A_364 : f32 to vector<16xf32>
        %parallel_loop3A_366 = arith.mulf %parallel_loop3A_363, %parallel_loop3A_365 : vector<16xf32>
        %parallel_loop3A_367 = arith.fptosi %parallel_loop3A_366 : vector<16xf32> to vector<16xi32>
        %parallel_loop3A_368 = arith.constant 0 : i32
        %parallel_loop3A_369 = arith.index_cast %parallel_loop3A_368 : i32 to index
        %parallel_loop3A_370 = arith.index_cast %parallel_loop3A_341 : i32 to index
        %parallel_loop3A_371 = arith.constant 64 : index
        %parallel_loop3A_372 = tpu.vector_load %arg11[%parallel_loop3A_369, %parallel_loop3A_370, %parallel_loop3A_371] {strides = array<i32>} : memref<4x125x80xi32, #tpu.memory_space<vmem>>, vector<1x1x16xi32>,
        %parallel_loop3A_373 = vector.shape_cast %parallel_loop3A_372 : vector<1x1x16xi32> to vector<16xi32>
        %parallel_loop3A_374 = vector.shape_cast %parallel_loop3A_367 : vector<16xi32> to vector<1x1x16xi32>
        tpu.vector_store %arg11[%parallel_loop3A_369, %parallel_loop3A_370, %parallel_loop3A_371], %parallel_loop3A_374 {strides = array<i32>} : memref<4x125x80xi32, #tpu.memory_space<vmem>>, vector<1x1x16xi32>,
        %parallel_loop3A_375 = arith.constant 0 : i32
        %parallel_loop3A_376 = arith.index_cast %parallel_loop3A_375 : i32 to index
        %parallel_loop3A_377 = arith.index_cast %parallel_loop3A_341 : i32 to index
        %parallel_loop3A_378 = arith.constant 0 : index
        %parallel_loop3A_379 = tpu.vector_load %arg11[%parallel_loop3A_376, %parallel_loop3A_377, %parallel_loop3A_378] {strides = array<i32>} : memref<4x125x80xi32, #tpu.memory_space<vmem>>, vector<1x1x16xi32>,
        %parallel_loop3A_380 = vector.shape_cast %parallel_loop3A_379 : vector<1x1x16xi32> to vector<16xi32>
        %parallel_loop3A_381 = arith.sitofp %parallel_loop3A_380 : vector<16xi32> to vector<16xf32>
        %parallel_loop3A_382 = vector.extract_strided_slice %parallel_loop3A_363 {offsets = [0], sizes = [1], strides = [1]} : vector<16xf32> to vector<1xf32>
        %parallel_loop3A_383 = vector.extract %parallel_loop3A_382[0] : f32 from vector<1xf32>
        %parallel_loop3A_384 = vector.broadcast %parallel_loop3A_383 : f32 to vector<16xf32>
        %parallel_loop3A_385 = arith.mulf %parallel_loop3A_381, %parallel_loop3A_384 : vector<16xf32>
        %parallel_loop3A_386 = arith.fptosi %parallel_loop3A_385 : vector<16xf32> to vector<16xi32>
        %parallel_loop3A_387 = arith.constant 0 : i32
        %parallel_loop3A_388 = arith.index_cast %parallel_loop3A_387 : i32 to index
        %parallel_loop3A_389 = arith.index_cast %parallel_loop3A_341 : i32 to index
        %parallel_loop3A_390 = arith.constant 0 : index
        %parallel_loop3A_391 = tpu.vector_load %arg11[%parallel_loop3A_388, %parallel_loop3A_389, %parallel_loop3A_390] {strides = array<i32>} : memref<4x125x80xi32, #tpu.memory_space<vmem>>, vector<1x1x16xi32>,
        %parallel_loop3A_392 = vector.shape_cast %parallel_loop3A_391 : vector<1x1x16xi32> to vector<16xi32>
        %parallel_loop3A_393 = vector.shape_cast %parallel_loop3A_386 : vector<16xi32> to vector<1x1x16xi32>
        tpu.vector_store %arg11[%parallel_loop3A_388, %parallel_loop3A_389, %parallel_loop3A_390], %parallel_loop3A_393 {strides = array<i32>} : memref<4x125x80xi32, #tpu.memory_space<vmem>>, vector<1x1x16xi32>,
        %parallel_loop3A_394 = arith.constant 0 : i32
        %parallel_loop3A_395 = arith.index_cast %parallel_loop3A_394 : i32 to index
        %parallel_loop3A_396 = arith.index_cast %parallel_loop3A_341 : i32 to index
        %parallel_loop3A_397 = arith.constant 16 : index
        %parallel_loop3A_398 = tpu.vector_load %arg11[%parallel_loop3A_395, %parallel_loop3A_396, %parallel_loop3A_397] {strides = array<i32>} : memref<4x125x80xi32, #tpu.memory_space<vmem>>, vector<1x1x16xi32>,
        %parallel_loop3A_399 = vector.shape_cast %parallel_loop3A_398 : vector<1x1x16xi32> to vector<16xi32>
        %parallel_loop3A_400 = arith.sitofp %parallel_loop3A_399 : vector<16xi32> to vector<16xf32>
        %parallel_loop3A_401 = vector.extract_strided_slice %parallel_loop3A_363 {offsets = [1], sizes = [1], strides = [1]} : vector<16xf32> to vector<1xf32>
        %parallel_loop3A_402 = vector.extract %parallel_loop3A_401[0] : f32 from vector<1xf32>
        %parallel_loop3A_403 = vector.broadcast %parallel_loop3A_402 : f32 to vector<16xf32>
        %parallel_loop3A_404 = arith.mulf %parallel_loop3A_400, %parallel_loop3A_403 : vector<16xf32>
        %parallel_loop3A_405 = arith.fptosi %parallel_loop3A_404 : vector<16xf32> to vector<16xi32>
        %parallel_loop3A_406 = arith.constant 0 : i32
        %parallel_loop3A_407 = arith.index_cast %parallel_loop3A_406 : i32 to index
        %parallel_loop3A_408 = arith.index_cast %parallel_loop3A_341 : i32 to index
        %parallel_loop3A_409 = arith.constant 16 : index
        %parallel_loop3A_410 = tpu.vector_load %arg11[%parallel_loop3A_407, %parallel_loop3A_408, %parallel_loop3A_409] {strides = array<i32>} : memref<4x125x80xi32, #tpu.memory_space<vmem>>, vector<1x1x16xi32>,
        %parallel_loop3A_411 = vector.shape_cast %parallel_loop3A_410 : vector<1x1x16xi32> to vector<16xi32>
        %parallel_loop3A_412 = vector.shape_cast %parallel_loop3A_405 : vector<16xi32> to vector<1x1x16xi32>
        tpu.vector_store %arg11[%parallel_loop3A_407, %parallel_loop3A_408, %parallel_loop3A_409], %parallel_loop3A_412 {strides = array<i32>} : memref<4x125x80xi32, #tpu.memory_space<vmem>>, vector<1x1x16xi32>,
        %parallel_loop3A_413 = arith.constant 0 : i32
        %parallel_loop3A_414 = arith.index_cast %parallel_loop3A_413 : i32 to index
        %parallel_loop3A_415 = arith.index_cast %parallel_loop3A_341 : i32 to index
        %parallel_loop3A_416 = arith.constant 32 : index
        %parallel_loop3A_417 = tpu.vector_load %arg11[%parallel_loop3A_414, %parallel_loop3A_415, %parallel_loop3A_416] {strides = array<i32>} : memref<4x125x80xi32, #tpu.memory_space<vmem>>, vector<1x1x16xi32>,
        %parallel_loop3A_418 = vector.shape_cast %parallel_loop3A_417 : vector<1x1x16xi32> to vector<16xi32>
        %parallel_loop3A_419 = arith.sitofp %parallel_loop3A_418 : vector<16xi32> to vector<16xf32>
        %parallel_loop3A_420 = vector.extract_strided_slice %parallel_loop3A_363 {offsets = [2], sizes = [1], strides = [1]} : vector<16xf32> to vector<1xf32>
        %parallel_loop3A_421 = vector.extract %parallel_loop3A_420[0] : f32 from vector<1xf32>
        %parallel_loop3A_422 = vector.broadcast %parallel_loop3A_421 : f32 to vector<16xf32>
        %parallel_loop3A_423 = arith.mulf %parallel_loop3A_419, %parallel_loop3A_422 : vector<16xf32>
        %parallel_loop3A_424 = arith.fptosi %parallel_loop3A_423 : vector<16xf32> to vector<16xi32>
        %parallel_loop3A_425 = arith.constant 0 : i32
        %parallel_loop3A_426 = arith.index_cast %parallel_loop3A_425 : i32 to index
        %parallel_loop3A_427 = arith.index_cast %parallel_loop3A_341 : i32 to index
        %parallel_loop3A_428 = arith.constant 32 : index
        %parallel_loop3A_429 = tpu.vector_load %arg11[%parallel_loop3A_426, %parallel_loop3A_427, %parallel_loop3A_428] {strides = array<i32>} : memref<4x125x80xi32, #tpu.memory_space<vmem>>, vector<1x1x16xi32>,
        %parallel_loop3A_430 = vector.shape_cast %parallel_loop3A_429 : vector<1x1x16xi32> to vector<16xi32>
        %parallel_loop3A_431 = vector.shape_cast %parallel_loop3A_424 : vector<16xi32> to vector<1x1x16xi32>
        tpu.vector_store %arg11[%parallel_loop3A_426, %parallel_loop3A_427, %parallel_loop3A_428], %parallel_loop3A_431 {strides = array<i32>} : memref<4x125x80xi32, #tpu.memory_space<vmem>>, vector<1x1x16xi32>,
        %parallel_loop3A_432 = arith.constant 0 : i32
        %parallel_loop3A_433 = arith.index_cast %parallel_loop3A_432 : i32 to index
        %parallel_loop3A_434 = arith.index_cast %parallel_loop3A_341 : i32 to index
        %parallel_loop3A_435 = arith.constant 48 : index
        %parallel_loop3A_436 = tpu.vector_load %arg11[%parallel_loop3A_433, %parallel_loop3A_434, %parallel_loop3A_435] {strides = array<i32>} : memref<4x125x80xi32, #tpu.memory_space<vmem>>, vector<1x1x16xi32>,
        %parallel_loop3A_437 = vector.shape_cast %parallel_loop3A_436 : vector<1x1x16xi32> to vector<16xi32>
        %parallel_loop3A_438 = arith.sitofp %parallel_loop3A_437 : vector<16xi32> to vector<16xf32>
        %parallel_loop3A_439 = vector.extract_strided_slice %parallel_loop3A_363 {offsets = [3], sizes = [1], strides = [1]} : vector<16xf32> to vector<1xf32>
        %parallel_loop3A_440 = vector.extract %parallel_loop3A_439[0] : f32 from vector<1xf32>
        %parallel_loop3A_441 = vector.broadcast %parallel_loop3A_440 : f32 to vector<16xf32>
        %parallel_loop3A_442 = arith.mulf %parallel_loop3A_438, %parallel_loop3A_441 : vector<16xf32>
        %parallel_loop3A_443 = arith.fptosi %parallel_loop3A_442 : vector<16xf32> to vector<16xi32>
        %parallel_loop3A_444 = arith.constant 0 : i32
        %parallel_loop3A_445 = arith.index_cast %parallel_loop3A_444 : i32 to index
        %parallel_loop3A_446 = arith.index_cast %parallel_loop3A_341 : i32 to index
        %parallel_loop3A_447 = arith.constant 48 : index
        %parallel_loop3A_448 = tpu.vector_load %arg11[%parallel_loop3A_445, %parallel_loop3A_446, %parallel_loop3A_447] {strides = array<i32>} : memref<4x125x80xi32, #tpu.memory_space<vmem>>, vector<1x1x16xi32>,
        %parallel_loop3A_449 = vector.shape_cast %parallel_loop3A_448 : vector<1x1x16xi32> to vector<16xi32>
        %parallel_loop3A_450 = vector.shape_cast %parallel_loop3A_443 : vector<16xi32> to vector<1x1x16xi32>
        tpu.vector_store %arg11[%parallel_loop3A_445, %parallel_loop3A_446, %parallel_loop3A_447], %parallel_loop3A_450 {strides = array<i32>} : memref<4x125x80xi32, #tpu.memory_space<vmem>>, vector<1x1x16xi32>,
      } {sc.loop_unroll_factor = 5 : i64, sc.parallel_access}
      %dma_start3A_116 = arith.constant 0 : i32
      %dma_start3A_117 = arith.constant 0 : i32
      %dma_start3A_118 = arith.constant 0 : i32
      %dma_start3A_119 = tpu.memref_slice %arg11[%dma_start3A_116, %dma_start3A_117, %dma_start3A_118] : memref<4x125x80xi32, #tpu.memory_space<vmem>> -> memref<1x125x80xi32, #tpu.memory_space<vmem>>
      %dma_start3A_120 = tpu.memref_squeeze %dma_start3A_119 : memref<1x125x80xi32, #tpu.memory_space<vmem>> -> memref<125x80xi32, #tpu.memory_space<vmem>>
      %dma_start3A_121 = arith.constant 0 : i32
      %dma_start3A_122 = tpu.memref_slice %arg10[%add3A_89, %dma_start3A_121] : memref<80x125xi32, #tpu.memory_space<vmem>> -> memref<1x125xi32, #tpu.memory_space<vmem>>
      %dma_start3A_123 = tpu.memref_squeeze %dma_start3A_122 : memref<1x125xi32, #tpu.memory_space<vmem>> -> memref<125xi32, #tpu.memory_space<vmem>>
      %dma_start3A_124 = arith.constant 0 : i32
      %dma_start3A_125 = arith.constant 0 : i32
      %dma_start3A_126 = tpu.memref_slice %arg8[%dma_start3A_124, %dma_start3A_125] : memref<10240x80xi32, #tpu.memory_space<vmem_shared>> -> memref<10240x80xi32, #tpu.memory_space<vmem_shared>>
      tpu.enqueue_indirect_dma source(%dma_start3A_120 : memref<125x80xi32, #tpu.memory_space<vmem>>) target(%dma_start3A_126 : memref<10240x80xi32, #tpu.memory_space<vmem_shared>>) offsets(%dma_start3A_123 : memref<125xi32, #tpu.memory_space<vmem>>) semaphore(%arg17 : memref<!tpu.dma_semaphore, #tpu.memory_space<semaphore_mem>>) {add = true}
      %gt3A = arith.constant 0 : i32
      %gt3A_127 = arith.cmpi sgt, %scan3A_85, %gt3A : i32
      %convert_element_type3A = arith.extui %gt3A_127 : i1 to i32
      %cond3A = arith.constant 0 : i32
      %cond3A_128 = arith.cmpi ne, %convert_element_type3A, %cond3A : i32
      scf.if %cond3A_128 {
        %dma_wait3A_341 = arith.constant 2 : i32
        %dma_wait3A_342 = arith.constant 0 : i32
        %dma_wait3A_343 = arith.constant 0 : i32
        %dma_wait3A_344 = arith.constant 0 : i32
        %dma_wait3A_345 = tpu.memref_slice %arg11[%dma_wait3A_341, %dma_wait3A_343, %dma_wait3A_344] : memref<4x125x80xi32, #tpu.memory_space<vmem>> -> memref<1x125x80xi32, #tpu.memory_space<vmem>>
        %dma_wait3A_346 = tpu.memref_squeeze %dma_wait3A_345 : memref<1x125x80xi32, #tpu.memory_space<vmem>> -> memref<125x80xi32, #tpu.memory_space<vmem>>
        %dma_wait3A_347 = arith.constant 0 : i32
        %dma_wait3A_348 = tpu.memref_slice %arg10[%dma_wait3A_342, %dma_wait3A_347] : memref<80x125xi32, #tpu.memory_space<vmem>> -> memref<1x125xi32, #tpu.memory_space<vmem>>
        %dma_wait3A_349 = tpu.memref_squeeze %dma_wait3A_348 : memref<1x125xi32, #tpu.memory_space<vmem>> -> memref<125xi32, #tpu.memory_space<vmem>>
        %dma_wait3A_350 = arith.constant 0 : i32
        %dma_wait3A_351 = arith.constant 0 : i32
        %dma_wait3A_352 = tpu.memref_slice %arg8[%dma_wait3A_350, %dma_wait3A_351] : memref<10240x80xi32, #tpu.memory_space<vmem_shared>> -> memref<10240x80xi32, #tpu.memory_space<vmem_shared>>
        tpu.wait_indirect_dma semaphore(%arg19 : memref<!tpu.dma_semaphore, #tpu.memory_space<semaphore_mem>>) src(%dma_wait3A_346 : memref<125x80xi32, #tpu.memory_space<vmem>>) dst(%dma_wait3A_352 : memref<10240x80xi32, #tpu.memory_space<vmem_shared>>)
      } else {
      }
      %add3A_129 = arith.constant 2 : i32
      %add3A_130 = arith.addi %add3A_89, %add3A_129 : i32
      %dma_start3A_131 = arith.constant 2 : i32
      %dma_start3A_132 = arith.constant 0 : i32
      %dma_start3A_133 = arith.constant 0 : i32
      %dma_start3A_134 = tpu.memref_slice %arg11[%dma_start3A_131, %dma_start3A_132, %dma_start3A_133] : memref<4x125x80xi32, #tpu.memory_space<vmem>> -> memref<1x125x80xi32, #tpu.memory_space<vmem>>
      %dma_start3A_135 = tpu.memref_squeeze %dma_start3A_134 : memref<1x125x80xi32, #tpu.memory_space<vmem>> -> memref<125x80xi32, #tpu.memory_space<vmem>>
      %dma_start3A_136 = arith.constant 0 : i32
      %dma_start3A_137 = tpu.memref_slice %arg9[%add3A_130, %dma_start3A_136] : memref<80x125xi32, #tpu.memory_space<vmem>> -> memref<1x125xi32, #tpu.memory_space<vmem>>
      %dma_start3A_138 = tpu.memref_squeeze %dma_start3A_137 : memref<1x125xi32, #tpu.memory_space<vmem>> -> memref<125xi32, #tpu.memory_space<vmem>>
      %dma_start3A_139 = arith.constant 0 : i32
      %dma_start3A_140 = arith.constant 0 : i32
      %dma_start3A_141 = tpu.memref_slice %arg2[%dma_start3A_139, %dma_start3A_140] : memref<10240x80xi32, #tpu.memory_space<hbm>> -> memref<10240x80xi32, #tpu.memory_space<hbm>>
      tpu.enqueue_indirect_dma source(%dma_start3A_141 : memref<10240x80xi32, #tpu.memory_space<hbm>>) target(%dma_start3A_135 : memref<125x80xi32, #tpu.memory_space<vmem>>) offsets(%dma_start3A_138 : memref<125xi32, #tpu.memory_space<vmem>>) semaphore(%arg15 : memref<!tpu.dma_semaphore, #tpu.memory_space<semaphore_mem>>)
      %dma_start3A_142 = arith.constant 2 : i32
      %dma_start3A_143 = arith.constant 0 : i32
      %dma_start3A_144 = arith.constant 0 : i32
      %dma_start3A_145 = tpu.memref_slice %arg12[%dma_start3A_142, %dma_start3A_143, %dma_start3A_144] : memref<4x125x16xf32, #tpu.memory_space<vmem>> -> memref<1x125x16xf32, #tpu.memory_space<vmem>>
      %dma_start3A_146 = tpu.memref_squeeze %dma_start3A_145 : memref<1x125x16xf32, #tpu.memory_space<vmem>> -> memref<125x16xf32, #tpu.memory_space<vmem>>
      %dma_start3A_147 = arith.constant 0 : i32
      %dma_start3A_148 = tpu.memref_slice %arg10[%add3A_130, %dma_start3A_147] : memref<80x125xi32, #tpu.memory_space<vmem>> -> memref<1x125xi32, #tpu.memory_space<vmem>>
      %dma_start3A_149 = tpu.memref_squeeze %dma_start3A_148 : memref<1x125xi32, #tpu.memory_space<vmem>> -> memref<125xi32, #tpu.memory_space<vmem>>
      %dma_start3A_150 = arith.constant 0 : i32
      %dma_start3A_151 = arith.constant 0 : i32
      %dma_start3A_152 = tpu.memref_slice %arg3[%dma_start3A_150, %dma_start3A_151] : memref<10240x16xf32, #tpu.memory_space<hbm>> -> memref<10240x16xf32, #tpu.memory_space<hbm>>
      tpu.enqueue_indirect_dma source(%dma_start3A_152 : memref<10240x16xf32, #tpu.memory_space<hbm>>) target(%dma_start3A_146 : memref<125x16xf32, #tpu.memory_space<vmem>>) offsets(%dma_start3A_149 : memref<125xi32, #tpu.memory_space<vmem>>) semaphore(%arg15 : memref<!tpu.dma_semaphore, #tpu.memory_space<semaphore_mem>>)
      %mul3A_153 = arith.constant 4 : i32
      %mul3A_154 = arith.muli %mul3A_153, %scan3A_85 : i32
      %add3A_155 = arith.constant 1 : i32
      %add3A_156 = arith.addi %mul3A_154, %add3A_155 : i32
      %dma_wait3A_157 = arith.constant 0 : i32
      %dma_wait3A_158 = arith.constant 1 : i32
      %dma_wait3A_159 = arith.constant 0 : i32
      %dma_wait3A_160 = arith.constant 0 : i32
      %dma_wait3A_161 = tpu.memref_slice %arg11[%dma_wait3A_158, %dma_wait3A_159, %dma_wait3A_160] : memref<4x125x80xi32, #tpu.memory_space<vmem>> -> memref<1x125x80xi32, #tpu.memory_space<vmem>>
      %dma_wait3A_162 = tpu.memref_squeeze %dma_wait3A_161 : memref<1x125x80xi32, #tpu.memory_space<vmem>> -> memref<125x80xi32, #tpu.memory_space<vmem>>
      %dma_wait3A_163 = arith.constant 0 : i32
      %dma_wait3A_164 = tpu.memref_slice %arg9[%dma_wait3A_157, %dma_wait3A_163] : memref<80x125xi32, #tpu.memory_space<vmem>> -> memref<1x125xi32, #tpu.memory_space<vmem>>
      %dma_wait3A_165 = tpu.memref_squeeze %dma_wait3A_164 : memref<1x125xi32, #tpu.memory_space<vmem>> -> memref<125xi32, #tpu.memory_space<vmem>>
      %dma_wait3A_166 = arith.constant 0 : i32
      %dma_wait3A_167 = arith.constant 0 : i32
      %dma_wait3A_168 = tpu.memref_slice %arg2[%dma_wait3A_166, %dma_wait3A_167] : memref<10240x80xi32, #tpu.memory_space<hbm>> -> memref<10240x80xi32, #tpu.memory_space<hbm>>
      tpu.wait_indirect_dma semaphore(%arg14 : memref<!tpu.dma_semaphore, #tpu.memory_space<semaphore_mem>>) src(%dma_wait3A_168 : memref<10240x80xi32, #tpu.memory_space<hbm>>) dst(%dma_wait3A_162 : memref<125x80xi32, #tpu.memory_space<vmem>>)
      %dma_wait3A_169 = arith.constant 0 : i32
      %dma_wait3A_170 = arith.constant 1 : i32
      %dma_wait3A_171 = arith.constant 0 : i32
      %dma_wait3A_172 = arith.constant 0 : i32
      %dma_wait3A_173 = tpu.memref_slice %arg12[%dma_wait3A_170, %dma_wait3A_171, %dma_wait3A_172] : memref<4x125x16xf32, #tpu.memory_space<vmem>> -> memref<1x125x16xf32, #tpu.memory_space<vmem>>
      %dma_wait3A_174 = tpu.memref_squeeze %dma_wait3A_173 : memref<1x125x16xf32, #tpu.memory_space<vmem>> -> memref<125x16xf32, #tpu.memory_space<vmem>>
      %dma_wait3A_175 = arith.constant 0 : i32
      %dma_wait3A_176 = tpu.memref_slice %arg10[%dma_wait3A_169, %dma_wait3A_175] : memref<80x125xi32, #tpu.memory_space<vmem>> -> memref<1x125xi32, #tpu.memory_space<vmem>>
      %dma_wait3A_177 = tpu.memref_squeeze %dma_wait3A_176 : memref<1x125xi32, #tpu.memory_space<vmem>> -> memref<125xi32, #tpu.memory_space<vmem>>
      %dma_wait3A_178 = arith.constant 0 : i32
      %dma_wait3A_179 = arith.constant 0 : i32
      %dma_wait3A_180 = tpu.memref_slice %arg3[%dma_wait3A_178, %dma_wait3A_179] : memref<10240x16xf32, #tpu.memory_space<hbm>> -> memref<10240x16xf32, #tpu.memory_space<hbm>>
      tpu.wait_indirect_dma semaphore(%arg14 : memref<!tpu.dma_semaphore, #tpu.memory_space<semaphore_mem>>) src(%dma_wait3A_180 : memref<10240x16xf32, #tpu.memory_space<hbm>>) dst(%dma_wait3A_174 : memref<125x16xf32, #tpu.memory_space<vmem>>)
      %parallel_loop3A_181 = arith.constant 0 : i32
      %parallel_loop3A_182 = arith.constant 125 : i32
      %parallel_loop3A_183 = arith.constant 1 : i32
      scf.for %parallel_loop3A_341 = %parallel_loop3A_181 to %parallel_loop3A_182 step %parallel_loop3A_183  : i32 {
        %parallel_loop3A_342 = arith.constant 1 : i32
        %parallel_loop3A_343 = arith.index_cast %parallel_loop3A_342 : i32 to index
        %parallel_loop3A_344 = arith.index_cast %parallel_loop3A_341 : i32 to index
        %parallel_loop3A_345 = arith.constant 64 : index
        %parallel_loop3A_346 = tpu.vector_load %arg11[%parallel_loop3A_343, %parallel_loop3A_344, %parallel_loop3A_345] {strides = array<i32>} : memref<4x125x80xi32, #tpu.memory_space<vmem>>, vector<1x1x16xi32>,
        %parallel_loop3A_347 = vector.shape_cast %parallel_loop3A_346 : vector<1x1x16xi32> to vector<16xi32>
        %parallel_loop3A_348 = arith.sitofp %parallel_loop3A_347 : vector<16xi32> to vector<16xf32>
        %parallel_loop3A_349 = arith.constant 3.05175781E-5 : f32
        %parallel_loop3A_350 = vector.broadcast %parallel_loop3A_349 : f32 to vector<16xf32>
        %parallel_loop3A_351 = arith.mulf %parallel_loop3A_348, %parallel_loop3A_350 : vector<16xf32>
        %parallel_loop3A_352 = arith.constant 1 : i32
        %parallel_loop3A_353 = arith.index_cast %parallel_loop3A_352 : i32 to index
        %parallel_loop3A_354 = arith.index_cast %parallel_loop3A_341 : i32 to index
        %parallel_loop3A_355 = arith.constant 0 : index
        %parallel_loop3A_356 = tpu.vector_load %arg12[%parallel_loop3A_353, %parallel_loop3A_354, %parallel_loop3A_355] {strides = array<i32>} : memref<4x125x16xf32, #tpu.memory_space<vmem>>, vector<1x1x16xf32>,
        %parallel_loop3A_357 = vector.shape_cast %parallel_loop3A_356 : vector<1x1x16xf32> to vector<16xf32>
        %parallel_loop3A_358 = arith.addf %parallel_loop3A_351, %parallel_loop3A_357 : vector<16xf32>
        %parallel_loop3A_359 = arith.constant 2.000000e-01 : f32
        %parallel_loop3A_360 = vector.broadcast %parallel_loop3A_359 : f32 to vector<16xf32>
        %parallel_loop3A_361 = arith.mulf %parallel_loop3A_360, %parallel_loop3A_358 : vector<16xf32>
        %parallel_loop3A_362 = arith.maximumf %parallel_loop3A_358, %parallel_loop3A_361 : vector<16xf32>
        %parallel_loop3A_363 = math.exp %parallel_loop3A_362 : vector<16xf32>
        %parallel_loop3A_364 = arith.constant 3.276800e+04 : f32
        %parallel_loop3A_365 = vector.broadcast %parallel_loop3A_364 : f32 to vector<16xf32>
        %parallel_loop3A_366 = arith.mulf %parallel_loop3A_363, %parallel_loop3A_365 : vector<16xf32>
        %parallel_loop3A_367 = arith.fptosi %parallel_loop3A_366 : vector<16xf32> to vector<16xi32>
        %parallel_loop3A_368 = arith.constant 1 : i32
        %parallel_loop3A_369 = arith.index_cast %parallel_loop3A_368 : i32 to index
        %parallel_loop3A_370 = arith.index_cast %parallel_loop3A_341 : i32 to index
        %parallel_loop3A_371 = arith.constant 64 : index
        %parallel_loop3A_372 = tpu.vector_load %arg11[%parallel_loop3A_369, %parallel_loop3A_370, %parallel_loop3A_371] {strides = array<i32>} : memref<4x125x80xi32, #tpu.memory_space<vmem>>, vector<1x1x16xi32>,
        %parallel_loop3A_373 = vector.shape_cast %parallel_loop3A_372 : vector<1x1x16xi32> to vector<16xi32>
        %parallel_loop3A_374 = vector.shape_cast %parallel_loop3A_367 : vector<16xi32> to vector<1x1x16xi32>
        tpu.vector_store %arg11[%parallel_loop3A_369, %parallel_loop3A_370, %parallel_loop3A_371], %parallel_loop3A_374 {strides = array<i32>} : memref<4x125x80xi32, #tpu.memory_space<vmem>>, vector<1x1x16xi32>,
        %parallel_loop3A_375 = arith.constant 1 : i32
        %parallel_loop3A_376 = arith.index_cast %parallel_loop3A_375 : i32 to index
        %parallel_loop3A_377 = arith.index_cast %parallel_loop3A_341 : i32 to index
        %parallel_loop3A_378 = arith.constant 0 : index
        %parallel_loop3A_379 = tpu.vector_load %arg11[%parallel_loop3A_376, %parallel_loop3A_377, %parallel_loop3A_378] {strides = array<i32>} : memref<4x125x80xi32, #tpu.memory_space<vmem>>, vector<1x1x16xi32>,
        %parallel_loop3A_380 = vector.shape_cast %parallel_loop3A_379 : vector<1x1x16xi32> to vector<16xi32>
        %parallel_loop3A_381 = arith.sitofp %parallel_loop3A_380 : vector<16xi32> to vector<16xf32>
        %parallel_loop3A_382 = vector.extract_strided_slice %parallel_loop3A_363 {offsets = [0], sizes = [1], strides = [1]} : vector<16xf32> to vector<1xf32>
        %parallel_loop3A_383 = vector.extract %parallel_loop3A_382[0] : f32 from vector<1xf32>
        %parallel_loop3A_384 = vector.broadcast %parallel_loop3A_383 : f32 to vector<16xf32>
        %parallel_loop3A_385 = arith.mulf %parallel_loop3A_381, %parallel_loop3A_384 : vector<16xf32>
        %parallel_loop3A_386 = arith.fptosi %parallel_loop3A_385 : vector<16xf32> to vector<16xi32>
        %parallel_loop3A_387 = arith.constant 1 : i32
        %parallel_loop3A_388 = arith.index_cast %parallel_loop3A_387 : i32 to index
        %parallel_loop3A_389 = arith.index_cast %parallel_loop3A_341 : i32 to index
        %parallel_loop3A_390 = arith.constant 0 : index
        %parallel_loop3A_391 = tpu.vector_load %arg11[%parallel_loop3A_388, %parallel_loop3A_389, %parallel_loop3A_390] {strides = array<i32>} : memref<4x125x80xi32, #tpu.memory_space<vmem>>, vector<1x1x16xi32>,
        %parallel_loop3A_392 = vector.shape_cast %parallel_loop3A_391 : vector<1x1x16xi32> to vector<16xi32>
        %parallel_loop3A_393 = vector.shape_cast %parallel_loop3A_386 : vector<16xi32> to vector<1x1x16xi32>
        tpu.vector_store %arg11[%parallel_loop3A_388, %parallel_loop3A_389, %parallel_loop3A_390], %parallel_loop3A_393 {strides = array<i32>} : memref<4x125x80xi32, #tpu.memory_space<vmem>>, vector<1x1x16xi32>,
        %parallel_loop3A_394 = arith.constant 1 : i32
        %parallel_loop3A_395 = arith.index_cast %parallel_loop3A_394 : i32 to index
        %parallel_loop3A_396 = arith.index_cast %parallel_loop3A_341 : i32 to index
        %parallel_loop3A_397 = arith.constant 16 : index
        %parallel_loop3A_398 = tpu.vector_load %arg11[%parallel_loop3A_395, %parallel_loop3A_396, %parallel_loop3A_397] {strides = array<i32>} : memref<4x125x80xi32, #tpu.memory_space<vmem>>, vector<1x1x16xi32>,
        %parallel_loop3A_399 = vector.shape_cast %parallel_loop3A_398 : vector<1x1x16xi32> to vector<16xi32>
        %parallel_loop3A_400 = arith.sitofp %parallel_loop3A_399 : vector<16xi32> to vector<16xf32>
        %parallel_loop3A_401 = vector.extract_strided_slice %parallel_loop3A_363 {offsets = [1], sizes = [1], strides = [1]} : vector<16xf32> to vector<1xf32>
        %parallel_loop3A_402 = vector.extract %parallel_loop3A_401[0] : f32 from vector<1xf32>
        %parallel_loop3A_403 = vector.broadcast %parallel_loop3A_402 : f32 to vector<16xf32>
        %parallel_loop3A_404 = arith.mulf %parallel_loop3A_400, %parallel_loop3A_403 : vector<16xf32>
        %parallel_loop3A_405 = arith.fptosi %parallel_loop3A_404 : vector<16xf32> to vector<16xi32>
        %parallel_loop3A_406 = arith.constant 1 : i32
        %parallel_loop3A_407 = arith.index_cast %parallel_loop3A_406 : i32 to index
        %parallel_loop3A_408 = arith.index_cast %parallel_loop3A_341 : i32 to index
        %parallel_loop3A_409 = arith.constant 16 : index
        %parallel_loop3A_410 = tpu.vector_load %arg11[%parallel_loop3A_407, %parallel_loop3A_408, %parallel_loop3A_409] {strides = array<i32>} : memref<4x125x80xi32, #tpu.memory_space<vmem>>, vector<1x1x16xi32>,
        %parallel_loop3A_411 = vector.shape_cast %parallel_loop3A_410 : vector<1x1x16xi32> to vector<16xi32>
        %parallel_loop3A_412 = vector.shape_cast %parallel_loop3A_405 : vector<16xi32> to vector<1x1x16xi32>
        tpu.vector_store %arg11[%parallel_loop3A_407, %parallel_loop3A_408, %parallel_loop3A_409], %parallel_loop3A_412 {strides = array<i32>} : memref<4x125x80xi32, #tpu.memory_space<vmem>>, vector<1x1x16xi32>,
        %parallel_loop3A_413 = arith.constant 1 : i32
        %parallel_loop3A_414 = arith.index_cast %parallel_loop3A_413 : i32 to index
        %parallel_loop3A_415 = arith.index_cast %parallel_loop3A_341 : i32 to index
        %parallel_loop3A_416 = arith.constant 32 : index
        %parallel_loop3A_417 = tpu.vector_load %arg11[%parallel_loop3A_414, %parallel_loop3A_415, %parallel_loop3A_416] {strides = array<i32>} : memref<4x125x80xi32, #tpu.memory_space<vmem>>, vector<1x1x16xi32>,
        %parallel_loop3A_418 = vector.shape_cast %parallel_loop3A_417 : vector<1x1x16xi32> to vector<16xi32>
        %parallel_loop3A_419 = arith.sitofp %parallel_loop3A_418 : vector<16xi32> to vector<16xf32>
        %parallel_loop3A_420 = vector.extract_strided_slice %parallel_loop3A_363 {offsets = [2], sizes = [1], strides = [1]} : vector<16xf32> to vector<1xf32>
        %parallel_loop3A_421 = vector.extract %parallel_loop3A_420[0] : f32 from vector<1xf32>
        %parallel_loop3A_422 = vector.broadcast %parallel_loop3A_421 : f32 to vector<16xf32>
        %parallel_loop3A_423 = arith.mulf %parallel_loop3A_419, %parallel_loop3A_422 : vector<16xf32>
        %parallel_loop3A_424 = arith.fptosi %parallel_loop3A_423 : vector<16xf32> to vector<16xi32>
        %parallel_loop3A_425 = arith.constant 1 : i32
        %parallel_loop3A_426 = arith.index_cast %parallel_loop3A_425 : i32 to index
        %parallel_loop3A_427 = arith.index_cast %parallel_loop3A_341 : i32 to index
        %parallel_loop3A_428 = arith.constant 32 : index
        %parallel_loop3A_429 = tpu.vector_load %arg11[%parallel_loop3A_426, %parallel_loop3A_427, %parallel_loop3A_428] {strides = array<i32>} : memref<4x125x80xi32, #tpu.memory_space<vmem>>, vector<1x1x16xi32>,
        %parallel_loop3A_430 = vector.shape_cast %parallel_loop3A_429 : vector<1x1x16xi32> to vector<16xi32>
        %parallel_loop3A_431 = vector.shape_cast %parallel_loop3A_424 : vector<16xi32> to vector<1x1x16xi32>
        tpu.vector_store %arg11[%parallel_loop3A_426, %parallel_loop3A_427, %parallel_loop3A_428], %parallel_loop3A_431 {strides = array<i32>} : memref<4x125x80xi32, #tpu.memory_space<vmem>>, vector<1x1x16xi32>,
        %parallel_loop3A_432 = arith.constant 1 : i32
        %parallel_loop3A_433 = arith.index_cast %parallel_loop3A_432 : i32 to index
        %parallel_loop3A_434 = arith.index_cast %parallel_loop3A_341 : i32 to index
        %parallel_loop3A_435 = arith.constant 48 : index
        %parallel_loop3A_436 = tpu.vector_load %arg11[%parallel_loop3A_433, %parallel_loop3A_434, %parallel_loop3A_435] {strides = array<i32>} : memref<4x125x80xi32, #tpu.memory_space<vmem>>, vector<1x1x16xi32>,
        %parallel_loop3A_437 = vector.shape_cast %parallel_loop3A_436 : vector<1x1x16xi32> to vector<16xi32>
        %parallel_loop3A_438 = arith.sitofp %parallel_loop3A_437 : vector<16xi32> to vector<16xf32>
        %parallel_loop3A_439 = vector.extract_strided_slice %parallel_loop3A_363 {offsets = [3], sizes = [1], strides = [1]} : vector<16xf32> to vector<1xf32>
        %parallel_loop3A_440 = vector.extract %parallel_loop3A_439[0] : f32 from vector<1xf32>
        %parallel_loop3A_441 = vector.broadcast %parallel_loop3A_440 : f32 to vector<16xf32>
        %parallel_loop3A_442 = arith.mulf %parallel_loop3A_438, %parallel_loop3A_441 : vector<16xf32>
        %parallel_loop3A_443 = arith.fptosi %parallel_loop3A_442 : vector<16xf32> to vector<16xi32>
        %parallel_loop3A_444 = arith.constant 1 : i32
        %parallel_loop3A_445 = arith.index_cast %parallel_loop3A_444 : i32 to index
        %parallel_loop3A_446 = arith.index_cast %parallel_loop3A_341 : i32 to index
        %parallel_loop3A_447 = arith.constant 48 : index
        %parallel_loop3A_448 = tpu.vector_load %arg11[%parallel_loop3A_445, %parallel_loop3A_446, %parallel_loop3A_447] {strides = array<i32>} : memref<4x125x80xi32, #tpu.memory_space<vmem>>, vector<1x1x16xi32>,
        %parallel_loop3A_449 = vector.shape_cast %parallel_loop3A_448 : vector<1x1x16xi32> to vector<16xi32>
        %parallel_loop3A_450 = vector.shape_cast %parallel_loop3A_443 : vector<16xi32> to vector<1x1x16xi32>
        tpu.vector_store %arg11[%parallel_loop3A_445, %parallel_loop3A_446, %parallel_loop3A_447], %parallel_loop3A_450 {strides = array<i32>} : memref<4x125x80xi32, #tpu.memory_space<vmem>>, vector<1x1x16xi32>,
      } {sc.loop_unroll_factor = 5 : i64, sc.parallel_access}
      %dma_start3A_184 = arith.constant 1 : i32
      %dma_start3A_185 = arith.constant 0 : i32
      %dma_start3A_186 = arith.constant 0 : i32
      %dma_start3A_187 = tpu.memref_slice %arg11[%dma_start3A_184, %dma_start3A_185, %dma_start3A_186] : memref<4x125x80xi32, #tpu.memory_space<vmem>> -> memref<1x125x80xi32, #tpu.memory_space<vmem>>
      %dma_start3A_188 = tpu.memref_squeeze %dma_start3A_187 : memref<1x125x80xi32, #tpu.memory_space<vmem>> -> memref<125x80xi32, #tpu.memory_space<vmem>>
      %dma_start3A_189 = arith.constant 0 : i32
      %dma_start3A_190 = tpu.memref_slice %arg10[%add3A_156, %dma_start3A_189] : memref<80x125xi32, #tpu.memory_space<vmem>> -> memref<1x125xi32, #tpu.memory_space<vmem>>
      %dma_start3A_191 = tpu.memref_squeeze %dma_start3A_190 : memref<1x125xi32, #tpu.memory_space<vmem>> -> memref<125xi32, #tpu.memory_space<vmem>>
      %dma_start3A_192 = arith.constant 0 : i32
      %dma_start3A_193 = arith.constant 0 : i32
      %dma_start3A_194 = tpu.memref_slice %arg8[%dma_start3A_192, %dma_start3A_193] : memref<10240x80xi32, #tpu.memory_space<vmem_shared>> -> memref<10240x80xi32, #tpu.memory_space<vmem_shared>>
      tpu.enqueue_indirect_dma source(%dma_start3A_188 : memref<125x80xi32, #tpu.memory_space<vmem>>) target(%dma_start3A_194 : memref<10240x80xi32, #tpu.memory_space<vmem_shared>>) offsets(%dma_start3A_191 : memref<125xi32, #tpu.memory_space<vmem>>) semaphore(%arg18 : memref<!tpu.dma_semaphore, #tpu.memory_space<semaphore_mem>>) {add = true}
      %gt3A_195 = arith.constant 0 : i32
      %gt3A_196 = arith.cmpi sgt, %scan3A_85, %gt3A_195 : i32
      %convert_element_type3A_197 = arith.extui %gt3A_196 : i1 to i32
      %cond3A_198 = arith.constant 0 : i32
      %cond3A_199 = arith.cmpi ne, %convert_element_type3A_197, %cond3A_198 : i32
      scf.if %cond3A_199 {
        %dma_wait3A_341 = arith.constant 3 : i32
        %dma_wait3A_342 = arith.constant 0 : i32
        %dma_wait3A_343 = arith.constant 0 : i32
        %dma_wait3A_344 = arith.constant 0 : i32
        %dma_wait3A_345 = tpu.memref_slice %arg11[%dma_wait3A_341, %dma_wait3A_343, %dma_wait3A_344] : memref<4x125x80xi32, #tpu.memory_space<vmem>> -> memref<1x125x80xi32, #tpu.memory_space<vmem>>
        %dma_wait3A_346 = tpu.memref_squeeze %dma_wait3A_345 : memref<1x125x80xi32, #tpu.memory_space<vmem>> -> memref<125x80xi32, #tpu.memory_space<vmem>>
        %dma_wait3A_347 = arith.constant 0 : i32
        %dma_wait3A_348 = tpu.memref_slice %arg10[%dma_wait3A_342, %dma_wait3A_347] : memref<80x125xi32, #tpu.memory_space<vmem>> -> memref<1x125xi32, #tpu.memory_space<vmem>>
        %dma_wait3A_349 = tpu.memref_squeeze %dma_wait3A_348 : memref<1x125xi32, #tpu.memory_space<vmem>> -> memref<125xi32, #tpu.memory_space<vmem>>
        %dma_wait3A_350 = arith.constant 0 : i32
        %dma_wait3A_351 = arith.constant 0 : i32
        %dma_wait3A_352 = tpu.memref_slice %arg8[%dma_wait3A_350, %dma_wait3A_351] : memref<10240x80xi32, #tpu.memory_space<vmem_shared>> -> memref<10240x80xi32, #tpu.memory_space<vmem_shared>>
        tpu.wait_indirect_dma semaphore(%arg20 : memref<!tpu.dma_semaphore, #tpu.memory_space<semaphore_mem>>) src(%dma_wait3A_346 : memref<125x80xi32, #tpu.memory_space<vmem>>) dst(%dma_wait3A_352 : memref<10240x80xi32, #tpu.memory_space<vmem_shared>>)
      } else {
      }
      %add3A_200 = arith.constant 2 : i32
      %add3A_201 = arith.addi %add3A_156, %add3A_200 : i32
      %dma_start3A_202 = arith.constant 3 : i32
      %dma_start3A_203 = arith.constant 0 : i32
      %dma_start3A_204 = arith.constant 0 : i32
      %dma_start3A_205 = tpu.memref_slice %arg11[%dma_start3A_202, %dma_start3A_203, %dma_start3A_204] : memref<4x125x80xi32, #tpu.memory_space<vmem>> -> memref<1x125x80xi32, #tpu.memory_space<vmem>>
      %dma_start3A_206 = tpu.memref_squeeze %dma_start3A_205 : memref<1x125x80xi32, #tpu.memory_space<vmem>> -> memref<125x80xi32, #tpu.memory_space<vmem>>
      %dma_start3A_207 = arith.constant 0 : i32
      %dma_start3A_208 = tpu.memref_slice %arg9[%add3A_201, %dma_start3A_207] : memref<80x125xi32, #tpu.memory_space<vmem>> -> memref<1x125xi32, #tpu.memory_space<vmem>>
      %dma_start3A_209 = tpu.memref_squeeze %dma_start3A_208 : memref<1x125xi32, #tpu.memory_space<vmem>> -> memref<125xi32, #tpu.memory_space<vmem>>
      %dma_start3A_210 = arith.constant 0 : i32
      %dma_start3A_211 = arith.constant 0 : i32
      %dma_start3A_212 = tpu.memref_slice %arg2[%dma_start3A_210, %dma_start3A_211] : memref<10240x80xi32, #tpu.memory_space<hbm>> -> memref<10240x80xi32, #tpu.memory_space<hbm>>
      tpu.enqueue_indirect_dma source(%dma_start3A_212 : memref<10240x80xi32, #tpu.memory_space<hbm>>) target(%dma_start3A_206 : memref<125x80xi32, #tpu.memory_space<vmem>>) offsets(%dma_start3A_209 : memref<125xi32, #tpu.memory_space<vmem>>) semaphore(%arg16 : memref<!tpu.dma_semaphore, #tpu.memory_space<semaphore_mem>>)
      %dma_start3A_213 = arith.constant 3 : i32
      %dma_start3A_214 = arith.constant 0 : i32
      %dma_start3A_215 = arith.constant 0 : i32
      %dma_start3A_216 = tpu.memref_slice %arg12[%dma_start3A_213, %dma_start3A_214, %dma_start3A_215] : memref<4x125x16xf32, #tpu.memory_space<vmem>> -> memref<1x125x16xf32, #tpu.memory_space<vmem>>
      %dma_start3A_217 = tpu.memref_squeeze %dma_start3A_216 : memref<1x125x16xf32, #tpu.memory_space<vmem>> -> memref<125x16xf32, #tpu.memory_space<vmem>>
      %dma_start3A_218 = arith.constant 0 : i32
      %dma_start3A_219 = tpu.memref_slice %arg10[%add3A_201, %dma_start3A_218] : memref<80x125xi32, #tpu.memory_space<vmem>> -> memref<1x125xi32, #tpu.memory_space<vmem>>
      %dma_start3A_220 = tpu.memref_squeeze %dma_start3A_219 : memref<1x125xi32, #tpu.memory_space<vmem>> -> memref<125xi32, #tpu.memory_space<vmem>>
      %dma_start3A_221 = arith.constant 0 : i32
      %dma_start3A_222 = arith.constant 0 : i32
      %dma_start3A_223 = tpu.memref_slice %arg3[%dma_start3A_221, %dma_start3A_222] : memref<10240x16xf32, #tpu.memory_space<hbm>> -> memref<10240x16xf32, #tpu.memory_space<hbm>>
      tpu.enqueue_indirect_dma source(%dma_start3A_223 : memref<10240x16xf32, #tpu.memory_space<hbm>>) target(%dma_start3A_217 : memref<125x16xf32, #tpu.memory_space<vmem>>) offsets(%dma_start3A_220 : memref<125xi32, #tpu.memory_space<vmem>>) semaphore(%arg16 : memref<!tpu.dma_semaphore, #tpu.memory_space<semaphore_mem>>)
      %mul3A_224 = arith.constant 4 : i32
      %mul3A_225 = arith.muli %mul3A_224, %scan3A_85 : i32
      %add3A_226 = arith.constant 2 : i32
      %add3A_227 = arith.addi %mul3A_225, %add3A_226 : i32
      %dma_wait3A_228 = arith.constant 0 : i32
      %dma_wait3A_229 = arith.constant 2 : i32
      %dma_wait3A_230 = arith.constant 0 : i32
      %dma_wait3A_231 = arith.constant 0 : i32
      %dma_wait3A_232 = tpu.memref_slice %arg11[%dma_wait3A_229, %dma_wait3A_230, %dma_wait3A_231] : memref<4x125x80xi32, #tpu.memory_space<vmem>> -> memref<1x125x80xi32, #tpu.memory_space<vmem>>
      %dma_wait3A_233 = tpu.memref_squeeze %dma_wait3A_232 : memref<1x125x80xi32, #tpu.memory_space<vmem>> -> memref<125x80xi32, #tpu.memory_space<vmem>>
      %dma_wait3A_234 = arith.constant 0 : i32
      %dma_wait3A_235 = tpu.memref_slice %arg9[%dma_wait3A_228, %dma_wait3A_234] : memref<80x125xi32, #tpu.memory_space<vmem>> -> memref<1x125xi32, #tpu.memory_space<vmem>>
      %dma_wait3A_236 = tpu.memref_squeeze %dma_wait3A_235 : memref<1x125xi32, #tpu.memory_space<vmem>> -> memref<125xi32, #tpu.memory_space<vmem>>
      %dma_wait3A_237 = arith.constant 0 : i32
      %dma_wait3A_238 = arith.constant 0 : i32
      %dma_wait3A_239 = tpu.memref_slice %arg2[%dma_wait3A_237, %dma_wait3A_238] : memref<10240x80xi32, #tpu.memory_space<hbm>> -> memref<10240x80xi32, #tpu.memory_space<hbm>>
      tpu.wait_indirect_dma semaphore(%arg15 : memref<!tpu.dma_semaphore, #tpu.memory_space<semaphore_mem>>) src(%dma_wait3A_239 : memref<10240x80xi32, #tpu.memory_space<hbm>>) dst(%dma_wait3A_233 : memref<125x80xi32, #tpu.memory_space<vmem>>)
      %dma_wait3A_240 = arith.constant 0 : i32
      %dma_wait3A_241 = arith.constant 2 : i32
      %dma_wait3A_242 = arith.constant 0 : i32
      %dma_wait3A_243 = arith.constant 0 : i32
      %dma_wait3A_244 = tpu.memref_slice %arg12[%dma_wait3A_241, %dma_wait3A_242, %dma_wait3A_243] : memref<4x125x16xf32, #tpu.memory_space<vmem>> -> memref<1x125x16xf32, #tpu.memory_space<vmem>>
      %dma_wait3A_245 = tpu.memref_squeeze %dma_wait3A_244 : memref<1x125x16xf32, #tpu.memory_space<vmem>> -> memref<125x16xf32, #tpu.memory_space<vmem>>
      %dma_wait3A_246 = arith.constant 0 : i32
      %dma_wait3A_247 = tpu.memref_slice %arg10[%dma_wait3A_240, %dma_wait3A_246] : memref<80x125xi32, #tpu.memory_space<vmem>> -> memref<1x125xi32, #tpu.memory_space<vmem>>
      %dma_wait3A_248 = tpu.memref_squeeze %dma_wait3A_247 : memref<1x125xi32, #tpu.memory_space<vmem>> -> memref<125xi32, #tpu.memory_space<vmem>>
      %dma_wait3A_249 = arith.constant 0 : i32
      %dma_wait3A_250 = arith.constant 0 : i32
      %dma_wait3A_251 = tpu.memref_slice %arg3[%dma_wait3A_249, %dma_wait3A_250] : memref<10240x16xf32, #tpu.memory_space<hbm>> -> memref<10240x16xf32, #tpu.memory_space<hbm>>
      tpu.wait_indirect_dma semaphore(%arg15 : memref<!tpu.dma_semaphore, #tpu.memory_space<semaphore_mem>>) src(%dma_wait3A_251 : memref<10240x16xf32, #tpu.memory_space<hbm>>) dst(%dma_wait3A_245 : memref<125x16xf32, #tpu.memory_space<vmem>>)
      %parallel_loop3A_252 = arith.constant 0 : i32
      %parallel_loop3A_253 = arith.constant 125 : i32
      %parallel_loop3A_254 = arith.constant 1 : i32
      scf.for %parallel_loop3A_341 = %parallel_loop3A_252 to %parallel_loop3A_253 step %parallel_loop3A_254  : i32 {
        %parallel_loop3A_342 = arith.constant 2 : i32
        %parallel_loop3A_343 = arith.index_cast %parallel_loop3A_342 : i32 to index
        %parallel_loop3A_344 = arith.index_cast %parallel_loop3A_341 : i32 to index
        %parallel_loop3A_345 = arith.constant 64 : index
        %parallel_loop3A_346 = tpu.vector_load %arg11[%parallel_loop3A_343, %parallel_loop3A_344, %parallel_loop3A_345] {strides = array<i32>} : memref<4x125x80xi32, #tpu.memory_space<vmem>>, vector<1x1x16xi32>,
        %parallel_loop3A_347 = vector.shape_cast %parallel_loop3A_346 : vector<1x1x16xi32> to vector<16xi32>
        %parallel_loop3A_348 = arith.sitofp %parallel_loop3A_347 : vector<16xi32> to vector<16xf32>
        %parallel_loop3A_349 = arith.constant 3.05175781E-5 : f32
        %parallel_loop3A_350 = vector.broadcast %parallel_loop3A_349 : f32 to vector<16xf32>
        %parallel_loop3A_351 = arith.mulf %parallel_loop3A_348, %parallel_loop3A_350 : vector<16xf32>
        %parallel_loop3A_352 = arith.constant 2 : i32
        %parallel_loop3A_353 = arith.index_cast %parallel_loop3A_352 : i32 to index
        %parallel_loop3A_354 = arith.index_cast %parallel_loop3A_341 : i32 to index
        %parallel_loop3A_355 = arith.constant 0 : index
        %parallel_loop3A_356 = tpu.vector_load %arg12[%parallel_loop3A_353, %parallel_loop3A_354, %parallel_loop3A_355] {strides = array<i32>} : memref<4x125x16xf32, #tpu.memory_space<vmem>>, vector<1x1x16xf32>,
        %parallel_loop3A_357 = vector.shape_cast %parallel_loop3A_356 : vector<1x1x16xf32> to vector<16xf32>
        %parallel_loop3A_358 = arith.addf %parallel_loop3A_351, %parallel_loop3A_357 : vector<16xf32>
        %parallel_loop3A_359 = arith.constant 2.000000e-01 : f32
        %parallel_loop3A_360 = vector.broadcast %parallel_loop3A_359 : f32 to vector<16xf32>
        %parallel_loop3A_361 = arith.mulf %parallel_loop3A_360, %parallel_loop3A_358 : vector<16xf32>
        %parallel_loop3A_362 = arith.maximumf %parallel_loop3A_358, %parallel_loop3A_361 : vector<16xf32>
        %parallel_loop3A_363 = math.exp %parallel_loop3A_362 : vector<16xf32>
        %parallel_loop3A_364 = arith.constant 3.276800e+04 : f32
        %parallel_loop3A_365 = vector.broadcast %parallel_loop3A_364 : f32 to vector<16xf32>
        %parallel_loop3A_366 = arith.mulf %parallel_loop3A_363, %parallel_loop3A_365 : vector<16xf32>
        %parallel_loop3A_367 = arith.fptosi %parallel_loop3A_366 : vector<16xf32> to vector<16xi32>
        %parallel_loop3A_368 = arith.constant 2 : i32
        %parallel_loop3A_369 = arith.index_cast %parallel_loop3A_368 : i32 to index
        %parallel_loop3A_370 = arith.index_cast %parallel_loop3A_341 : i32 to index
        %parallel_loop3A_371 = arith.constant 64 : index
        %parallel_loop3A_372 = tpu.vector_load %arg11[%parallel_loop3A_369, %parallel_loop3A_370, %parallel_loop3A_371] {strides = array<i32>} : memref<4x125x80xi32, #tpu.memory_space<vmem>>, vector<1x1x16xi32>,
        %parallel_loop3A_373 = vector.shape_cast %parallel_loop3A_372 : vector<1x1x16xi32> to vector<16xi32>
        %parallel_loop3A_374 = vector.shape_cast %parallel_loop3A_367 : vector<16xi32> to vector<1x1x16xi32>
        tpu.vector_store %arg11[%parallel_loop3A_369, %parallel_loop3A_370, %parallel_loop3A_371], %parallel_loop3A_374 {strides = array<i32>} : memref<4x125x80xi32, #tpu.memory_space<vmem>>, vector<1x1x16xi32>,
        %parallel_loop3A_375 = arith.constant 2 : i32
        %parallel_loop3A_376 = arith.index_cast %parallel_loop3A_375 : i32 to index
        %parallel_loop3A_377 = arith.index_cast %parallel_loop3A_341 : i32 to index
        %parallel_loop3A_378 = arith.constant 0 : index
        %parallel_loop3A_379 = tpu.vector_load %arg11[%parallel_loop3A_376, %parallel_loop3A_377, %parallel_loop3A_378] {strides = array<i32>} : memref<4x125x80xi32, #tpu.memory_space<vmem>>, vector<1x1x16xi32>,
        %parallel_loop3A_380 = vector.shape_cast %parallel_loop3A_379 : vector<1x1x16xi32> to vector<16xi32>
        %parallel_loop3A_381 = arith.sitofp %parallel_loop3A_380 : vector<16xi32> to vector<16xf32>
        %parallel_loop3A_382 = vector.extract_strided_slice %parallel_loop3A_363 {offsets = [0], sizes = [1], strides = [1]} : vector<16xf32> to vector<1xf32>
        %parallel_loop3A_383 = vector.extract %parallel_loop3A_382[0] : f32 from vector<1xf32>
        %parallel_loop3A_384 = vector.broadcast %parallel_loop3A_383 : f32 to vector<16xf32>
        %parallel_loop3A_385 = arith.mulf %parallel_loop3A_381, %parallel_loop3A_384 : vector<16xf32>
        %parallel_loop3A_386 = arith.fptosi %parallel_loop3A_385 : vector<16xf32> to vector<16xi32>
        %parallel_loop3A_387 = arith.constant 2 : i32
        %parallel_loop3A_388 = arith.index_cast %parallel_loop3A_387 : i32 to index
        %parallel_loop3A_389 = arith.index_cast %parallel_loop3A_341 : i32 to index
        %parallel_loop3A_390 = arith.constant 0 : index
        %parallel_loop3A_391 = tpu.vector_load %arg11[%parallel_loop3A_388, %parallel_loop3A_389, %parallel_loop3A_390] {strides = array<i32>} : memref<4x125x80xi32, #tpu.memory_space<vmem>>, vector<1x1x16xi32>,
        %parallel_loop3A_392 = vector.shape_cast %parallel_loop3A_391 : vector<1x1x16xi32> to vector<16xi32>
        %parallel_loop3A_393 = vector.shape_cast %parallel_loop3A_386 : vector<16xi32> to vector<1x1x16xi32>
        tpu.vector_store %arg11[%parallel_loop3A_388, %parallel_loop3A_389, %parallel_loop3A_390], %parallel_loop3A_393 {strides = array<i32>} : memref<4x125x80xi32, #tpu.memory_space<vmem>>, vector<1x1x16xi32>,
        %parallel_loop3A_394 = arith.constant 2 : i32
        %parallel_loop3A_395 = arith.index_cast %parallel_loop3A_394 : i32 to index
        %parallel_loop3A_396 = arith.index_cast %parallel_loop3A_341 : i32 to index
        %parallel_loop3A_397 = arith.constant 16 : index
        %parallel_loop3A_398 = tpu.vector_load %arg11[%parallel_loop3A_395, %parallel_loop3A_396, %parallel_loop3A_397] {strides = array<i32>} : memref<4x125x80xi32, #tpu.memory_space<vmem>>, vector<1x1x16xi32>,
        %parallel_loop3A_399 = vector.shape_cast %parallel_loop3A_398 : vector<1x1x16xi32> to vector<16xi32>
        %parallel_loop3A_400 = arith.sitofp %parallel_loop3A_399 : vector<16xi32> to vector<16xf32>
        %parallel_loop3A_401 = vector.extract_strided_slice %parallel_loop3A_363 {offsets = [1], sizes = [1], strides = [1]} : vector<16xf32> to vector<1xf32>
        %parallel_loop3A_402 = vector.extract %parallel_loop3A_401[0] : f32 from vector<1xf32>
        %parallel_loop3A_403 = vector.broadcast %parallel_loop3A_402 : f32 to vector<16xf32>
        %parallel_loop3A_404 = arith.mulf %parallel_loop3A_400, %parallel_loop3A_403 : vector<16xf32>
        %parallel_loop3A_405 = arith.fptosi %parallel_loop3A_404 : vector<16xf32> to vector<16xi32>
        %parallel_loop3A_406 = arith.constant 2 : i32
        %parallel_loop3A_407 = arith.index_cast %parallel_loop3A_406 : i32 to index
        %parallel_loop3A_408 = arith.index_cast %parallel_loop3A_341 : i32 to index
        %parallel_loop3A_409 = arith.constant 16 : index
        %parallel_loop3A_410 = tpu.vector_load %arg11[%parallel_loop3A_407, %parallel_loop3A_408, %parallel_loop3A_409] {strides = array<i32>} : memref<4x125x80xi32, #tpu.memory_space<vmem>>, vector<1x1x16xi32>,
        %parallel_loop3A_411 = vector.shape_cast %parallel_loop3A_410 : vector<1x1x16xi32> to vector<16xi32>
        %parallel_loop3A_412 = vector.shape_cast %parallel_loop3A_405 : vector<16xi32> to vector<1x1x16xi32>
        tpu.vector_store %arg11[%parallel_loop3A_407, %parallel_loop3A_408, %parallel_loop3A_409], %parallel_loop3A_412 {strides = array<i32>} : memref<4x125x80xi32, #tpu.memory_space<vmem>>, vector<1x1x16xi32>,
        %parallel_loop3A_413 = arith.constant 2 : i32
        %parallel_loop3A_414 = arith.index_cast %parallel_loop3A_413 : i32 to index
        %parallel_loop3A_415 = arith.index_cast %parallel_loop3A_341 : i32 to index
        %parallel_loop3A_416 = arith.constant 32 : index
        %parallel_loop3A_417 = tpu.vector_load %arg11[%parallel_loop3A_414, %parallel_loop3A_415, %parallel_loop3A_416] {strides = array<i32>} : memref<4x125x80xi32, #tpu.memory_space<vmem>>, vector<1x1x16xi32>,
        %parallel_loop3A_418 = vector.shape_cast %parallel_loop3A_417 : vector<1x1x16xi32> to vector<16xi32>
        %parallel_loop3A_419 = arith.sitofp %parallel_loop3A_418 : vector<16xi32> to vector<16xf32>
        %parallel_loop3A_420 = vector.extract_strided_slice %parallel_loop3A_363 {offsets = [2], sizes = [1], strides = [1]} : vector<16xf32> to vector<1xf32>
        %parallel_loop3A_421 = vector.extract %parallel_loop3A_420[0] : f32 from vector<1xf32>
        %parallel_loop3A_422 = vector.broadcast %parallel_loop3A_421 : f32 to vector<16xf32>
        %parallel_loop3A_423 = arith.mulf %parallel_loop3A_419, %parallel_loop3A_422 : vector<16xf32>
        %parallel_loop3A_424 = arith.fptosi %parallel_loop3A_423 : vector<16xf32> to vector<16xi32>
        %parallel_loop3A_425 = arith.constant 2 : i32
        %parallel_loop3A_426 = arith.index_cast %parallel_loop3A_425 : i32 to index
        %parallel_loop3A_427 = arith.index_cast %parallel_loop3A_341 : i32 to index
        %parallel_loop3A_428 = arith.constant 32 : index
        %parallel_loop3A_429 = tpu.vector_load %arg11[%parallel_loop3A_426, %parallel_loop3A_427, %parallel_loop3A_428] {strides = array<i32>} : memref<4x125x80xi32, #tpu.memory_space<vmem>>, vector<1x1x16xi32>,
        %parallel_loop3A_430 = vector.shape_cast %parallel_loop3A_429 : vector<1x1x16xi32> to vector<16xi32>
        %parallel_loop3A_431 = vector.shape_cast %parallel_loop3A_424 : vector<16xi32> to vector<1x1x16xi32>
        tpu.vector_store %arg11[%parallel_loop3A_426, %parallel_loop3A_427, %parallel_loop3A_428], %parallel_loop3A_431 {strides = array<i32>} : memref<4x125x80xi32, #tpu.memory_space<vmem>>, vector<1x1x16xi32>,
        %parallel_loop3A_432 = arith.constant 2 : i32
        %parallel_loop3A_433 = arith.index_cast %parallel_loop3A_432 : i32 to index
        %parallel_loop3A_434 = arith.index_cast %parallel_loop3A_341 : i32 to index
        %parallel_loop3A_435 = arith.constant 48 : index
        %parallel_loop3A_436 = tpu.vector_load %arg11[%parallel_loop3A_433, %parallel_loop3A_434, %parallel_loop3A_435] {strides = array<i32>} : memref<4x125x80xi32, #tpu.memory_space<vmem>>, vector<1x1x16xi32>,
        %parallel_loop3A_437 = vector.shape_cast %parallel_loop3A_436 : vector<1x1x16xi32> to vector<16xi32>
        %parallel_loop3A_438 = arith.sitofp %parallel_loop3A_437 : vector<16xi32> to vector<16xf32>
        %parallel_loop3A_439 = vector.extract_strided_slice %parallel_loop3A_363 {offsets = [3], sizes = [1], strides = [1]} : vector<16xf32> to vector<1xf32>
        %parallel_loop3A_440 = vector.extract %parallel_loop3A_439[0] : f32 from vector<1xf32>
        %parallel_loop3A_441 = vector.broadcast %parallel_loop3A_440 : f32 to vector<16xf32>
        %parallel_loop3A_442 = arith.mulf %parallel_loop3A_438, %parallel_loop3A_441 : vector<16xf32>
        %parallel_loop3A_443 = arith.fptosi %parallel_loop3A_442 : vector<16xf32> to vector<16xi32>
        %parallel_loop3A_444 = arith.constant 2 : i32
        %parallel_loop3A_445 = arith.index_cast %parallel_loop3A_444 : i32 to index
        %parallel_loop3A_446 = arith.index_cast %parallel_loop3A_341 : i32 to index
        %parallel_loop3A_447 = arith.constant 48 : index
        %parallel_loop3A_448 = tpu.vector_load %arg11[%parallel_loop3A_445, %parallel_loop3A_446, %parallel_loop3A_447] {strides = array<i32>} : memref<4x125x80xi32, #tpu.memory_space<vmem>>, vector<1x1x16xi32>,
        %parallel_loop3A_449 = vector.shape_cast %parallel_loop3A_448 : vector<1x1x16xi32> to vector<16xi32>
        %parallel_loop3A_450 = vector.shape_cast %parallel_loop3A_443 : vector<16xi32> to vector<1x1x16xi32>
        tpu.vector_store %arg11[%parallel_loop3A_445, %parallel_loop3A_446, %parallel_loop3A_447], %parallel_loop3A_450 {strides = array<i32>} : memref<4x125x80xi32, #tpu.memory_space<vmem>>, vector<1x1x16xi32>,
      } {sc.loop_unroll_factor = 5 : i64, sc.parallel_access}
      %dma_start3A_255 = arith.constant 2 : i32
      %dma_start3A_256 = arith.constant 0 : i32
      %dma_start3A_257 = arith.constant 0 : i32
      %dma_start3A_258 = tpu.memref_slice %arg11[%dma_start3A_255, %dma_start3A_256, %dma_start3A_257] : memref<4x125x80xi32, #tpu.memory_space<vmem>> -> memref<1x125x80xi32, #tpu.memory_space<vmem>>
      %dma_start3A_259 = tpu.memref_squeeze %dma_start3A_258 : memref<1x125x80xi32, #tpu.memory_space<vmem>> -> memref<125x80xi32, #tpu.memory_space<vmem>>
      %dma_start3A_260 = arith.constant 0 : i32
      %dma_start3A_261 = tpu.memref_slice %arg10[%add3A_227, %dma_start3A_260] : memref<80x125xi32, #tpu.memory_space<vmem>> -> memref<1x125xi32, #tpu.memory_space<vmem>>
      %dma_start3A_262 = tpu.memref_squeeze %dma_start3A_261 : memref<1x125xi32, #tpu.memory_space<vmem>> -> memref<125xi32, #tpu.memory_space<vmem>>
      %dma_start3A_263 = arith.constant 0 : i32
      %dma_start3A_264 = arith.constant 0 : i32
      %dma_start3A_265 = tpu.memref_slice %arg8[%dma_start3A_263, %dma_start3A_264] : memref<10240x80xi32, #tpu.memory_space<vmem_shared>> -> memref<10240x80xi32, #tpu.memory_space<vmem_shared>>
      tpu.enqueue_indirect_dma source(%dma_start3A_259 : memref<125x80xi32, #tpu.memory_space<vmem>>) target(%dma_start3A_265 : memref<10240x80xi32, #tpu.memory_space<vmem_shared>>) offsets(%dma_start3A_262 : memref<125xi32, #tpu.memory_space<vmem>>) semaphore(%arg19 : memref<!tpu.dma_semaphore, #tpu.memory_space<semaphore_mem>>) {add = true}
      %dma_wait3A_266 = arith.constant 0 : i32
      %dma_wait3A_267 = arith.constant 0 : i32
      %dma_wait3A_268 = arith.constant 0 : i32
      %dma_wait3A_269 = arith.constant 0 : i32
      %dma_wait3A_270 = tpu.memref_slice %arg11[%dma_wait3A_266, %dma_wait3A_268, %dma_wait3A_269] : memref<4x125x80xi32, #tpu.memory_space<vmem>> -> memref<1x125x80xi32, #tpu.memory_space<vmem>>
      %dma_wait3A_271 = tpu.memref_squeeze %dma_wait3A_270 : memref<1x125x80xi32, #tpu.memory_space<vmem>> -> memref<125x80xi32, #tpu.memory_space<vmem>>
      %dma_wait3A_272 = arith.constant 0 : i32
      %dma_wait3A_273 = tpu.memref_slice %arg10[%dma_wait3A_267, %dma_wait3A_272] : memref<80x125xi32, #tpu.memory_space<vmem>> -> memref<1x125xi32, #tpu.memory_space<vmem>>
      %dma_wait3A_274 = tpu.memref_squeeze %dma_wait3A_273 : memref<1x125xi32, #tpu.memory_space<vmem>> -> memref<125xi32, #tpu.memory_space<vmem>>
      %dma_wait3A_275 = arith.constant 0 : i32
      %dma_wait3A_276 = arith.constant 0 : i32
      %dma_wait3A_277 = tpu.memref_slice %arg8[%dma_wait3A_275, %dma_wait3A_276] : memref<10240x80xi32, #tpu.memory_space<vmem_shared>> -> memref<10240x80xi32, #tpu.memory_space<vmem_shared>>
      tpu.wait_indirect_dma semaphore(%arg17 : memref<!tpu.dma_semaphore, #tpu.memory_space<semaphore_mem>>) src(%dma_wait3A_271 : memref<125x80xi32, #tpu.memory_space<vmem>>) dst(%dma_wait3A_277 : memref<10240x80xi32, #tpu.memory_space<vmem_shared>>)
      %lt3A = arith.constant 19 : i32
      %lt3A_278 = arith.cmpi slt, %scan3A_85, %lt3A : i32
      %convert_element_type3A_279 = arith.extui %lt3A_278 : i1 to i32
      %cond3A_280 = arith.constant 0 : i32
      %cond3A_281 = arith.cmpi ne, %convert_element_type3A_279, %cond3A_280 : i32
      scf.if %cond3A_281 {
        %add3A_341 = arith.constant 2 : i32
        %add3A_342 = arith.addi %add3A_227, %add3A_341 : i32
        %dma_start3A_343 = arith.constant 0 : i32
        %dma_start3A_344 = arith.constant 0 : i32
        %dma_start3A_345 = arith.constant 0 : i32
        %dma_start3A_346 = tpu.memref_slice %arg11[%dma_start3A_343, %dma_start3A_344, %dma_start3A_345] : memref<4x125x80xi32, #tpu.memory_space<vmem>> -> memref<1x125x80xi32, #tpu.memory_space<vmem>>
        %dma_start3A_347 = tpu.memref_squeeze %dma_start3A_346 : memref<1x125x80xi32, #tpu.memory_space<vmem>> -> memref<125x80xi32, #tpu.memory_space<vmem>>
        %dma_start3A_348 = arith.constant 0 : i32
        %dma_start3A_349 = tpu.memref_slice %arg9[%add3A_342, %dma_start3A_348] : memref<80x125xi32, #tpu.memory_space<vmem>> -> memref<1x125xi32, #tpu.memory_space<vmem>>
        %dma_start3A_350 = tpu.memref_squeeze %dma_start3A_349 : memref<1x125xi32, #tpu.memory_space<vmem>> -> memref<125xi32, #tpu.memory_space<vmem>>
        %dma_start3A_351 = arith.constant 0 : i32
        %dma_start3A_352 = arith.constant 0 : i32
        %dma_start3A_353 = tpu.memref_slice %arg2[%dma_start3A_351, %dma_start3A_352] : memref<10240x80xi32, #tpu.memory_space<hbm>> -> memref<10240x80xi32, #tpu.memory_space<hbm>>
        tpu.enqueue_indirect_dma source(%dma_start3A_353 : memref<10240x80xi32, #tpu.memory_space<hbm>>) target(%dma_start3A_347 : memref<125x80xi32, #tpu.memory_space<vmem>>) offsets(%dma_start3A_350 : memref<125xi32, #tpu.memory_space<vmem>>) semaphore(%arg13 : memref<!tpu.dma_semaphore, #tpu.memory_space<semaphore_mem>>)
        %dma_start3A_354 = arith.constant 0 : i32
        %dma_start3A_355 = arith.constant 0 : i32
        %dma_start3A_356 = arith.constant 0 : i32
        %dma_start3A_357 = tpu.memref_slice %arg12[%dma_start3A_354, %dma_start3A_355, %dma_start3A_356] : memref<4x125x16xf32, #tpu.memory_space<vmem>> -> memref<1x125x16xf32, #tpu.memory_space<vmem>>
        %dma_start3A_358 = tpu.memref_squeeze %dma_start3A_357 : memref<1x125x16xf32, #tpu.memory_space<vmem>> -> memref<125x16xf32, #tpu.memory_space<vmem>>
        %dma_start3A_359 = arith.constant 0 : i32
        %dma_start3A_360 = tpu.memref_slice %arg10[%add3A_342, %dma_start3A_359] : memref<80x125xi32, #tpu.memory_space<vmem>> -> memref<1x125xi32, #tpu.memory_space<vmem>>
        %dma_start3A_361 = tpu.memref_squeeze %dma_start3A_360 : memref<1x125xi32, #tpu.memory_space<vmem>> -> memref<125xi32, #tpu.memory_space<vmem>>
        %dma_start3A_362 = arith.constant 0 : i32
        %dma_start3A_363 = arith.constant 0 : i32
        %dma_start3A_364 = tpu.memref_slice %arg3[%dma_start3A_362, %dma_start3A_363] : memref<10240x16xf32, #tpu.memory_space<hbm>> -> memref<10240x16xf32, #tpu.memory_space<hbm>>
        tpu.enqueue_indirect_dma source(%dma_start3A_364 : memref<10240x16xf32, #tpu.memory_space<hbm>>) target(%dma_start3A_358 : memref<125x16xf32, #tpu.memory_space<vmem>>) offsets(%dma_start3A_361 : memref<125xi32, #tpu.memory_space<vmem>>) semaphore(%arg13 : memref<!tpu.dma_semaphore, #tpu.memory_space<semaphore_mem>>)
      } else {
      }
      %mul3A_282 = arith.constant 4 : i32
      %mul3A_283 = arith.muli %mul3A_282, %scan3A_85 : i32
      %add3A_284 = arith.constant 3 : i32
      %add3A_285 = arith.addi %mul3A_283, %add3A_284 : i32
      %dma_wait3A_286 = arith.constant 0 : i32
      %dma_wait3A_287 = arith.constant 3 : i32
      %dma_wait3A_288 = arith.constant 0 : i32
      %dma_wait3A_289 = arith.constant 0 : i32
      %dma_wait3A_290 = tpu.memref_slice %arg11[%dma_wait3A_287, %dma_wait3A_288, %dma_wait3A_289] : memref<4x125x80xi32, #tpu.memory_space<vmem>> -> memref<1x125x80xi32, #tpu.memory_space<vmem>>
      %dma_wait3A_291 = tpu.memref_squeeze %dma_wait3A_290 : memref<1x125x80xi32, #tpu.memory_space<vmem>> -> memref<125x80xi32, #tpu.memory_space<vmem>>
      %dma_wait3A_292 = arith.constant 0 : i32
      %dma_wait3A_293 = tpu.memref_slice %arg9[%dma_wait3A_286, %dma_wait3A_292] : memref<80x125xi32, #tpu.memory_space<vmem>> -> memref<1x125xi32, #tpu.memory_space<vmem>>
      %dma_wait3A_294 = tpu.memref_squeeze %dma_wait3A_293 : memref<1x125xi32, #tpu.memory_space<vmem>> -> memref<125xi32, #tpu.memory_space<vmem>>
      %dma_wait3A_295 = arith.constant 0 : i32
      %dma_wait3A_296 = arith.constant 0 : i32
      %dma_wait3A_297 = tpu.memref_slice %arg2[%dma_wait3A_295, %dma_wait3A_296] : memref<10240x80xi32, #tpu.memory_space<hbm>> -> memref<10240x80xi32, #tpu.memory_space<hbm>>
      tpu.wait_indirect_dma semaphore(%arg16 : memref<!tpu.dma_semaphore, #tpu.memory_space<semaphore_mem>>) src(%dma_wait3A_297 : memref<10240x80xi32, #tpu.memory_space<hbm>>) dst(%dma_wait3A_291 : memref<125x80xi32, #tpu.memory_space<vmem>>)
      %dma_wait3A_298 = arith.constant 0 : i32
      %dma_wait3A_299 = arith.constant 3 : i32
      %dma_wait3A_300 = arith.constant 0 : i32
      %dma_wait3A_301 = arith.constant 0 : i32
      %dma_wait3A_302 = tpu.memref_slice %arg12[%dma_wait3A_299, %dma_wait3A_300, %dma_wait3A_301] : memref<4x125x16xf32, #tpu.memory_space<vmem>> -> memref<1x125x16xf32, #tpu.memory_space<vmem>>
      %dma_wait3A_303 = tpu.memref_squeeze %dma_wait3A_302 : memref<1x125x16xf32, #tpu.memory_space<vmem>> -> memref<125x16xf32, #tpu.memory_space<vmem>>
      %dma_wait3A_304 = arith.constant 0 : i32
      %dma_wait3A_305 = tpu.memref_slice %arg10[%dma_wait3A_298, %dma_wait3A_304] : memref<80x125xi32, #tpu.memory_space<vmem>> -> memref<1x125xi32, #tpu.memory_space<vmem>>
      %dma_wait3A_306 = tpu.memref_squeeze %dma_wait3A_305 : memref<1x125xi32, #tpu.memory_space<vmem>> -> memref<125xi32, #tpu.memory_space<vmem>>
      %dma_wait3A_307 = arith.constant 0 : i32
      %dma_wait3A_308 = arith.constant 0 : i32
      %dma_wait3A_309 = tpu.memref_slice %arg3[%dma_wait3A_307, %dma_wait3A_308] : memref<10240x16xf32, #tpu.memory_space<hbm>> -> memref<10240x16xf32, #tpu.memory_space<hbm>>
      tpu.wait_indirect_dma semaphore(%arg16 : memref<!tpu.dma_semaphore, #tpu.memory_space<semaphore_mem>>) src(%dma_wait3A_309 : memref<10240x16xf32, #tpu.memory_space<hbm>>) dst(%dma_wait3A_303 : memref<125x16xf32, #tpu.memory_space<vmem>>)
      %parallel_loop3A_310 = arith.constant 0 : i32
      %parallel_loop3A_311 = arith.constant 125 : i32
      %parallel_loop3A_312 = arith.constant 1 : i32
      scf.for %parallel_loop3A_341 = %parallel_loop3A_310 to %parallel_loop3A_311 step %parallel_loop3A_312  : i32 {
        %parallel_loop3A_342 = arith.constant 3 : i32
        %parallel_loop3A_343 = arith.index_cast %parallel_loop3A_342 : i32 to index
        %parallel_loop3A_344 = arith.index_cast %parallel_loop3A_341 : i32 to index
        %parallel_loop3A_345 = arith.constant 64 : index
        %parallel_loop3A_346 = tpu.vector_load %arg11[%parallel_loop3A_343, %parallel_loop3A_344, %parallel_loop3A_345] {strides = array<i32>} : memref<4x125x80xi32, #tpu.memory_space<vmem>>, vector<1x1x16xi32>,
        %parallel_loop3A_347 = vector.shape_cast %parallel_loop3A_346 : vector<1x1x16xi32> to vector<16xi32>
        %parallel_loop3A_348 = arith.sitofp %parallel_loop3A_347 : vector<16xi32> to vector<16xf32>
        %parallel_loop3A_349 = arith.constant 3.05175781E-5 : f32
        %parallel_loop3A_350 = vector.broadcast %parallel_loop3A_349 : f32 to vector<16xf32>
        %parallel_loop3A_351 = arith.mulf %parallel_loop3A_348, %parallel_loop3A_350 : vector<16xf32>
        %parallel_loop3A_352 = arith.constant 3 : i32
        %parallel_loop3A_353 = arith.index_cast %parallel_loop3A_352 : i32 to index
        %parallel_loop3A_354 = arith.index_cast %parallel_loop3A_341 : i32 to index
        %parallel_loop3A_355 = arith.constant 0 : index
        %parallel_loop3A_356 = tpu.vector_load %arg12[%parallel_loop3A_353, %parallel_loop3A_354, %parallel_loop3A_355] {strides = array<i32>} : memref<4x125x16xf32, #tpu.memory_space<vmem>>, vector<1x1x16xf32>,
        %parallel_loop3A_357 = vector.shape_cast %parallel_loop3A_356 : vector<1x1x16xf32> to vector<16xf32>
        %parallel_loop3A_358 = arith.addf %parallel_loop3A_351, %parallel_loop3A_357 : vector<16xf32>
        %parallel_loop3A_359 = arith.constant 2.000000e-01 : f32
        %parallel_loop3A_360 = vector.broadcast %parallel_loop3A_359 : f32 to vector<16xf32>
        %parallel_loop3A_361 = arith.mulf %parallel_loop3A_360, %parallel_loop3A_358 : vector<16xf32>
        %parallel_loop3A_362 = arith.maximumf %parallel_loop3A_358, %parallel_loop3A_361 : vector<16xf32>
        %parallel_loop3A_363 = math.exp %parallel_loop3A_362 : vector<16xf32>
        %parallel_loop3A_364 = arith.constant 3.276800e+04 : f32
        %parallel_loop3A_365 = vector.broadcast %parallel_loop3A_364 : f32 to vector<16xf32>
        %parallel_loop3A_366 = arith.mulf %parallel_loop3A_363, %parallel_loop3A_365 : vector<16xf32>
        %parallel_loop3A_367 = arith.fptosi %parallel_loop3A_366 : vector<16xf32> to vector<16xi32>
        %parallel_loop3A_368 = arith.constant 3 : i32
        %parallel_loop3A_369 = arith.index_cast %parallel_loop3A_368 : i32 to index
        %parallel_loop3A_370 = arith.index_cast %parallel_loop3A_341 : i32 to index
        %parallel_loop3A_371 = arith.constant 64 : index
        %parallel_loop3A_372 = tpu.vector_load %arg11[%parallel_loop3A_369, %parallel_loop3A_370, %parallel_loop3A_371] {strides = array<i32>} : memref<4x125x80xi32, #tpu.memory_space<vmem>>, vector<1x1x16xi32>,
        %parallel_loop3A_373 = vector.shape_cast %parallel_loop3A_372 : vector<1x1x16xi32> to vector<16xi32>
        %parallel_loop3A_374 = vector.shape_cast %parallel_loop3A_367 : vector<16xi32> to vector<1x1x16xi32>
        tpu.vector_store %arg11[%parallel_loop3A_369, %parallel_loop3A_370, %parallel_loop3A_371], %parallel_loop3A_374 {strides = array<i32>} : memref<4x125x80xi32, #tpu.memory_space<vmem>>, vector<1x1x16xi32>,
        %parallel_loop3A_375 = arith.constant 3 : i32
        %parallel_loop3A_376 = arith.index_cast %parallel_loop3A_375 : i32 to index
        %parallel_loop3A_377 = arith.index_cast %parallel_loop3A_341 : i32 to index
        %parallel_loop3A_378 = arith.constant 0 : index
        %parallel_loop3A_379 = tpu.vector_load %arg11[%parallel_loop3A_376, %parallel_loop3A_377, %parallel_loop3A_378] {strides = array<i32>} : memref<4x125x80xi32, #tpu.memory_space<vmem>>, vector<1x1x16xi32>,
        %parallel_loop3A_380 = vector.shape_cast %parallel_loop3A_379 : vector<1x1x16xi32> to vector<16xi32>
        %parallel_loop3A_381 = arith.sitofp %parallel_loop3A_380 : vector<16xi32> to vector<16xf32>
        %parallel_loop3A_382 = vector.extract_strided_slice %parallel_loop3A_363 {offsets = [0], sizes = [1], strides = [1]} : vector<16xf32> to vector<1xf32>
        %parallel_loop3A_383 = vector.extract %parallel_loop3A_382[0] : f32 from vector<1xf32>
        %parallel_loop3A_384 = vector.broadcast %parallel_loop3A_383 : f32 to vector<16xf32>
        %parallel_loop3A_385 = arith.mulf %parallel_loop3A_381, %parallel_loop3A_384 : vector<16xf32>
        %parallel_loop3A_386 = arith.fptosi %parallel_loop3A_385 : vector<16xf32> to vector<16xi32>
        %parallel_loop3A_387 = arith.constant 3 : i32
        %parallel_loop3A_388 = arith.index_cast %parallel_loop3A_387 : i32 to index
        %parallel_loop3A_389 = arith.index_cast %parallel_loop3A_341 : i32 to index
        %parallel_loop3A_390 = arith.constant 0 : index
        %parallel_loop3A_391 = tpu.vector_load %arg11[%parallel_loop3A_388, %parallel_loop3A_389, %parallel_loop3A_390] {strides = array<i32>} : memref<4x125x80xi32, #tpu.memory_space<vmem>>, vector<1x1x16xi32>,
        %parallel_loop3A_392 = vector.shape_cast %parallel_loop3A_391 : vector<1x1x16xi32> to vector<16xi32>
        %parallel_loop3A_393 = vector.shape_cast %parallel_loop3A_386 : vector<16xi32> to vector<1x1x16xi32>
        tpu.vector_store %arg11[%parallel_loop3A_388, %parallel_loop3A_389, %parallel_loop3A_390], %parallel_loop3A_393 {strides = array<i32>} : memref<4x125x80xi32, #tpu.memory_space<vmem>>, vector<1x1x16xi32>,
        %parallel_loop3A_394 = arith.constant 3 : i32
        %parallel_loop3A_395 = arith.index_cast %parallel_loop3A_394 : i32 to index
        %parallel_loop3A_396 = arith.index_cast %parallel_loop3A_341 : i32 to index
        %parallel_loop3A_397 = arith.constant 16 : index
        %parallel_loop3A_398 = tpu.vector_load %arg11[%parallel_loop3A_395, %parallel_loop3A_396, %parallel_loop3A_397] {strides = array<i32>} : memref<4x125x80xi32, #tpu.memory_space<vmem>>, vector<1x1x16xi32>,
        %parallel_loop3A_399 = vector.shape_cast %parallel_loop3A_398 : vector<1x1x16xi32> to vector<16xi32>
        %parallel_loop3A_400 = arith.sitofp %parallel_loop3A_399 : vector<16xi32> to vector<16xf32>
        %parallel_loop3A_401 = vector.extract_strided_slice %parallel_loop3A_363 {offsets = [1], sizes = [1], strides = [1]} : vector<16xf32> to vector<1xf32>
        %parallel_loop3A_402 = vector.extract %parallel_loop3A_401[0] : f32 from vector<1xf32>
        %parallel_loop3A_403 = vector.broadcast %parallel_loop3A_402 : f32 to vector<16xf32>
        %parallel_loop3A_404 = arith.mulf %parallel_loop3A_400, %parallel_loop3A_403 : vector<16xf32>
        %parallel_loop3A_405 = arith.fptosi %parallel_loop3A_404 : vector<16xf32> to vector<16xi32>
        %parallel_loop3A_406 = arith.constant 3 : i32
        %parallel_loop3A_407 = arith.index_cast %parallel_loop3A_406 : i32 to index
        %parallel_loop3A_408 = arith.index_cast %parallel_loop3A_341 : i32 to index
        %parallel_loop3A_409 = arith.constant 16 : index
        %parallel_loop3A_410 = tpu.vector_load %arg11[%parallel_loop3A_407, %parallel_loop3A_408, %parallel_loop3A_409] {strides = array<i32>} : memref<4x125x80xi32, #tpu.memory_space<vmem>>, vector<1x1x16xi32>,
        %parallel_loop3A_411 = vector.shape_cast %parallel_loop3A_410 : vector<1x1x16xi32> to vector<16xi32>
        %parallel_loop3A_412 = vector.shape_cast %parallel_loop3A_405 : vector<16xi32> to vector<1x1x16xi32>
        tpu.vector_store %arg11[%parallel_loop3A_407, %parallel_loop3A_408, %parallel_loop3A_409], %parallel_loop3A_412 {strides = array<i32>} : memref<4x125x80xi32, #tpu.memory_space<vmem>>, vector<1x1x16xi32>,
        %parallel_loop3A_413 = arith.constant 3 : i32
        %parallel_loop3A_414 = arith.index_cast %parallel_loop3A_413 : i32 to index
        %parallel_loop3A_415 = arith.index_cast %parallel_loop3A_341 : i32 to index
        %parallel_loop3A_416 = arith.constant 32 : index
        %parallel_loop3A_417 = tpu.vector_load %arg11[%parallel_loop3A_414, %parallel_loop3A_415, %parallel_loop3A_416] {strides = array<i32>} : memref<4x125x80xi32, #tpu.memory_space<vmem>>, vector<1x1x16xi32>,
        %parallel_loop3A_418 = vector.shape_cast %parallel_loop3A_417 : vector<1x1x16xi32> to vector<16xi32>
        %parallel_loop3A_419 = arith.sitofp %parallel_loop3A_418 : vector<16xi32> to vector<16xf32>
        %parallel_loop3A_420 = vector.extract_strided_slice %parallel_loop3A_363 {offsets = [2], sizes = [1], strides = [1]} : vector<16xf32> to vector<1xf32>
        %parallel_loop3A_421 = vector.extract %parallel_loop3A_420[0] : f32 from vector<1xf32>
        %parallel_loop3A_422 = vector.broadcast %parallel_loop3A_421 : f32 to vector<16xf32>
        %parallel_loop3A_423 = arith.mulf %parallel_loop3A_419, %parallel_loop3A_422 : vector<16xf32>
        %parallel_loop3A_424 = arith.fptosi %parallel_loop3A_423 : vector<16xf32> to vector<16xi32>
        %parallel_loop3A_425 = arith.constant 3 : i32
        %parallel_loop3A_426 = arith.index_cast %parallel_loop3A_425 : i32 to index
        %parallel_loop3A_427 = arith.index_cast %parallel_loop3A_341 : i32 to index
        %parallel_loop3A_428 = arith.constant 32 : index
        %parallel_loop3A_429 = tpu.vector_load %arg11[%parallel_loop3A_426, %parallel_loop3A_427, %parallel_loop3A_428] {strides = array<i32>} : memref<4x125x80xi32, #tpu.memory_space<vmem>>, vector<1x1x16xi32>,
        %parallel_loop3A_430 = vector.shape_cast %parallel_loop3A_429 : vector<1x1x16xi32> to vector<16xi32>
        %parallel_loop3A_431 = vector.shape_cast %parallel_loop3A_424 : vector<16xi32> to vector<1x1x16xi32>
        tpu.vector_store %arg11[%parallel_loop3A_426, %parallel_loop3A_427, %parallel_loop3A_428], %parallel_loop3A_431 {strides = array<i32>} : memref<4x125x80xi32, #tpu.memory_space<vmem>>, vector<1x1x16xi32>,
        %parallel_loop3A_432 = arith.constant 3 : i32
        %parallel_loop3A_433 = arith.index_cast %parallel_loop3A_432 : i32 to index
        %parallel_loop3A_434 = arith.index_cast %parallel_loop3A_341 : i32 to index
        %parallel_loop3A_435 = arith.constant 48 : index
        %parallel_loop3A_436 = tpu.vector_load %arg11[%parallel_loop3A_433, %parallel_loop3A_434, %parallel_loop3A_435] {strides = array<i32>} : memref<4x125x80xi32, #tpu.memory_space<vmem>>, vector<1x1x16xi32>,
        %parallel_loop3A_437 = vector.shape_cast %parallel_loop3A_436 : vector<1x1x16xi32> to vector<16xi32>
        %parallel_loop3A_438 = arith.sitofp %parallel_loop3A_437 : vector<16xi32> to vector<16xf32>
        %parallel_loop3A_439 = vector.extract_strided_slice %parallel_loop3A_363 {offsets = [3], sizes = [1], strides = [1]} : vector<16xf32> to vector<1xf32>
        %parallel_loop3A_440 = vector.extract %parallel_loop3A_439[0] : f32 from vector<1xf32>
        %parallel_loop3A_441 = vector.broadcast %parallel_loop3A_440 : f32 to vector<16xf32>
        %parallel_loop3A_442 = arith.mulf %parallel_loop3A_438, %parallel_loop3A_441 : vector<16xf32>
        %parallel_loop3A_443 = arith.fptosi %parallel_loop3A_442 : vector<16xf32> to vector<16xi32>
        %parallel_loop3A_444 = arith.constant 3 : i32
        %parallel_loop3A_445 = arith.index_cast %parallel_loop3A_444 : i32 to index
        %parallel_loop3A_446 = arith.index_cast %parallel_loop3A_341 : i32 to index
        %parallel_loop3A_447 = arith.constant 48 : index
        %parallel_loop3A_448 = tpu.vector_load %arg11[%parallel_loop3A_445, %parallel_loop3A_446, %parallel_loop3A_447] {strides = array<i32>} : memref<4x125x80xi32, #tpu.memory_space<vmem>>, vector<1x1x16xi32>,
        %parallel_loop3A_449 = vector.shape_cast %parallel_loop3A_448 : vector<1x1x16xi32> to vector<16xi32>
        %parallel_loop3A_450 = vector.shape_cast %parallel_loop3A_443 : vector<16xi32> to vector<1x1x16xi32>
        tpu.vector_store %arg11[%parallel_loop3A_445, %parallel_loop3A_446, %parallel_loop3A_447], %parallel_loop3A_450 {strides = array<i32>} : memref<4x125x80xi32, #tpu.memory_space<vmem>>, vector<1x1x16xi32>,
      } {sc.loop_unroll_factor = 5 : i64, sc.parallel_access}
      %dma_start3A_313 = arith.constant 3 : i32
      %dma_start3A_314 = arith.constant 0 : i32
      %dma_start3A_315 = arith.constant 0 : i32
      %dma_start3A_316 = tpu.memref_slice %arg11[%dma_start3A_313, %dma_start3A_314, %dma_start3A_315] : memref<4x125x80xi32, #tpu.memory_space<vmem>> -> memref<1x125x80xi32, #tpu.memory_space<vmem>>
      %dma_start3A_317 = tpu.memref_squeeze %dma_start3A_316 : memref<1x125x80xi32, #tpu.memory_space<vmem>> -> memref<125x80xi32, #tpu.memory_space<vmem>>
      %dma_start3A_318 = arith.constant 0 : i32
      %dma_start3A_319 = tpu.memref_slice %arg10[%add3A_285, %dma_start3A_318] : memref<80x125xi32, #tpu.memory_space<vmem>> -> memref<1x125xi32, #tpu.memory_space<vmem>>
      %dma_start3A_320 = tpu.memref_squeeze %dma_start3A_319 : memref<1x125xi32, #tpu.memory_space<vmem>> -> memref<125xi32, #tpu.memory_space<vmem>>
      %dma_start3A_321 = arith.constant 0 : i32
      %dma_start3A_322 = arith.constant 0 : i32
      %dma_start3A_323 = tpu.memref_slice %arg8[%dma_start3A_321, %dma_start3A_322] : memref<10240x80xi32, #tpu.memory_space<vmem_shared>> -> memref<10240x80xi32, #tpu.memory_space<vmem_shared>>
      tpu.enqueue_indirect_dma source(%dma_start3A_317 : memref<125x80xi32, #tpu.memory_space<vmem>>) target(%dma_start3A_323 : memref<10240x80xi32, #tpu.memory_space<vmem_shared>>) offsets(%dma_start3A_320 : memref<125xi32, #tpu.memory_space<vmem>>) semaphore(%arg20 : memref<!tpu.dma_semaphore, #tpu.memory_space<semaphore_mem>>) {add = true}
      %dma_wait3A_324 = arith.constant 1 : i32
      %dma_wait3A_325 = arith.constant 0 : i32
      %dma_wait3A_326 = arith.constant 0 : i32
      %dma_wait3A_327 = arith.constant 0 : i32
      %dma_wait3A_328 = tpu.memref_slice %arg11[%dma_wait3A_324, %dma_wait3A_326, %dma_wait3A_327] : memref<4x125x80xi32, #tpu.memory_space<vmem>> -> memref<1x125x80xi32, #tpu.memory_space<vmem>>
      %dma_wait3A_329 = tpu.memref_squeeze %dma_wait3A_328 : memref<1x125x80xi32, #tpu.memory_space<vmem>> -> memref<125x80xi32, #tpu.memory_space<vmem>>
      %dma_wait3A_330 = arith.constant 0 : i32
      %dma_wait3A_331 = tpu.memref_slice %arg10[%dma_wait3A_325, %dma_wait3A_330] : memref<80x125xi32, #tpu.memory_space<vmem>> -> memref<1x125xi32, #tpu.memory_space<vmem>>
      %dma_wait3A_332 = tpu.memref_squeeze %dma_wait3A_331 : memref<1x125xi32, #tpu.memory_space<vmem>> -> memref<125xi32, #tpu.memory_space<vmem>>
      %dma_wait3A_333 = arith.constant 0 : i32
      %dma_wait3A_334 = arith.constant 0 : i32
      %dma_wait3A_335 = tpu.memref_slice %arg8[%dma_wait3A_333, %dma_wait3A_334] : memref<10240x80xi32, #tpu.memory_space<vmem_shared>> -> memref<10240x80xi32, #tpu.memory_space<vmem_shared>>
      tpu.wait_indirect_dma semaphore(%arg18 : memref<!tpu.dma_semaphore, #tpu.memory_space<semaphore_mem>>) src(%dma_wait3A_329 : memref<125x80xi32, #tpu.memory_space<vmem>>) dst(%dma_wait3A_335 : memref<10240x80xi32, #tpu.memory_space<vmem_shared>>)
      %lt3A_336 = arith.constant 19 : i32
      %lt3A_337 = arith.cmpi slt, %scan3A_85, %lt3A_336 : i32
      %convert_element_type3A_338 = arith.extui %lt3A_337 : i1 to i32
      %cond3A_339 = arith.constant 0 : i32
      %cond3A_340 = arith.cmpi ne, %convert_element_type3A_338, %cond3A_339 : i32
      scf.if %cond3A_340 {
        %add3A_341 = arith.constant 2 : i32
        %add3A_342 = arith.addi %add3A_285, %add3A_341 : i32
        %dma_start3A_343 = arith.constant 1 : i32
        %dma_start3A_344 = arith.constant 0 : i32
        %dma_start3A_345 = arith.constant 0 : i32
        %dma_start3A_346 = tpu.memref_slice %arg11[%dma_start3A_343, %dma_start3A_344, %dma_start3A_345] : memref<4x125x80xi32, #tpu.memory_space<vmem>> -> memref<1x125x80xi32, #tpu.memory_space<vmem>>
        %dma_start3A_347 = tpu.memref_squeeze %dma_start3A_346 : memref<1x125x80xi32, #tpu.memory_space<vmem>> -> memref<125x80xi32, #tpu.memory_space<vmem>>
        %dma_start3A_348 = arith.constant 0 : i32
        %dma_start3A_349 = tpu.memref_slice %arg9[%add3A_342, %dma_start3A_348] : memref<80x125xi32, #tpu.memory_space<vmem>> -> memref<1x125xi32, #tpu.memory_space<vmem>>
        %dma_start3A_350 = tpu.memref_squeeze %dma_start3A_349 : memref<1x125xi32, #tpu.memory_space<vmem>> -> memref<125xi32, #tpu.memory_space<vmem>>
        %dma_start3A_351 = arith.constant 0 : i32
        %dma_start3A_352 = arith.constant 0 : i32
        %dma_start3A_353 = tpu.memref_slice %arg2[%dma_start3A_351, %dma_start3A_352] : memref<10240x80xi32, #tpu.memory_space<hbm>> -> memref<10240x80xi32, #tpu.memory_space<hbm>>
        tpu.enqueue_indirect_dma source(%dma_start3A_353 : memref<10240x80xi32, #tpu.memory_space<hbm>>) target(%dma_start3A_347 : memref<125x80xi32, #tpu.memory_space<vmem>>) offsets(%dma_start3A_350 : memref<125xi32, #tpu.memory_space<vmem>>) semaphore(%arg14 : memref<!tpu.dma_semaphore, #tpu.memory_space<semaphore_mem>>)
        %dma_start3A_354 = arith.constant 1 : i32
        %dma_start3A_355 = arith.constant 0 : i32
        %dma_start3A_356 = arith.constant 0 : i32
        %dma_start3A_357 = tpu.memref_slice %arg12[%dma_start3A_354, %dma_start3A_355, %dma_start3A_356] : memref<4x125x16xf32, #tpu.memory_space<vmem>> -> memref<1x125x16xf32, #tpu.memory_space<vmem>>
        %dma_start3A_358 = tpu.memref_squeeze %dma_start3A_357 : memref<1x125x16xf32, #tpu.memory_space<vmem>> -> memref<125x16xf32, #tpu.memory_space<vmem>>
        %dma_start3A_359 = arith.constant 0 : i32
        %dma_start3A_360 = tpu.memref_slice %arg10[%add3A_342, %dma_start3A_359] : memref<80x125xi32, #tpu.memory_space<vmem>> -> memref<1x125xi32, #tpu.memory_space<vmem>>
        %dma_start3A_361 = tpu.memref_squeeze %dma_start3A_360 : memref<1x125xi32, #tpu.memory_space<vmem>> -> memref<125xi32, #tpu.memory_space<vmem>>
        %dma_start3A_362 = arith.constant 0 : i32
        %dma_start3A_363 = arith.constant 0 : i32
        %dma_start3A_364 = tpu.memref_slice %arg3[%dma_start3A_362, %dma_start3A_363] : memref<10240x16xf32, #tpu.memory_space<hbm>> -> memref<10240x16xf32, #tpu.memory_space<hbm>>
        tpu.enqueue_indirect_dma source(%dma_start3A_364 : memref<10240x16xf32, #tpu.memory_space<hbm>>) target(%dma_start3A_358 : memref<125x16xf32, #tpu.memory_space<vmem>>) offsets(%dma_start3A_361 : memref<125xi32, #tpu.memory_space<vmem>>) semaphore(%arg14 : memref<!tpu.dma_semaphore, #tpu.memory_space<semaphore_mem>>)
      } else {
      }
    }
    %scan3A_56 = arith.constant 20 : i32
    %dma_wait3A = arith.constant 2 : i32
    %dma_wait3A_57 = arith.constant 0 : i32
    %dma_wait3A_58 = arith.constant 0 : i32
    %dma_wait3A_59 = arith.constant 0 : i32
    %dma_wait3A_60 = tpu.memref_slice %arg11[%dma_wait3A, %dma_wait3A_58, %dma_wait3A_59] : memref<4x125x80xi32, #tpu.memory_space<vmem>> -> memref<1x125x80xi32, #tpu.memory_space<vmem>>
    %dma_wait3A_61 = tpu.memref_squeeze %dma_wait3A_60 : memref<1x125x80xi32, #tpu.memory_space<vmem>> -> memref<125x80xi32, #tpu.memory_space<vmem>>
    %dma_wait3A_62 = arith.constant 0 : i32
    %dma_wait3A_63 = tpu.memref_slice %arg10[%dma_wait3A_57, %dma_wait3A_62] : memref<80x125xi32, #tpu.memory_space<vmem>> -> memref<1x125xi32, #tpu.memory_space<vmem>>
    %dma_wait3A_64 = tpu.memref_squeeze %dma_wait3A_63 : memref<1x125xi32, #tpu.memory_space<vmem>> -> memref<125xi32, #tpu.memory_space<vmem>>
    %dma_wait3A_65 = arith.constant 0 : i32
    %dma_wait3A_66 = arith.constant 0 : i32
    %dma_wait3A_67 = tpu.memref_slice %arg8[%dma_wait3A_65, %dma_wait3A_66] : memref<10240x80xi32, #tpu.memory_space<vmem_shared>> -> memref<10240x80xi32, #tpu.memory_space<vmem_shared>>
    tpu.wait_indirect_dma semaphore(%arg19 : memref<!tpu.dma_semaphore, #tpu.memory_space<semaphore_mem>>) src(%dma_wait3A_61 : memref<125x80xi32, #tpu.memory_space<vmem>>) dst(%dma_wait3A_67 : memref<10240x80xi32, #tpu.memory_space<vmem_shared>>)
    %dma_wait3A_68 = arith.constant 3 : i32
    %dma_wait3A_69 = arith.constant 0 : i32
    %dma_wait3A_70 = arith.constant 0 : i32
    %dma_wait3A_71 = arith.constant 0 : i32
    %dma_wait3A_72 = tpu.memref_slice %arg11[%dma_wait3A_68, %dma_wait3A_70, %dma_wait3A_71] : memref<4x125x80xi32, #tpu.memory_space<vmem>> -> memref<1x125x80xi32, #tpu.memory_space<vmem>>
    %dma_wait3A_73 = tpu.memref_squeeze %dma_wait3A_72 : memref<1x125x80xi32, #tpu.memory_space<vmem>> -> memref<125x80xi32, #tpu.memory_space<vmem>>
    %dma_wait3A_74 = arith.constant 0 : i32
    %dma_wait3A_75 = tpu.memref_slice %arg10[%dma_wait3A_69, %dma_wait3A_74] : memref<80x125xi32, #tpu.memory_space<vmem>> -> memref<1x125xi32, #tpu.memory_space<vmem>>
    %dma_wait3A_76 = tpu.memref_squeeze %dma_wait3A_75 : memref<1x125xi32, #tpu.memory_space<vmem>> -> memref<125xi32, #tpu.memory_space<vmem>>
    %dma_wait3A_77 = arith.constant 0 : i32
    %dma_wait3A_78 = arith.constant 0 : i32
    %dma_wait3A_79 = tpu.memref_slice %arg8[%dma_wait3A_77, %dma_wait3A_78] : memref<10240x80xi32, #tpu.memory_space<vmem_shared>> -> memref<10240x80xi32, #tpu.memory_space<vmem_shared>>
    tpu.wait_indirect_dma semaphore(%arg20 : memref<!tpu.dma_semaphore, #tpu.memory_space<semaphore_mem>>) src(%dma_wait3A_73 : memref<125x80xi32, #tpu.memory_space<vmem>>) dst(%dma_wait3A_79 : memref<10240x80xi32, #tpu.memory_space<vmem_shared>>)
    %barrier3A_80 = arith.constant 0 : index
    tpu.barrier barrier_id(%barrier3A_80)
    %mul3A_81 = arith.constant 640 : i32
    %mul3A_82 = arith.muli %arg1, %mul3A_81 : i32
    %mul3A_83 = arith.constant 640 : i32
    %mul3A_84 = arith.muli %arg1, %mul3A_83 : i32
    "tpu.region"() ({
      %run_scoped3A = tpu.sem_alloc : memref<!tpu.dma_semaphore, #tpu.memory_space<semaphore_mem>>
      %dma_start3A_85 = arith.constant 0 : i32
      %dma_start3A_86 = arith.constant 0 : i32
      %dma_start3A_87 = tpu.memref_slice %arg7[%arg0, %dma_start3A_85, %dma_start3A_86] : memref<2x10240x80xi32, #tpu.memory_space<hbm>> -> memref<1x10240x80xi32, #tpu.memory_space<hbm>>
      %dma_start3A_88 = tpu.memref_squeeze %dma_start3A_87 : memref<1x10240x80xi32, #tpu.memory_space<hbm>> -> memref<10240x80xi32, #tpu.memory_space<hbm>>
      %dma_start3A_89 = arith.constant 0 : i32
      %dma_start3A_90 = tpu.memref_slice %dma_start3A_88[%mul3A_84, %dma_start3A_89] : memref<10240x80xi32, #tpu.memory_space<hbm>> -> memref<640x80xi32, #tpu.memory_space<hbm>>
      %dma_start3A_91 = arith.constant 0 : i32
      %dma_start3A_92 = tpu.memref_slice %arg8[%mul3A_82, %dma_start3A_91] : memref<10240x80xi32, #tpu.memory_space<vmem_shared>> -> memref<640x80xi32, #tpu.memory_space<vmem_shared>>
      tpu.enqueue_dma source(%dma_start3A_92 : memref<640x80xi32, #tpu.memory_space<vmem_shared>>) target(%dma_start3A_90 : memref<640x80xi32, #tpu.memory_space<hbm>>) target_semaphore(%run_scoped3A : memref<!tpu.dma_semaphore, #tpu.memory_space<semaphore_mem>>)
      %dma_wait3A_93 = arith.constant 0 : i32
      %dma_wait3A_94 = arith.constant 0 : i32
      %dma_wait3A_95 = tpu.memref_slice %arg7[%arg0, %dma_wait3A_93, %dma_wait3A_94] : memref<2x10240x80xi32, #tpu.memory_space<hbm>> -> memref<1x10240x80xi32, #tpu.memory_space<hbm>>
      %dma_wait3A_96 = tpu.memref_squeeze %dma_wait3A_95 : memref<1x10240x80xi32, #tpu.memory_space<hbm>> -> memref<10240x80xi32, #tpu.memory_space<hbm>>
      %dma_wait3A_97 = arith.constant 0 : i32
      %dma_wait3A_98 = tpu.memref_slice %dma_wait3A_96[%mul3A_84, %dma_wait3A_97] : memref<10240x80xi32, #tpu.memory_space<hbm>> -> memref<640x80xi32, #tpu.memory_space<hbm>>
      %dma_wait3A_99 = arith.constant 0 : i32
      %dma_wait3A_100 = tpu.memref_slice %arg8[%mul3A_82, %dma_wait3A_99] : memref<10240x80xi32, #tpu.memory_space<vmem_shared>> -> memref<640x80xi32, #tpu.memory_space<vmem_shared>>
      tpu.wait_dma2 semaphore(%run_scoped3A : memref<!tpu.dma_semaphore, #tpu.memory_space<semaphore_mem>>) src(%dma_wait3A_100 : memref<640x80xi32, #tpu.memory_space<vmem_shared>>) dst(%dma_wait3A_98 : memref<640x80xi32, #tpu.memory_space<hbm>>)
      tpu.yield
    }) : () -> ()
    return
  }
}

module attributes {stable_mosaic.version = 14 : i64} {
  func.func @_proj_body(%arg0: i32, %arg1: memref<1024x128xf32, #tpu.memory_space<vmem>>, %arg2: memref<128x64xf32, #tpu.memory_space<vmem>>, %arg3: memref<1x64xf32, #tpu.memory_space<vmem>>, %arg4: memref<64x64xf32, #tpu.memory_space<vmem>>, %arg5: memref<1x64xf32, #tpu.memory_space<vmem>>, %arg6: memref<64x4xf32, #tpu.memory_space<vmem>>, %arg7: memref<64x4xf32, #tpu.memory_space<vmem>>, %arg8: memref<1024x80xi32, #tpu.memory_space<vmem>>, %arg9: memref<1024x16xf32, #tpu.memory_space<vmem>>) attributes {dimension_semantics = [#tpu.dimension_semantics<arbitrary>], iteration_bounds = array<i64: 10>, scalar_prefetch = 0 : i64, scratch_operands = 0 : i64, tpu.core_type = #tpu.core_type<tc>, window_params = [{transform_indices = @transform_0, window_bounds = array<i64: 1024, 128>}, {pipeline_mode = #tpu.pipeline_mode<synchronous>, transform_indices = @transform_1, window_bounds = array<i64: 128, 64>}, {pipeline_mode = #tpu.pipeline_mode<synchronous>, transform_indices = @transform_2, window_bounds = array<i64: 1, 64>}, {pipeline_mode = #tpu.pipeline_mode<synchronous>, transform_indices = @transform_3, window_bounds = array<i64: 64, 64>}, {pipeline_mode = #tpu.pipeline_mode<synchronous>, transform_indices = @transform_4, window_bounds = array<i64: 1, 64>}, {pipeline_mode = #tpu.pipeline_mode<synchronous>, transform_indices = @transform_5, window_bounds = array<i64: 64, 4>}, {pipeline_mode = #tpu.pipeline_mode<synchronous>, transform_indices = @transform_6, window_bounds = array<i64: 64, 4>}, {transform_indices = @transform_7, window_bounds = array<i64: 1024, 80>}, {transform_indices = @transform_8, window_bounds = array<i64: 1024, 16>}]} {
    %get3A = arith.constant 0 : index
    %get3A_0 = arith.constant 0 : index
    %get3A_1 = vector.load %arg1[%get3A, %get3A_0] : memref<1024x128xf32, #tpu.memory_space<vmem>>, vector<1024x128xf32>
    %get3A_2 = arith.constant 0 : index
    %get3A_3 = arith.constant 0 : index
    %get3A_4 = vector.load %arg2[%get3A_2, %get3A_3] : memref<128x64xf32, #tpu.memory_space<vmem>>, vector<128x64xf32>
    %dot_general3A = arith.constant dense<0.000000e+00> : vector<1024x64xf32>
    %dot_general3A_5 = tpu.matmul %get3A_1, %get3A_4, %dot_general3A {dimension_numbers = #tpu.dot_dimension_numbers<[1], [0], [0], [1], [0, 0, 1, 1], [], []>, transpose_lhs_hint = false} : vector<1024x128xf32>, vector<128x64xf32>, vector<1024x64xf32> -> vector<1024x64xf32>
    %get3A_6 = arith.constant 0 : index
    %get3A_7 = arith.constant 0 : index
    %get3A_8 = vector.load %arg3[%get3A_6, %get3A_7] : memref<1x64xf32, #tpu.memory_space<vmem>>, vector<1x64xf32>
    %add3A = vector.broadcast %get3A_8 : vector<1x64xf32> to vector<1024x64xf32>
    %add3A_9 = arith.addf %dot_general3A_5, %add3A : vector<1024x64xf32>
    %get3A_10 = arith.constant 0 : index
    %get3A_11 = arith.constant 0 : index
    %get3A_12 = vector.load %arg4[%get3A_10, %get3A_11] : memref<64x64xf32, #tpu.memory_space<vmem>>, vector<64x64xf32>
    %dot_general3A_13 = arith.constant dense<0.000000e+00> : vector<1024x64xf32>
    %dot_general3A_14 = tpu.matmul %add3A_9, %get3A_12, %dot_general3A_13 {dimension_numbers = #tpu.dot_dimension_numbers<[1], [0], [0], [1], [0, 0, 1, 1], [], []>, transpose_lhs_hint = false} : vector<1024x64xf32>, vector<64x64xf32>, vector<1024x64xf32> -> vector<1024x64xf32>
    %get3A_15 = arith.constant 0 : index
    %get3A_16 = arith.constant 0 : index
    %get3A_17 = vector.load %arg5[%get3A_15, %get3A_16] : memref<1x64xf32, #tpu.memory_space<vmem>>, vector<1x64xf32>
    %add3A_18 = vector.broadcast %get3A_17 : vector<1x64xf32> to vector<1024x64xf32>
    %add3A_19 = arith.addf %dot_general3A_14, %add3A_18 : vector<1024x64xf32>
    %get3A_20 = arith.constant 0 : index
    %get3A_21 = arith.constant 0 : index
    %get3A_22 = vector.load %arg6[%get3A_20, %get3A_21] : memref<64x4xf32, #tpu.memory_space<vmem>>, vector<64x4xf32>
    %dot_general3A_23 = arith.constant dense<0.000000e+00> : vector<1024x4xf32>
    %dot_general3A_24 = tpu.matmul %add3A_19, %get3A_22, %dot_general3A_23 {dimension_numbers = #tpu.dot_dimension_numbers<[1], [0], [0], [1], [0, 0, 1, 1], [], []>, precision = #tpu.contract_precision<fp32>, transpose_lhs_hint = false} : vector<1024x64xf32>, vector<64x4xf32>, vector<1024x4xf32> -> vector<1024x4xf32>
    %get3A_25 = arith.constant 0 : index
    %get3A_26 = arith.constant 0 : index
    %get3A_27 = vector.load %arg7[%get3A_25, %get3A_26] : memref<64x4xf32, #tpu.memory_space<vmem>>, vector<64x4xf32>
    %dot_general3A_28 = arith.constant dense<0.000000e+00> : vector<1024x4xf32>
    %dot_general3A_29 = tpu.matmul %add3A_19, %get3A_27, %dot_general3A_28 {dimension_numbers = #tpu.dot_dimension_numbers<[1], [0], [0], [1], [0, 0, 1, 1], [], []>, precision = #tpu.contract_precision<fp32>, transpose_lhs_hint = false} : vector<1024x64xf32>, vector<64x4xf32>, vector<1024x4xf32> -> vector<1024x4xf32>
    %broadcast_in_dim3A = arith.constant 0.000000e+00 : f32
    %broadcast_in_dim3A_30 = vector.broadcast %broadcast_in_dim3A : f32 to vector<1024x12xf32>
    %concatenate3A = tpu.concatenate %add3A_19, %dot_general3A_24, %broadcast_in_dim3A_30 in 1 : vector<1024x64xf32>, vector<1024x4xf32>, vector<1024x12xf32> -> vector<1024x80xf32>
    %mul3A = arith.constant 3.276800e+04 : f32
    %mul3A_31 = vector.broadcast %mul3A : f32 to vector<1024x80xf32>
    %mul3A_32 = arith.mulf %concatenate3A, %mul3A_31 : vector<1024x80xf32>
    %round3A = math.roundeven %mul3A_32 : vector<1024x80xf32>
    %convert_element_type3A = arith.fptosi %round3A : vector<1024x80xf32> to vector<1024x80xi32>
    %swap3A = arith.constant 0 : index
    %swap3A_33 = arith.constant 0 : index
    %swap3A_34 = vector.load %arg8[%swap3A, %swap3A_33] : memref<1024x80xi32, #tpu.memory_space<vmem>>, vector<1024x80xi32>
    tpu.vector_store %arg8[%swap3A, %swap3A_33], %convert_element_type3A {strides = array<i32>} : memref<1024x80xi32, #tpu.memory_space<vmem>>, vector<1024x80xi32>,
    %broadcast_in_dim3A_35 = arith.constant 0.000000e+00 : f32
    %broadcast_in_dim3A_36 = vector.broadcast %broadcast_in_dim3A_35 : f32 to vector<1024x12xf32>
    %concatenate3A_37 = tpu.concatenate %dot_general3A_29, %broadcast_in_dim3A_36 in 1 : vector<1024x4xf32>, vector<1024x12xf32> -> vector<1024x16xf32>
    %swap3A_38 = arith.constant 0 : index
    %swap3A_39 = arith.constant 0 : index
    %swap3A_40 = vector.load %arg9[%swap3A_38, %swap3A_39] : memref<1024x16xf32, #tpu.memory_space<vmem>>, vector<1024x16xf32>
    tpu.vector_store %arg9[%swap3A_38, %swap3A_39], %concatenate3A_37 {strides = array<i32>} : memref<1024x16xf32, #tpu.memory_space<vmem>>, vector<1024x16xf32>,
    return
  }
  func.func @transform_0(%arg0: i32) -> (i32, i32) {
    %c0_i32 = arith.constant 0 : i32
    %c0_i32_0 = arith.constant 0 : i32
    return %arg0, %c0_i32 : i32, i32
  }
  func.func @transform_1(%arg0: i32) -> (i32, i32) {
    %c0_i32 = arith.constant 0 : i32
    %c0_i32_0 = arith.constant 0 : i32
    %c0_i32_1 = arith.constant 0 : i32
    return %c0_i32, %c0_i32_0 : i32, i32
  }
  func.func @transform_2(%arg0: i32) -> (i32, i32) {
    %c0_i32 = arith.constant 0 : i32
    %c0_i32_0 = arith.constant 0 : i32
    %c0_i32_1 = arith.constant 0 : i32
    return %c0_i32, %c0_i32_0 : i32, i32
  }
  func.func @transform_3(%arg0: i32) -> (i32, i32) {
    %c0_i32 = arith.constant 0 : i32
    %c0_i32_0 = arith.constant 0 : i32
    %c0_i32_1 = arith.constant 0 : i32
    return %c0_i32, %c0_i32_0 : i32, i32
  }
  func.func @transform_4(%arg0: i32) -> (i32, i32) {
    %c0_i32 = arith.constant 0 : i32
    %c0_i32_0 = arith.constant 0 : i32
    %c0_i32_1 = arith.constant 0 : i32
    return %c0_i32, %c0_i32_0 : i32, i32
  }
  func.func @transform_5(%arg0: i32) -> (i32, i32) {
    %c0_i32 = arith.constant 0 : i32
    %c0_i32_0 = arith.constant 0 : i32
    %c0_i32_1 = arith.constant 0 : i32
    return %c0_i32, %c0_i32_0 : i32, i32
  }
  func.func @transform_6(%arg0: i32) -> (i32, i32) {
    %c0_i32 = arith.constant 0 : i32
    %c0_i32_0 = arith.constant 0 : i32
    %c0_i32_1 = arith.constant 0 : i32
    return %c0_i32, %c0_i32_0 : i32, i32
  }
  func.func @transform_7(%arg0: i32) -> (i32, i32) {
    %c0_i32 = arith.constant 0 : i32
    %c0_i32_0 = arith.constant 0 : i32
    return %arg0, %c0_i32 : i32, i32
  }
  func.func @transform_8(%arg0: i32) -> (i32, i32) {
    %c0_i32 = arith.constant 0 : i32
    %c0_i32_0 = arith.constant 0 : i32
    return %arg0, %c0_i32 : i32, i32
  }
}

module attributes {stable_mosaic.version = 14 : i64} {
  func.func @_pool_body(%arg0: i32, %arg1: memref<1024x80xi32, #tpu.memory_space<vmem>>, %arg2: memref<1024x80xi32, #tpu.memory_space<vmem>>, %arg3: memref<1x1x1024xi32, #tpu.memory_space<vmem>>, %arg4: memref<64x32xf32, #tpu.memory_space<vmem>>, %arg5: memref<1x32xf32, #tpu.memory_space<vmem>>, %arg6: memref<32x2xf32, #tpu.memory_space<vmem>>, %arg7: memref<1x2xf32, #tpu.memory_space<vmem>>, %arg8: memref<64x2xf32, #tpu.memory_space<vmem>>, %arg9: memref<64x65xf32, #tpu.memory_space<vmem>>) attributes {dimension_semantics = [#tpu.dimension_semantics<arbitrary>], iteration_bounds = array<i64: 10>, scalar_prefetch = 0 : i64, scratch_operands = 1 : i64, tpu.core_type = #tpu.core_type<tc>, window_params = [{transform_indices = @transform_0, window_bounds = array<i64: 1024, 80>}, {transform_indices = @transform_1, window_bounds = array<i64: 1024, 80>}, {transform_indices = @transform_2, window_bounds = array<i64: 1, 1, 1024>}, {pipeline_mode = #tpu.pipeline_mode<synchronous>, transform_indices = @transform_3, window_bounds = array<i64: 64, 32>}, {pipeline_mode = #tpu.pipeline_mode<synchronous>, transform_indices = @transform_4, window_bounds = array<i64: 1, 32>}, {pipeline_mode = #tpu.pipeline_mode<synchronous>, transform_indices = @transform_5, window_bounds = array<i64: 32, 2>}, {pipeline_mode = #tpu.pipeline_mode<synchronous>, transform_indices = @transform_6, window_bounds = array<i64: 1, 2>}, {pipeline_mode = #tpu.pipeline_mode<synchronous>, transform_indices = @transform_7, window_bounds = array<i64: 64, 2>}]} {
    %eq3A = arith.constant 0 : i32
    %eq3A_0 = arith.cmpi eq, %arg0, %eq3A : i32
    %convert_element_type3A = arith.extui %eq3A_0 : i1 to i32
    %cond3A = arith.constant 0 : i32
    %cond3A_1 = arith.cmpi ne, %convert_element_type3A, %cond3A : i32
    scf.if %cond3A_1 {
      %broadcast_in_dim3A_65 = arith.constant 0.000000e+00 : f32
      %broadcast_in_dim3A_66 = vector.broadcast %broadcast_in_dim3A_65 : f32 to vector<64x65xf32>
      %swap3A_67 = arith.constant 0 : index
      %swap3A_68 = arith.constant 0 : index
      %swap3A_69 = vector.load %arg9[%swap3A_67, %swap3A_68] : memref<64x65xf32, #tpu.memory_space<vmem>>, vector<64x65xf32>
      tpu.vector_store %arg9[%swap3A_67, %swap3A_68], %broadcast_in_dim3A_66 {strides = array<i32>} : memref<64x65xf32, #tpu.memory_space<vmem>>, vector<64x65xf32>,
    } else {
    }
    %get3A = arith.constant 0 : index
    %get3A_2 = arith.constant 0 : index
    %get3A_3 = vector.load %arg1[%get3A, %get3A_2] : memref<1024x80xi32, #tpu.memory_space<vmem>>, vector<1024x80xi32>
    %get3A_4 = arith.constant 0 : index
    %get3A_5 = arith.constant 0 : index
    %get3A_6 = vector.load %arg2[%get3A_4, %get3A_5] : memref<1024x80xi32, #tpu.memory_space<vmem>>, vector<1024x80xi32>
    %add3A = arith.addi %get3A_3, %get3A_6 : vector<1024x80xi32>
    %convert_element_type3A_7 = arith.sitofp %add3A : vector<1024x80xi32> to vector<1024x80xf32>
    %slice3A = vector.extract_strided_slice %convert_element_type3A_7 {offsets = [0, 0], sizes = [1024, 64], strides = [1, 1]} : vector<1024x80xf32> to vector<1024x64xf32>
    %slice3A_8 = vector.extract_strided_slice %convert_element_type3A_7 {offsets = [0, 64], sizes = [1024, 4], strides = [1, 1]} : vector<1024x80xf32> to vector<1024x4xf32>
    %slice3A_9 = vector.extract_strided_slice %slice3A {offsets = [0, 0], sizes = [1024, 16], strides = [1, 1]} : vector<1024x64xf32> to vector<1024x16xf32>
    %slice3A_10 = vector.extract_strided_slice %slice3A_8 {offsets = [0, 0], sizes = [1024, 1], strides = [1, 1]} : vector<1024x4xf32> to vector<1024x1xf32>
    %add3A_11 = arith.constant 1.000000e-03 : f32
    %add3A_12 = vector.broadcast %add3A_11 : f32 to vector<1024x1xf32>
    %add3A_13 = arith.addf %slice3A_10, %add3A_12 : vector<1024x1xf32>
    %div3A = vector.broadcast %add3A_13 : vector<1024x1xf32> to vector<1024x16xf32>
    %div3A_14 = arith.divf %slice3A_9, %div3A : vector<1024x16xf32>
    %slice3A_15 = vector.extract_strided_slice %slice3A {offsets = [0, 16], sizes = [1024, 16], strides = [1, 1]} : vector<1024x64xf32> to vector<1024x16xf32>
    %slice3A_16 = vector.extract_strided_slice %slice3A_8 {offsets = [0, 1], sizes = [1024, 1], strides = [1, 1]} : vector<1024x4xf32> to vector<1024x1xf32>
    %add3A_17 = arith.constant 1.000000e-03 : f32
    %add3A_18 = vector.broadcast %add3A_17 : f32 to vector<1024x1xf32>
    %add3A_19 = arith.addf %slice3A_16, %add3A_18 : vector<1024x1xf32>
    %div3A_20 = vector.broadcast %add3A_19 : vector<1024x1xf32> to vector<1024x16xf32>
    %div3A_21 = arith.divf %slice3A_15, %div3A_20 : vector<1024x16xf32>
    %slice3A_22 = vector.extract_strided_slice %slice3A {offsets = [0, 32], sizes = [1024, 16], strides = [1, 1]} : vector<1024x64xf32> to vector<1024x16xf32>
    %slice3A_23 = vector.extract_strided_slice %slice3A_8 {offsets = [0, 2], sizes = [1024, 1], strides = [1, 1]} : vector<1024x4xf32> to vector<1024x1xf32>
    %add3A_24 = arith.constant 1.000000e-03 : f32
    %add3A_25 = vector.broadcast %add3A_24 : f32 to vector<1024x1xf32>
    %add3A_26 = arith.addf %slice3A_23, %add3A_25 : vector<1024x1xf32>
    %div3A_27 = vector.broadcast %add3A_26 : vector<1024x1xf32> to vector<1024x16xf32>
    %div3A_28 = arith.divf %slice3A_22, %div3A_27 : vector<1024x16xf32>
    %slice3A_29 = vector.extract_strided_slice %slice3A {offsets = [0, 48], sizes = [1024, 16], strides = [1, 1]} : vector<1024x64xf32> to vector<1024x16xf32>
    %slice3A_30 = vector.extract_strided_slice %slice3A_8 {offsets = [0, 3], sizes = [1024, 1], strides = [1, 1]} : vector<1024x4xf32> to vector<1024x1xf32>
    %add3A_31 = arith.constant 1.000000e-03 : f32
    %add3A_32 = vector.broadcast %add3A_31 : f32 to vector<1024x1xf32>
    %add3A_33 = arith.addf %slice3A_30, %add3A_32 : vector<1024x1xf32>
    %div3A_34 = vector.broadcast %add3A_33 : vector<1024x1xf32> to vector<1024x16xf32>
    %div3A_35 = arith.divf %slice3A_29, %div3A_34 : vector<1024x16xf32>
    %concatenate3A = tpu.concatenate %div3A_14, %div3A_21, %div3A_28, %div3A_35 in 1 : vector<1024x16xf32>, vector<1024x16xf32>, vector<1024x16xf32>, vector<1024x16xf32> -> vector<1024x64xf32>
    %gt3A = arith.constant 0.000000e+00 : f32
    %gt3A_36 = vector.broadcast %gt3A : f32 to vector<1024x64xf32>
    %gt3A_37 = arith.cmpf ogt, %concatenate3A, %gt3A_36 : vector<1024x64xf32>
    %exp3A = math.exp %concatenate3A : vector<1024x64xf32>
    %sub3A = arith.constant 1.000000e+00 : f32
    %sub3A_38 = vector.broadcast %sub3A : f32 to vector<1024x64xf32>
    %sub3A_39 = arith.subf %exp3A, %sub3A_38 : vector<1024x64xf32>
    %select_n3A = arith.select %gt3A_37, %concatenate3A, %sub3A_39 : vector<1024x64xi1>, vector<1024x64xf32>
    %get3A_40 = arith.constant 0 : index
    %get3A_41 = arith.constant 0 : index
    %get3A_42 = arith.constant 0 : index
    %get3A_43 = vector.load %arg3[%get3A_40, %get3A_41, %get3A_42] : memref<1x1x1024xi32, #tpu.memory_space<vmem>>, vector<1x1x1024xi32>
    %get3A_44 = vector.shape_cast %get3A_43 : vector<1x1x1024xi32> to vector<1024xi32>
    %broadcast_in_dim3A = vector.shape_cast %get3A_44 : vector<1024xi32> to vector<1024x1xi32>
    %iota3A = tpu.iota {dimensions = array<i32: 1>} : vector<1x64xi32>
    %eq3A_45 = vector.broadcast %broadcast_in_dim3A : vector<1024x1xi32> to vector<1024x64xi32>
    %eq3A_46 = vector.broadcast %iota3A : vector<1x64xi32> to vector<1024x64xi32>
    %eq3A_47 = arith.cmpi eq, %eq3A_45, %eq3A_46 : vector<1024x64xi32>
    %convert_element_type3A_48 = arith.extui %eq3A_47 : vector<1024x64xi1> to vector<1024x64xi32>
    %convert_element_type3A_49 = arith.sitofp %convert_element_type3A_48 : vector<1024x64xi32> to vector<1024x64xf32>
    %broadcast_in_dim3A_50 = arith.constant 1.000000e+00 : f32
    %broadcast_in_dim3A_51 = vector.broadcast %broadcast_in_dim3A_50 : f32 to vector<1024x1xf32>
    %concatenate3A_52 = tpu.concatenate %select_n3A, %broadcast_in_dim3A_51 in 1 : vector<1024x64xf32>, vector<1024x1xf32> -> vector<1024x65xf32>
    %get3A_53 = arith.constant 0 : index
    %get3A_54 = arith.constant 0 : index
    %get3A_55 = vector.load %arg9[%get3A_53, %get3A_54] : memref<64x65xf32, #tpu.memory_space<vmem>>, vector<64x65xf32>
    %dot_general3A = arith.constant dense<0.000000e+00> : vector<64x65xf32>
    %dot_general3A_56 = tpu.matmul %convert_element_type3A_49, %concatenate3A_52, %dot_general3A {dimension_numbers = #tpu.dot_dimension_numbers<[0], [0], [1], [1], [0, 1, 1, 1], [], []>, transpose_lhs_hint = false} : vector<1024x64xf32>, vector<1024x65xf32>, vector<64x65xf32> -> vector<64x65xf32>
    %add3A_57 = arith.addf %get3A_55, %dot_general3A_56 : vector<64x65xf32>
    %swap3A = arith.constant 0 : index
    %swap3A_58 = arith.constant 0 : index
    %swap3A_59 = vector.load %arg9[%swap3A, %swap3A_58] : memref<64x65xf32, #tpu.memory_space<vmem>>, vector<64x65xf32>
    tpu.vector_store %arg9[%swap3A, %swap3A_58], %add3A_57 {strides = array<i32>} : memref<64x65xf32, #tpu.memory_space<vmem>>, vector<64x65xf32>,
    %eq3A_60 = arith.constant 9 : i32
    %eq3A_61 = arith.cmpi eq, %arg0, %eq3A_60 : i32
    %convert_element_type3A_62 = arith.extui %eq3A_61 : i1 to i32
    %cond3A_63 = arith.constant 0 : i32
    %cond3A_64 = arith.cmpi ne, %convert_element_type3A_62, %cond3A_63 : i32
    scf.if %cond3A_64 {
      %get3A_65 = arith.constant 0 : index
      %get3A_66 = arith.constant 0 : index
      %get3A_67 = vector.load %arg9[%get3A_65, %get3A_66] : memref<64x65xf32, #tpu.memory_space<vmem>>, vector<64x65xf32>
      %slice3A_68 = vector.extract_strided_slice %get3A_67 {offsets = [0, 0], sizes = [64, 64], strides = [1, 1]} : vector<64x65xf32> to vector<64x64xf32>
      %slice3A_69 = vector.extract_strided_slice %get3A_67 {offsets = [0, 64], sizes = [64, 1], strides = [1, 1]} : vector<64x65xf32> to vector<64x1xf32>
      %jit3A = arith.constant 1.000000e+00 : f32
      %max3A = vector.broadcast %jit3A : f32 to vector<64x1xf32>
      %max3A_70 = arith.maximumf %max3A, %slice3A_69 : vector<64x1xf32>
      %div3A_71 = vector.broadcast %max3A_70 : vector<64x1xf32> to vector<64x64xf32>
      %div3A_72 = arith.divf %slice3A_68, %div3A_71 : vector<64x64xf32>
      %get3A_73 = arith.constant 0 : index
      %get3A_74 = arith.constant 0 : index
      %get3A_75 = vector.load %arg4[%get3A_73, %get3A_74] : memref<64x32xf32, #tpu.memory_space<vmem>>, vector<64x32xf32>
      %dot_general3A_76 = arith.constant dense<0.000000e+00> : vector<64x32xf32>
      %dot_general3A_77 = tpu.matmul %div3A_72, %get3A_75, %dot_general3A_76 {dimension_numbers = #tpu.dot_dimension_numbers<[1], [0], [0], [1], [0, 0, 1, 1], [], []>, transpose_lhs_hint = false} : vector<64x64xf32>, vector<64x32xf32>, vector<64x32xf32> -> vector<64x32xf32>
      %get3A_78 = arith.constant 0 : index
      %get3A_79 = arith.constant 0 : index
      %get3A_80 = vector.load %arg5[%get3A_78, %get3A_79] : memref<1x32xf32, #tpu.memory_space<vmem>>, vector<1x32xf32>
      %add3A_81 = vector.broadcast %get3A_80 : vector<1x32xf32> to vector<64x32xf32>
      %add3A_82 = arith.addf %dot_general3A_77, %add3A_81 : vector<64x32xf32>
      %max3A_83 = arith.constant 0.000000e+00 : f32
      %max3A_84 = vector.broadcast %max3A_83 : f32 to vector<64x32xf32>
      %max3A_85 = arith.maximumf %add3A_82, %max3A_84 : vector<64x32xf32>
      %get3A_86 = arith.constant 0 : index
      %get3A_87 = arith.constant 0 : index
      %get3A_88 = vector.load %arg6[%get3A_86, %get3A_87] : memref<32x2xf32, #tpu.memory_space<vmem>>, vector<32x2xf32>
      %dot_general3A_89 = arith.constant dense<0.000000e+00> : vector<64x2xf32>
      %dot_general3A_90 = tpu.matmul %max3A_85, %get3A_88, %dot_general3A_89 {dimension_numbers = #tpu.dot_dimension_numbers<[1], [0], [0], [1], [0, 0, 1, 1], [], []>, transpose_lhs_hint = false} : vector<64x32xf32>, vector<32x2xf32>, vector<64x2xf32> -> vector<64x2xf32>
      %get3A_91 = arith.constant 0 : index
      %get3A_92 = arith.constant 0 : index
      %get3A_93 = vector.load %arg7[%get3A_91, %get3A_92] : memref<1x2xf32, #tpu.memory_space<vmem>>, vector<1x2xf32>
      %add3A_94 = vector.broadcast %get3A_93 : vector<1x2xf32> to vector<64x2xf32>
      %add3A_95 = arith.addf %dot_general3A_90, %add3A_94 : vector<64x2xf32>
      %swap3A_96 = arith.constant 0 : index
      %swap3A_97 = arith.constant 0 : index
      %swap3A_98 = vector.load %arg8[%swap3A_96, %swap3A_97] : memref<64x2xf32, #tpu.memory_space<vmem>>, vector<64x2xf32>
      tpu.vector_store %arg8[%swap3A_96, %swap3A_97], %add3A_95 {strides = array<i32>} : memref<64x2xf32, #tpu.memory_space<vmem>>, vector<64x2xf32>,
    } else {
    }
    return
  }
  func.func @transform_0(%arg0: i32) -> (i32, i32) {
    %c0_i32 = arith.constant 0 : i32
    %c0_i32_0 = arith.constant 0 : i32
    return %arg0, %c0_i32 : i32, i32
  }
  func.func @transform_1(%arg0: i32) -> (i32, i32) {
    %c0_i32 = arith.constant 0 : i32
    %c0_i32_0 = arith.constant 0 : i32
    return %arg0, %c0_i32 : i32, i32
  }
  func.func @transform_2(%arg0: i32) -> (i32, i32, i32) {
    %c0_i32 = arith.constant 0 : i32
    %c0_i32_0 = arith.constant 0 : i32
    %c0_i32_1 = arith.constant 0 : i32
    return %arg0, %c0_i32, %c0_i32_0 : i32, i32, i32
  }
  func.func @transform_3(%arg0: i32) -> (i32, i32) {
    %c0_i32 = arith.constant 0 : i32
    %c0_i32_0 = arith.constant 0 : i32
    %c0_i32_1 = arith.constant 0 : i32
    return %c0_i32, %c0_i32_0 : i32, i32
  }
  func.func @transform_4(%arg0: i32) -> (i32, i32) {
    %c0_i32 = arith.constant 0 : i32
    %c0_i32_0 = arith.constant 0 : i32
    %c0_i32_1 = arith.constant 0 : i32
    return %c0_i32, %c0_i32_0 : i32, i32
  }
  func.func @transform_5(%arg0: i32) -> (i32, i32) {
    %c0_i32 = arith.constant 0 : i32
    %c0_i32_0 = arith.constant 0 : i32
    %c0_i32_1 = arith.constant 0 : i32
    return %c0_i32, %c0_i32_0 : i32, i32
  }
  func.func @transform_6(%arg0: i32) -> (i32, i32) {
    %c0_i32 = arith.constant 0 : i32
    %c0_i32_0 = arith.constant 0 : i32
    %c0_i32_1 = arith.constant 0 : i32
    return %c0_i32, %c0_i32_0 : i32, i32
  }
  func.func @transform_7(%arg0: i32) -> (i32, i32) {
    %c0_i32 = arith.constant 0 : i32
    %c0_i32_0 = arith.constant 0 : i32
    %c0_i32_1 = arith.constant 0 : i32
    return %c0_i32, %c0_i32_0 : i32, i32
  }
}

</mosaic_0001>

<sc_bundles>
// kernel: kernel.5.cloned.1.call-start
scs
__scs_entry_jumppad:
0x0: {  	(pc) =	sbr.rel $0x88, $3  }
0x1: {  	(tag) =	ssettag $0x0;
	lr =	simm.s32 $0x1  }
0x2: {  	[smem:$0x3F94] =	sst lr;
	_ =	strace $0xD0000000  }
0x3: {  	_ = 	snop  }
0x4: {  	_ = 	snop  }
0x5: {  	_ = 	snop  }
0x6: {  	_ = 	snop  }
0x7: {  	_ = 	snop  }
__scs_overlays_trampoline_lowered:
0x8: {  	[smem:$0x3FA3] =	sst s0  }
0x9: {  	[smem:$0x3FA4] =	sst s1  }
0xa: {  	[smem:$0x3FA5] =	sst s2  }
0xb: {  	[smem:$0x3FA6] =	sst s3  }
0xc: {  	[smem:$0x3FA7] =	sst s4  }
0xd: {  	[smem:$0x3FA8] =	sst s5  }
0xe: {  	[smem:$0x3FA9] =	sst s6  }
0xf: {  	[smem:$0x3FAA] =	sst s7  }
0x10: {  	[smem:$0x3FAB] =	sst s8  }
0x11: {  	[smem:$0x3FAC] =	sst s9;
	s0 =	simm.s32 @!p0 $0x0  }
0x12: {  	s1 =	sld [smem:$0x3F92];
	s0 =	simm.s32 @p0 $0x1  }
0x13: {  	[smem:$0x3FAD] =	sst s0;
	s0 =	simm.s32 @!p1 $0x0  }
0x14: {  	s2 =	sld [smem:$0x3F91];
	s0 =	simm.s32 @p1 $0x1  }
0x15: {  	[smem:$0x3FAE] =	sst s0;
	s0 =	simm.s32 @!p2 $0x0  }
0x16: {  	s3 =	sld [smem:$0x3FDB];
	s0 =	simm.s32 @p2 $0x1  }
0x17: {  	s4 =	simm.s32 $0x1BF5;
	[smem:$0x3FB0] =	sst s0  }
0x18: {  	s0 =	sld [smem:$0x3F93];
	_ =	swait.ge [sflag:s4], $0x0  }
0x19: {  	s7 =	sld [smem:$0x3F94]  }
0x1a: {  	s8 =	sadd.s32 $0xFFFFE003, lr  }
0x1b: {  	s9 =	sadd.s32 $0xFFFFFEF7, lr;
	s5 =	simm.s32 $0xFFFFFFFF;
	p2 =	slt.u32 s8, $0xFFFFF086  }
0x1c: {  	p1 =	slt.u32 s9, $0xF7A;
	s5 =	simm.s32 @!p2 $0x0  }
0x1d: {  	s5 =	simm.s32 @p1 $0x1;
	p0 =	seq.s32 s7, s2  }
0x1e: {  	s7 =	smul.u32 @!p0 $0xF7A, s2;
	p2 =	seq.s32 @!p0 s5, $0x0  }
0x1f: {  	s9 =	smul.u32 $0xF7A, s1;
	s8 =	simm.s32 @!p0 $0x1BF5;
	p2 =	por !p2, p0  }
0x20: {  	[sflag:s8] =	ssyncset.s32 @!p0 $0xFFFFF086;
	s6 =	sadd.s32 @!p0 s3, s7;
	s7 =	simm.s32 @!p0 $0x108  }
0x21: {  	s3 =	sadd.s32 s3, s9;
	s6 =	sadd.s32 @!p0 $0x88, s6;
	s7 =	simm.s32 @p2 $0x1082  }
0x22: {  	[simem:s7], [sflag:s8] =	dma.local @!p0 [hbm:s6], $0xF7A  }
0x23: {  	s9 =	sor.u32 $0xD0000000, s2;
	s6 =	simm.s32 $0x108;
	_ =	swait.ge @!p0 [sflag:s8], $0x0  }
0x24: {  	s3 =	sadd.s32 $0x88, s3;
	s6 =	simm.s32 @!p1 $0x1082;
	[sflag:s4] =	ssyncset.s32 $0xFFFFF086  }
0x25: {  	[simem:s6], [sflag:s4] =	dma.local [hbm:s3], $0xF7A  }
0x26: {  	[smem:$0x3F94] =	sst s1;
	(tag) =	ssettag s2;
	_ =	strace s9  }
0x27: {  	s1 =	sld [smem:$0x3FA4]  }
0x28: {  	s2 =	sld [smem:$0x3FA5]  }
0x29: {  	s4 =	sld [smem:$0x3FA7]  }
0x2a: {  	p0 =	seq.s32 s5, $0x0;
	s5 =	sld [smem:$0x3FA8]  }
0x2b: {  	s6 =	sld [smem:$0x3FA9]  }
0x2c: {  	s7 =	sld [smem:$0x3FAA]  }
0x2d: {  	s3 =	simm.s32 $0x108;
	s8 =	sld [smem:$0x3FAB]  }
0x2e: {  	s3 =	simm.s32 @!p0 $0x1082;
	s9 =	sld [smem:$0x3FAC]  }
0x2f: {  	lr =	sadd.s32 s0, s3;
	s0 =	sld [smem:$0x3FA3]  }
0x30: {  	s3 =	sld [smem:$0x3FA6]  }
0x31: {  	[smem:$0x3FAF] =	sst s10  }
0x32: {  	s10 =	sld [smem:$0x3FAD];
	_ =	sdelay $0x3  }
0x33: {  	p0 =	seq.s32 s10, $0x1;
	s10 =	sld [smem:$0x3FAF];
	_ =	sdelay $0x3  }
0x34: {  	[smem:$0x3FAF] =	sst s10  }
0x35: {  	s10 =	sld [smem:$0x3FAE];
	_ =	sdelay $0x3  }
0x36: {  	p1 =	seq.s32 s10, $0x1;
	s10 =	sld [smem:$0x3FAF];
	_ =	sdelay $0x3  }
0x37: {  	[smem:$0x3FAF] =	sst s10  }
0x38: {  	s10 =	sld [smem:$0x3FB0]  }
0x39: {  	_ = 	snop;
	(pc) =	sbr.ind lr, $3  }
0x3a: {  	_ = 	snop  }
0x3b: {  	_ = 	snop  }
0x3c: {  	p2 =	seq.s32 s10, $0x1;
	s10 =	sld [smem:$0x3FAF]  }
0x3d: {  	_ =	shalt  }
0x3e: {  	_ =	shalt  }
0x3f: {  	_ =	shalt  }
0x40: {  	_ =	shalt  }
0x41: {  	_ =	shalt  }
0x42: {  	_ =	shalt  }
0x43: {  	_ =	shalt  }
0x44: {  	_ =	shalt  }
0x45: {  	_ =	shalt  }
0x46: {  	_ =	shalt  }
0x47: {  	_ =	shalt  }
0x48: {  	_ =	shalt  }
0x49: {  	_ =	shalt  }
0x4a: {  	_ =	shalt  }
0x4b: {  	_ =	shalt  }
0x4c: {  	_ =	shalt  }
0x4d: {  	_ =	shalt  }
0x4e: {  	_ =	shalt  }
0x4f: {  	_ =	shalt  }
0x50: {  	_ =	shalt  }
0x51: {  	_ =	shalt  }
0x52: {  	_ =	shalt  }
0x53: {  	_ =	shalt  }
0x54: {  	_ =	shalt  }
0x55: {  	_ =	shalt  }
0x56: {  	_ =	shalt  }
0x57: {  	_ =	shalt  }
0x58: {  	_ =	shalt  }
0x59: {  	_ =	shalt  }
0x5a: {  	_ =	shalt  }
0x5b: {  	_ =	shalt  }
0x5c: {  	_ =	shalt  }
0x5d: {  	_ =	shalt  }
0x5e: {  	_ =	shalt  }
0x5f: {  	_ =	shalt  }
0x60: {  	_ =	shalt  }
0x61: {  	_ =	shalt  }
0x62: {  	_ =	shalt  }
0x63: {  	_ =	shalt  }
0x64: {  	_ =	shalt  }
0x65: {  	_ =	shalt  }
0x66: {  	_ =	shalt  }
0x67: {  	_ =	shalt  }
0x68: {  	_ =	shalt  }
0x69: {  	_ =	shalt  }
0x6a: {  	_ =	shalt  }
0x6b: {  	_ =	shalt  }
0x6c: {  	_ =	shalt  }
0x6d: {  	_ =	shalt  }
0x6e: {  	_ =	shalt  }
0x6f: {  	_ =	shalt  }
0x70: {  	_ =	shalt  }
0x71: {  	_ =	shalt  }
0x72: {  	_ =	shalt  }
0x73: {  	_ =	shalt  }
0x74: {  	_ =	shalt  }
0x75: {  	_ =	shalt  }
0x76: {  	_ =	shalt  }
0x77: {  	_ =	shalt  }
0x78: {  	_ =	shalt  }
0x79: {  	_ =	shalt  }
0x7a: {  	_ =	shalt  }
0x7b: {  	_ =	shalt  }
0x7c: {  	_ =	shalt  }
0x7d: {  	_ =	shalt  }
0x7e: {  	_ =	shalt  }
0x7f: {  	_ =	shalt  }
0x80: {  	_ =	shalt  }
0x81: {  	_ =	shalt  }
0x82: {  	_ =	shalt  }
0x83: {  	_ =	shalt  }
0x84: {  	_ =	shalt  }
0x85: {  	_ =	shalt  }
0x86: {  	_ =	shalt  }
0x87: {  	_ =	shalt  }
.Lfunc_end0:
.L_simem_size_0:
called_computation_lowered:
.L_overlay_start_0:
0x88: {  	s2 =	sld [smem:$0x3FD9]  }
0x89: {  	s3 =	sld [smem:$0x3FFE];
	_ =	sdelay $0x1  }
0x8a: {  	s1 =	srdreg.scid  }
0x8b: {  	s0 =	sand.u32 $0x1, s1  }
0x8c: {  	s16 =	sshll.u32 s0, $0xA;
	s2 =	sadd.s32 s3, s2  }
0x8d: {  	s2 =	sadd.s32 s2, s16  }
0x8e: {  	[smem:$0x3FBB] =	sst s2  }
0x8f: {  	_ = 	snop  }
0x90: {  	(tm) =	ssettm $0x1  }
0x91: {  	s17 =	sld [smem:$0x3FFB];
	_ =	sdelay $0x3  }
0x92: {  	_ =	strace s17  }
0x93: {  	s2 =	sld [smem:$0x3FFC];
	_ =	sdelay $0x3  }
0x94: {  	_ =	strace s2  }
0x95: {  	s2 =	sld [smem:$0x3FFD];
	_ =	sdelay $0x3  }
0x96: {  	_ =	strace s2  }
0x97: {  	_ =	strace $0x8FFFFFFF  }
0x98: {  	s18 =	sld [smem:$0x3FDB];
	_ =	sdelay $0x1  }
0x99: {  	s19 =	simm.s32 $_scs_section_size  }
0x9a: {  	s4 =	simm.s32 $_size__tile_overlayer_lowered;
	s5 =	simm.s32 $_tile_overlayer_lowered  }
0x9b: {  	s22 =	simm.s32 $0x1BFF;
	s21 =	sshll.u32 s5, $0x1;
	s2 =	sadd.s32 s19, s18  }
0x9c: {  	s6 =	simm.s32 $0x0;
	s20 =	sshll.u32 s4, $0x1;
	s4 =	sadd.s32 s21, s2  }
0x9d: {  	[timem:s6], [sflag:s22] =	dma.local [hbm:s4], s20  }
0x9e: {  	_ =	swait.ge [sflag:s22], s20  }
0x9f: {  	s3 =	ssub.s32 $0x0, s20;
	[sflag:s22] =	ssyncset.done $0x0  }
0xa0: {  	[sflag:s22] =	ssyncadd.s32 s3;
	_ =	sdelay $0x1  }
0xa1: {  	s23 =	simm.s32 $0x1B8B  }
0xa2: {  	_ =	swait.ge [sflag:s23], $0x1  }
0xa3: {  	[sflag:s23] =	ssyncset.done $0x0  }
0xa4: {  	s25 =	simm.s32 $0x1B8E;
	s24 =	sld [smem:$0x3FFE];
	[sflag:s23] =	ssyncadd.s32 $0xFFFFFFFF  }
0xa5: {  	s26 =	simm.s32 $execute0_lowered;
	[smem:$0x3FD2] =	sst s25  }
0xa6: {  	s4 =	sshll.u32 s26, $0x1;
	_ =	strace $0x80000046;
	[dreg:$0x1] =	wrdreg $0xFFFFFFFF  }
0xa7: {  	s28 =	simm.s32 $_size_execute0_lowered;
	s2 =	sadd.s32 s2, s4;
	[dreg:$0x0] =	wrdreg $0x0  }
0xa8: {  	s4 =	sshll.u32 s28, $0x1;
	[dreg:$0x2] =	wrdreg s2  }
0xa9: {  	[dreg:$0x3] =	wrdreg s4  }
0xaa: {  	[dreg:$0x4] =	wrdreg $0xC0  }
0xab: {  	_ =	task [dreg:s6], $0x5FFFF  }
0xac: {  	[dreg:$0x1] =	wrdreg $0xFFFFFFFF  }
0xad: {  	[dreg:$0x0] =	wrdreg $0x60  }
0xae: {  	[dreg:$0x2] =	wrdreg s24  }
0xaf: {  	[dreg:$0x3] =	wrdreg $0x0  }
0xb0: {  	[dreg:$0x4] =	wrdreg $0x9  }
0xb1: {  	_ =	task.clear_ibuf [dreg:s6], $0x5FFFF;
	_ =	strace $0x90000046  }
0xb2: {  	s29 =	simm.s32 $0x9;
	_ =	strace $0x80000048  }
0xb3: {  	_ =	swait.ge [sflag:s29], $0x1  }
0xb4: {  	[sflag:s29] =	ssyncadd.s32 $0xFFFFFFFF  }
0xb5: {  	_ =	strace $0x90000048  }
0xb6: {  	_ =	sfence  }
0xb7: {  	s30 =	sld [smem:$0x0];
	_ =	sdelay $0x2  }
0xb8: {  	s31 =	sshll.u32 s1, $0xD;
	s1 =	sshrl.u32 s1, $0x2  }
0xb9: {  	s3 =	sand.u32 $0x4000, s31;
	s1 =	sadd.s32 s1, s30  }
0xba: {  	s0 =	sor.u32 s3, s0;
	s1 =	sshll.u32 s1, $0x11  }
0xbb: {  	s0 =	sor.u32 s1, s0  }
0xbc: {  	s0 =	sadd.s32 $0x8F2B, s0  }
0xbd: {  	[sflag:s0] =	ssyncadd.remote.s32 $0x1  }
0xbe: {  	_ =	sfence.sel $0xFFFF  }
0xbf: {  	[dreg:$0x0] =	wrdreg $0xFFFFFFFF;
	(pc) =	sbr.abs _section_cstart, $3  }
0xc0: {  	[dreg:$0x1] =	wrdreg $0xFFFFFFFF  }
0xc1: {  	_ =	task.clear_ibuf [dreg:s6], $0x2FFFF;
	_ =	strace $0x9FFFFFFF  }
0xc2: {  	(tm) =	ssettm $0x7FFFFFFF  }
0xc3: {  	_ =	shalt  }
tec
execute0_lowered:
.L_overlay_start_1:
0x0: {  	(tag) =	ssettag $0x1  }
0x1: {  	s0 =	srdreg.scid;
	s1 =	rddreg [dreg:$0x0]  }
0x2: {  	s2 =	rddreg [dreg:$0x1];
	s11 =	stileid.u32;
	s4 =	simm.s32 $0x0  }
0x3: {  	s12 =	simm.s32 $0x9;
	s15 =	simm.s32 $0x7D;
	s16 =	simm.s32 $0x11800  }
0x4: {  	s19 =	simm.s32 $0x13F10;
	s21 =	simm.s32 $0x1BC10;
	s22 =	simm.s32 $0x1  }
0x5: {  	s28 =	simm.s32 $0x18D30;
	s29 =	simm.s32 $0x1CBB0;
	s30 =	simm.s32 $0x3  }
0x6: {  	s31 =	simm.s32 $0x5;
	s17 =	simm.s32 $0x7;
	s18 =	simm.s32 $0x8  }
0x7: {  	s20 =	simm.s32 $0x0;
	s0 =	sand.u32 $0x1, s0;
	[smem:$0x7FF] =	sst s4  }
0x8: {  	s4 =	sadd.s32 $0x1400, s1;
	s6 =	smul.u32 $0xC800, s11;
	s5 =	sadd.s32 $0x1A400, s1  }
0x9: {  	s24 =	sshll.u32 s11, $0x6;
	s3 =	sshll.u32 s0, $0x4;
	_ =	strace $0x80000047  }
0xa: {  	s7 =	smul.u32 $0x19000, s0;
	s0 =	ssub.s32 $0x2, s0;
	s3 =	sor.u32 s11, s3  }
0xb: {  	s8 =	sshrl.u32 s6, $0x3;
	s9 =	sshrl.u32 s0, $0x1;
	s6 =	sadd.s32 s6, s2  }
0xc: {  	s3 =	smul.u32 $0x500, s3;
	s10 =	sadd.s32 s8, s1;
	s0 =	ssub.s32 s0, s9  }
0xd: {  	s11 =	sshrl.u32 s6, $0x3;
	s23 =	sadd.s32 $0x33400, s10;
	s0 =	smax.u32 s0, $0x1  }
0xe: {  	s3 =	sadd.s32 s3, s1;
	s1 =	sadd.s32 s7, s1;
	[dreg:$0x3] =	wrdreg s23  }
.Ltmp0:
0xf: {  	s7 =	sor.u32 $0x1C09, s24;
	[dreg:$0x6] =	wrdreg s0;
	(pc) =	sbr.rel .LBB2_1-.Ltmp0, $4  }
0x10: {  	s23 =	simm.s32 $0x16620;
	s0 =	simm.s32 $0x4;
	s25 =	sadd.s32 $0x29400, s3  }
0x11: {  	s3 =	sadd.s32 $0x1F400, s3;
	s1 =	sadd.s32 $0x4C400, s1;
	[dreg:$0x4] =	wrdreg s25  }
0x12: {  	[dreg:$0x5] =	wrdreg s3;
	s26 =	sadd.s32 s8, s1;
	s25 =	simm.s32 $0x1C3E0  }
0x13: {  	s1 =	simm.s32 $0x6;
	[dreg:$0x7] =	wrdreg s26;
	s26 =	simm.s32 $0x2  }
.LBB2_12:
0x14: {  	_ =	swait.ge [sflag:s17], $0x2710  }
0x15: {  	[sflag:s17] =	ssyncset.done $0x0  }
0x16: {  	[sflag:s17] =	ssyncadd.s32 $0xFFFFD8F0  }
0x17: {  	_ =	swait.ge [sflag:s18], $0x2710  }
0x18: {  	[sflag:s18] =	ssyncset.done $0x0  }
0x19: {  	[sflag:s18] =	ssyncadd.s32 $0xFFFFD8F0  }
0x1a: {  	[bflag:$0x0] =	sbarrier.arrive $0xFFFF  }
0x1b: {  	s3 =	rddreg [dreg:$0x7]  }
0x1c: {  	[hbm:s3], [sflag:s7] =	dma.local [spmem:s11], $0x1900  }
0x1d: {  	_ =	swait.ge [sflag:s12], $0x1900  }
0x1e: {  	s20 =	sadd.s32 $0x1, s20;
	s24 =	rddreg [dreg:$0x6]  }
0x1f: {  	p0 =	sne.s32 s20, s24  }
.Ltmp1:
0x20: {  	_ = 	snop;
	(pc) =	sbr.rel @!p0 .LBB2_13-.Ltmp1, $3  }
0x21: {  	_ =	sdelay $0x1  }
0x22: {  	[sflag:s12] =	ssyncset.done $0x0  }
0x23: {  	[sflag:s12] =	ssyncadd.s32 $0xFFFFE700  }
.LBB2_1:
0x24: {  	s3 =	rddreg [dreg:$0x3]  }
0x25: {  	[spmem:s11], [sflag:s7] =	dma.local [hbm:s3], $0x1900  }
0x26: {  	_ =	swait.ge [sflag:s12], $0x1900  }
0x27: {  	s24 =	simm.s32 $0x0;
	[sflag:s12] =	ssyncset.done $0x0  }
0x28: {  	s8 =	simm.s32 $0xC800;
	s6 =	rddreg [dreg:$0x4];
	[sflag:s12] =	ssyncadd.s32 $0xFFFFE700  }
0x29: {  	[tilespmem:s8], [sflag:$0x9] =	stream.linear.gather [hbm4b:s6+s24], $0x2800, $0x38;
	[tilespmem:$0x1D380] =	vst v63  }
0x2a: {  	_ =	swait.ge [sflag:s12], $0x2800  }
0x2b: {  	[sflag:s12] =	ssyncset.done $0x0  }
0x2c: {  	s9 =	simm.s32 $0xF000;
	s10 =	rddreg [dreg:$0x5];
	[sflag:s12] =	ssyncadd.s32 $0xFFFFD800  }
0x2d: {  	[tilespmem:s9], [sflag:$0x9] =	stream.linear.gather [hbm4b:s10+s24], $0x2800, $0x38;
	[tilespmem:$0x1D380] =	vst v63  }
0x2e: {  	_ =	swait.ge [sflag:s12], $0x2800  }
0x2f: {  	[sflag:s12] =	ssyncset.done $0x0  }
0x30: {  	[sflag:s12] =	ssyncadd.s32 $0xFFFFD800  }
0x31: {  	[bflag:$0x0] =	sbarrier.arrive $0xFFFF  }
0x32: {  	[tilespmem:s16], [sflag:$0x1] =	stream.indirect.gather [hbm4b:s4+s15], $0x50, s8, s15, $0xb8;
	[tilespmem:$0x1D380] =	vst v63  }
0x33: {  	s13 =	simm.s32 $0x1B440  }
0x34: {  	[tilespmem:s13], [sflag:$0x1] =	stream.indirect.gather [hbm4b:s5+s15], $0x10, s9, s15, $0xb8;
	[tilespmem:$0x1D380] =	vst v63  }
0x35: {  	s14 =	simm.s32 $0xC880  }
0x36: {  	[tilespmem:s19], [sflag:$0x2] =	stream.indirect.gather [hbm4b:s4+s15], $0x50, s14, s15, $0xb8;
	[tilespmem:$0x1D380] =	vst v63  }
0x37: {  	s24 =	simm.s32 $0xF080;
	s13 =	simm.s32 $0x0  }
0x38: {  	[tilespmem:s21], [sflag:$0x2] =	stream.indirect.gather [hbm4b:s5+s15], $0x10, s24, s15, $0xb8;
	[tilespmem:$0x1D380] =	vst v63  }
.LBB2_2:
0x39: {  	_ =	swait.ge [sflag:s22], $0x2710  }
0x3a: {  	[sflag:s22] =	ssyncset.done $0x0  }
0x3b: {  	[sflag:s22] =	ssyncadd.s32 $0xFFFFD8F0  }
0x3c: {  	_ =	swait.ge [sflag:s22], $0x7D0  }
0x3d: {  	[sflag:s22] =	ssyncset.done $0x0  }
0x3e: {  	s6 =	simm.s32 $0x118C0;
	[sflag:s22] =	ssyncadd.s32 $0xFFFFF830  }
0x3f: {  	v0 =	vld [tilespmem:s6+$0xC0]  }
0x40: {  	v1 =	vld [tilespmem:s6+$0xFFFFFFD0]  }
0x41: {  	v2 =	vld [tilespmem:s6+$0x20]  }
0x42: {  	s3 =	simm.s32 $0x1B460;
	v3 =	vld [tilespmem:s6+$0x70]  }
0x43: {  	v4 =	vld [tilespmem:s3+$0x20]  }
0x44: {  	v5 =	vld [tilespmem:s6+$0xFFFFFF80]  }
0x45: {  	v6 =	vld [tilespmem:s3+$0xFFFFFFF0]  }
0x46: {  	v10 =	vld [tilespmem:s6+$0xFFFFFF40]  }
0x47: {  	v16 =	vld [tilespmem:s6+$0x0]  }
0x48: {  	v19 =	vld [tilespmem:s6+$0x10]  }
0x49: {  	v24 =	vld [tilespmem:s6+$0x40];
	v0 =	vcvt.s32.f32 v0  }
0x4a: {  	v27 =	vld [tilespmem:s6+$0x50];
	v1 =	vcvt.s32.f32 v1;
	v2 =	vcvt.s32.f32 v2  }
0x4b: {  	v7 =	vld [tilespmem:s3+$0x0];
	v3 =	vcvt.s32.f32 v3;
	v5 =	vcvt.s32.f32 v5  }
0x4c: {  	v31 =	vld [tilespmem:s6+$0x60];
	v10 =	vcvt.s32.f32 v10;
	v0 =	vmul.f32 $3.051757810e-05, v0  }
0x4d: {  	v8 =	vld [tilespmem:s3+$0xFFFFFFE0];
	v16 =	vcvt.s32.f32 v16;
	v19 =	vcvt.s32.f32 v19  }
0x4e: {  	v34 =	vld [tilespmem:s6+$0x80];
	v24 =	vcvt.s32.f32 v24;
	v2 =	vmul.f32 $3.051757810e-05, v2;
	v0 =	vadd.f32 v0, v4  }
0x4f: {  	v27 =	vcvt.s32.f32 v27;
	v1 =	vmul.f32 $3.051757810e-05, v1;
	v4 =	vld [tilespmem:s3+$0x10]  }
0x50: {  	v5 =	vmul.f32 $3.051757810e-05, v5;
	v2 =	vadd.f32 v2, v7;
	v9 =	vmul.f32 $2.000000030e-01, v0  }
0x51: {  	v38 =	vld [tilespmem:s6+$0x90];
	v31 =	vcvt.s32.f32 v31;
	v3 =	vmul.f32 $3.051757810e-05, v3;
	v1 =	vadd.f32 v1, v6  }
0x52: {  	v41 =	vld [tilespmem:s6+$0xA0];
	v5 =	vadd.f32 v5, v8;
	v8 =	vmul.f32 $2.000000030e-01, v2;
	v0 =	vmax.f32 v0, v9  }
0x53: {  	v34 =	vcvt.s32.f32 v34;
	v6 =	vld [tilespmem:s6+$0xFFFFFF50];
	v0 =	vmul.f32 $1.442695020e+00, v0  }
0x54: {  	v2 =	vmax.f32 v2, v8;
	v8 =	vld [tilespmem:s6+$0xFFFFFFA0];
	v3 =	vadd.f32 v3, v4;
	v4 =	vmul.f32 $2.000000030e-01, v1  }
0x55: {  	v7 =	vld [tilespmem:s6+$0xFFFFFF60];
	v11 =	vmul.f32 $2.000000030e-01, v5;
	(erf) = vpow2.f32 v0  }
0x56: {  	v38 =	vcvt.s32.f32 v38;
	v9 =	vld [tilespmem:s6+$0xFFFFFF70];
	v1 =	vmax.f32 v1, v4;
	v4 =	vmul.f32 $2.000000030e-01, v3  }
0x57: {  	v41 =	vcvt.s32.f32 v41;
	v5 =	vmax.f32 v5, v11;
	v11 =	vld [tilespmem:s6+$0xFFFFFFB0];
	v2 =	vmul.f32 $1.442695020e+00, v2  }
0x58: {  	v5 =	vmul.f32 $1.442695020e+00, v5;
	v0 =	vld [tilespmem:s6+$0xFFFFFF90];
	v1 =	vmul.f32 $1.442695020e+00, v1;
	v3 =	vmax.f32 v3, v4  }
0x59: {  	v4 =	vld [tilespmem:s6+$0xFFFFFFC0];
	v8 =	vcvt.s32.f32 v8;
	v3 =	vmul.f32 $1.442695020e+00, v3  }
0x5a: {  	(erf) = vpow2.f32 v1;
	v1 =	vcvt.s32.f32 v6;
	v6 =	vld [tilespmem:s6+$0xB0]  }
0x5b: {  	(erf) = vpow2.f32 v5;
	v5 =	vcvt.s32.f32 v7  }
0x5c: {  	v7 =	vcvt.s32.f32 v9;
	(erf) = vpow2.f32 v2;
	v2 =	vld [tilespmem:s6+$0xFFFFFFE0]  }
0x5d: {  	v9 =	vcvt.s32.f32 v11;
	v0 =	vcvt.s32.f32 v0  }
0x5e: {  	(erf) = vpow2.f32 v3;
	v3 =	vld [tilespmem:s6+$0xFFFFFFF0];
	v4 =	vcvt.s32.f32 v4;
	v11 =	vpop (erf)  }
0x5f: {  	v6 =	vcvt.s32.f32 v6;
	v12 =	vbroadcast v11, $0x3  }
0x60: {  	v13 =	vbroadcast v11, $0x0;
	v14 =	vbroadcast v11, $0x1  }
0x61: {  	v15 =	vbroadcast v11, $0x2;
	v2 =	vcvt.s32.f32 v2  }
0x62: {  	v55 =	vmul.f32 $3.276800000e+04, v11;
	v6 =	vmul.f32 v6, v12  }
0x63: {  	v3 =	vcvt.s32.f32 v3;
	v50 =	vmul.f32 v38, v14  }
0x64: {  	v15 =	vmul.f32 v41, v15;
	v12 =	vpop (erf);
	v6 =	vtrunc.f32 v6  }
0x65: {  	v17 =	vbroadcast v12, $0x0;
	v21 =	vcvt.f32.s32 v6  }
0x66: {  	v26 =	vbroadcast v12, $0x1;
	v29 =	vbroadcast v12, $0x2  }
0x67: {  	v18 =	vpop (erf);
	v30 =	vbroadcast v12, $0x3;
	v51 =	vmul.f32 $3.276800000e+04, v12  }
0x68: {  	v20 =	vbroadcast v18, $0x0;
	v22 =	vbroadcast v18, $0x1  }
0x69: {  	v23 =	vbroadcast v18, $0x2;
	v25 =	vbroadcast v18, $0x3;
	v28 =	vpop (erf)  }
0x6a: {  	v18 =	vmul.f32 $3.276800000e+04, v18;
	v32 =	vbroadcast v28, $0x0  }
0x6b: {  	v33 =	vbroadcast v28, $0x1;
	v36 =	vbroadcast v28, $0x2  }
0x6c: {  	v37 =	vbroadcast v28, $0x3;
	v0 =	vmul.f32 v0, v17  }
0x6d: {  	v8 =	vmul.f32 v8, v26;
	v9 =	vmul.f32 v9, v29  }
0x6e: {  	v35 =	vpop (erf);
	v4 =	vmul.f32 v4, v30;
	v52 =	vmul.f32 $3.276800000e+04, v28  }
0x6f: {  	v39 =	vbroadcast v35, $0x0;
	v40 =	vbroadcast v35, $0x1  }
0x70: {  	v42 =	vbroadcast v35, $0x2;
	v10 =	vmul.f32 v10, v20  }
0x71: {  	v20 =	vbroadcast v35, $0x3;
	v1 =	vmul.f32 v1, v22  }
0x72: {  	v5 =	vmul.f32 v5, v23;
	v7 =	vmul.f32 v7, v25  }
0x73: {  	v23 =	vmul.f32 v34, v13;
	v53 =	vmul.f32 $3.276800000e+04, v35  }
0x74: {  	v6 =	vld [tilespmem:s6+$0x30];
	v2 =	vmul.f32 v2, v32;
	v3 =	vmul.f32 v3, v33  }
0x75: {  	v16 =	vmul.f32 v16, v36;
	v17 =	vmul.f32 v19, v37  }
0x76: {  	v59 =	vtrunc.f32 v0;
	v60 =	vtrunc.f32 v8  }
0x77: {  	v61 =	vtrunc.f32 v9;
	v62 =	vtrunc.f32 v4  }
0x78: {  	v4 =	vtrunc.f32 v18;
	v0 =	vtrunc.f32 v55  }
0x79: {  	v6 =	vcvt.s32.f32 v6;
	v19 =	vmul.f32 v24, v40  }
0x7a: {  	v22 =	vmul.f32 v27, v42;
	v20 =	vmul.f32 v31, v20  }
0x7b: {  	v54 =	vtrunc.f32 v10;
	v56 =	vtrunc.f32 v1  }
0x7c: {  	v57 =	vtrunc.f32 v5;
	v58 =	vtrunc.f32 v7  }
0x7d: {  	v7 =	vtrunc.f32 v23;
	v5 =	vtrunc.f32 v15  }
0x7e: {  	v1 =	vtrunc.f32 v53;
	v18 =	vcvt.f32.s32 v60  }
0x7f: {  	v63 =	vtrunc.f32 v2;
	v14 =	vtrunc.f32 v3  }
0x80: {  	v13 =	vtrunc.f32 v16;
	v12 =	vtrunc.f32 v17  }
0x81: {  	v3 =	vtrunc.f32 v51;
	v2 =	vtrunc.f32 v52  }
0x82: {  	v15 =	vcvt.f32.s32 v54;
	v16 =	vcvt.f32.s32 v56  }
0x83: {  	[tilespmem:s6+$0xB0] =	vst v21;
	v21 =	vcvt.f32.s32 v57;
	v17 =	vcvt.f32.s32 v61  }
0x84: {  	v6 =	vmul.f32 v6, v39;
	v10 =	vtrunc.f32 v19  }
0x85: {  	v9 =	vtrunc.f32 v22;
	v8 =	vtrunc.f32 v20  }
0x86: {  	v20 =	vcvt.f32.s32 v58;
	v19 =	vcvt.f32.s32 v59;
	[tilespmem:s6+$0xFFFFFF40] =	vst v15  }
0x87: {  	[tilespmem:s6+$0xFFFFFF50] =	vst v16;
	v16 =	vcvt.f32.s32 v62;
	v15 =	vcvt.f32.s32 v63  }
0x88: {  	s8 =	simm.s32 $0x0;
	s9 =	simm.s32 $0x11A50;
	[tilespmem:s6+$0xFFFFFF60] =	vst v21;
	v11 =	vtrunc.f32 v6;
	v6 =	vtrunc.f32 v50  }
.LBB2_3:
0x89: {  	v21 =	vld [tilespmem:s9+$0xC0];
	s8 =	sadd.s32 $0x5, s8;
	[tilespmem:s6+$0xFFFFFF70] =	vst v20;
	v14 =	vcvt.f32.s32 v14;
	v13 =	vcvt.f32.s32 v13  }
0x8a: {  	v12 =	vcvt.f32.s32 v12;
	v11 =	vcvt.f32.s32 v11;
	v20 =	vld [tilespmem:s9+$0xFFFFFFD0];
	p0 =	slt.u32 s8, $0x78;
	[tilespmem:s6+$0xFFFFFF90] =	vst v19  }
0x8b: {  	v10 =	vcvt.f32.s32 v10;
	v9 =	vcvt.f32.s32 v9;
	v19 =	vld [tilespmem:s9+$0x20];
	[tilespmem:s6+$0xFFFFFFA0] =	vst v18  }
0x8c: {  	v8 =	vcvt.f32.s32 v8;
	v7 =	vcvt.f32.s32 v7;
	s3 =	sadd.s32 $0x50, s3;
	v18 =	vld [tilespmem:s9+$0x70];
	[tilespmem:s6+$0xFFFFFFB0] =	vst v17  }
0x8d: {  	v6 =	vcvt.f32.s32 v6;
	v5 =	vcvt.f32.s32 v5;
	v17 =	vld [tilespmem:s3+$0x20];
	[tilespmem:s6+$0xFFFFFFC0] =	vst v16  }
0x8e: {  	v4 =	vcvt.f32.s32 v4;
	v16 =	vld [tilespmem:s9+$0xFFFFFF80];
	v21 =	vcvt.s32.f32 v21;
	[tilespmem:s6+$0xFFFFFFE0] =	vst v15  }
0x8f: {  	v3 =	vcvt.f32.s32 v3;
	v15 =	vld [tilespmem:s3+$0xFFFFFFE0];
	v20 =	vcvt.s32.f32 v20;
	[tilespmem:s6+$0xFFFFFFF0] =	vst v14  }
0x90: {  	v14 =	vld [tilespmem:s3+$0xFFFFFFF0];
	v19 =	vcvt.s32.f32 v19;
	v21 =	vmul.f32 $3.051757810e-05, v21;
	[tilespmem:s6+$0x0] =	vst v13  }
0x91: {  	v13 =	vmul.f32 $3.051757810e-05, v20;
	v20 =	vld [tilespmem:s3+$0x0];
	v18 =	vcvt.s32.f32 v18;
	[tilespmem:s6+$0x10] =	vst v12  }
0x92: {  	v2 =	vcvt.f32.s32 v2;
	v12 =	vmul.f32 $3.051757810e-05, v19;
	v19 =	vld [tilespmem:s3+$0x10];
	v17 =	vadd.f32 v21, v17;
	[tilespmem:s6+$0x30] =	vst v11  }
0x93: {  	v11 =	vcvt.s32.f32 v16;
	v16 =	vld [tilespmem:s9+$0xFFFFFF40];
	v18 =	vmul.f32 $3.051757810e-05, v18;
	[tilespmem:s6+$0x40] =	vst v10  }
0x94: {  	v1 =	vcvt.f32.s32 v1;
	v10 =	vld [tilespmem:s9+$0xFFFFFF50];
	v21 =	vmul.f32 $2.000000030e-01, v17;
	[tilespmem:s6+$0x50] =	vst v9  }
0x95: {  	v0 =	vcvt.f32.s32 v0;
	v9 =	vmul.f32 $3.051757810e-05, v11;
	v11 =	vld [tilespmem:s9+$0xFFFFFF60];
	v13 =	vadd.f32 v13, v14;
	[tilespmem:s6+$0x60] =	vst v8  }
0x96: {  	v8 =	vld [tilespmem:s9+$0xFFFFFF70];
	v12 =	vadd.f32 v12, v20;
	v14 =	vmax.f32 v17, v21;
	[tilespmem:s6+$0x80] =	vst v7  }
0x97: {  	v7 =	vadd.f32 v9, v15;
	v9 =	vld [tilespmem:s9+$0xFFFFFF90];
	v15 =	vadd.f32 v18, v19;
	v14 =	vmul.f32 $1.442695020e+00, v14;
	[tilespmem:s6+$0x90] =	vst v6  }
0x98: {  	v6 =	vmul.f32 $2.000000030e-01, v13;
	v17 =	vld [tilespmem:s9+$0xFFFFFFA0];
	v18 =	vmul.f32 $2.000000030e-01, v12;
	[tilespmem:s6+$0xA0] =	vst v5  }
0x99: {  	v5 =	vmul.f32 $2.000000030e-01, v7;
	v19 =	vld [tilespmem:s9+$0xFFFFFFB0];
	(erf) = vpow2.f32 v14;
	[tilespmem:s6+$0xFFFFFF80] =	vst v4  }
0x9a: {  	v4 =	vmax.f32 v13, v6;
	v13 =	vmul.f32 $2.000000030e-01, v15;
	v6 =	vld [tilespmem:s9+$0xFFFFFFC0];
	v12 =	vmax.f32 v12, v18;
	[tilespmem:s6+$0xFFFFFFD0] =	vst v3  }
0x9b: {  	v4 =	vmul.f32 $1.442695020e+00, v4;
	v3 =	vmax.f32 v7, v5;
	v5 =	vmul.f32 $1.442695020e+00, v12;
	v7 =	vld [tilespmem:s9+$0xFFFFFFE0];
	[tilespmem:s6+$0x20] =	vst v2  }
0x9c: {  	v13 =	vmax.f32 v15, v13;
	v2 =	vmul.f32 $1.442695020e+00, v3;
	v3 =	vcvt.s32.f32 v16;
	v12 =	vld [tilespmem:s9+$0xFFFFFFF0];
	[tilespmem:s6+$0x70] =	vst v1  }
0x9d: {  	v13 =	vmul.f32 $1.442695020e+00, v13;
	v1 =	vld [tilespmem:s9+$0x0];
	(erf) = vpow2.f32 v4;
	[tilespmem:s6+$0xC0] =	vst v0;
	s6 =	smov.u32 s9  }
0x9e: {  	v0 =	vcvt.s32.f32 v10;
	v4 =	vld [tilespmem:s9+$0xB0];
	(erf) = vpow2.f32 v2  }
0x9f: {  	v2 =	vcvt.s32.f32 v11;
	v10 =	vld [tilespmem:s9+$0x10];
	(erf) = vpow2.f32 v5  }
0xa0: {  	v5 =	vcvt.s32.f32 v8;
	v8 =	vld [tilespmem:s9+$0x30];
	(erf) = vpow2.f32 v13  }
0xa1: {  	v9 =	vcvt.s32.f32 v9;
	v11 =	vcvt.s32.f32 v17;
	v13 =	vld [tilespmem:s9+$0x40]  }
0xa2: {  	v14 =	vcvt.s32.f32 v19;
	v6 =	vcvt.s32.f32 v6;
	v15 =	vld [tilespmem:s9+$0x50];
	v16 =	vpop (erf)  }
0xa3: {  	v17 =	vld [tilespmem:s9+$0x60];
	v4 =	vcvt.s32.f32 v4;
	v18 =	vbroadcast v16, $0x3  }
0xa4: {  	v20 =	vbroadcast v16, $0x0;
	v21 =	vbroadcast v16, $0x1;
	v19 =	vld [tilespmem:s9+$0x80]  }
0xa5: {  	v23 =	vbroadcast v16, $0x2;
	v22 =	vld [tilespmem:s9+$0x90];
	v4 =	vmul.f32 v4, v18  }
0xa6: {  	v7 =	vcvt.s32.f32 v7;
	v12 =	vcvt.s32.f32 v12;
	v18 =	vld [tilespmem:s9+$0xA0];
	v24 =	vpop (erf)  }
0xa7: {  	v25 =	vbroadcast v24, $0x0;
	v4 =	vtrunc.f32 v4;
	v26 =	vpop (erf)  }
0xa8: {  	v27 =	vbroadcast v26, $0x0;
	v4 =	vcvt.f32.s32 v4;
	v28 =	vpop (erf)  }
0xa9: {  	v29 =	vbroadcast v26, $0x1;
	v30 =	vbroadcast v26, $0x2;
	v31 =	vpop (erf)  }
0xaa: {  	v33 =	vbroadcast v24, $0x1;
	v32 =	vbroadcast v26, $0x3;
	[tilespmem:s9+$0xB0] =	vst v4  }
0xab: {  	v34 =	vbroadcast v24, $0x3;
	v4 =	vbroadcast v24, $0x2  }
0xac: {  	v35 =	vbroadcast v28, $0x0;
	v36 =	vbroadcast v28, $0x1  }
0xad: {  	v37 =	vbroadcast v28, $0x2;
	v38 =	vbroadcast v28, $0x3  }
0xae: {  	v39 =	vbroadcast v31, $0x0;
	v40 =	vbroadcast v31, $0x1  }
0xaf: {  	v41 =	vbroadcast v31, $0x2;
	v42 =	vbroadcast v31, $0x3  }
0xb0: {  	v1 =	vcvt.s32.f32 v1;
	v10 =	vcvt.s32.f32 v10  }
0xb1: {  	v8 =	vcvt.s32.f32 v8;
	v13 =	vcvt.s32.f32 v13  }
0xb2: {  	v15 =	vcvt.s32.f32 v15;
	v17 =	vcvt.s32.f32 v17  }
0xb3: {  	v19 =	vcvt.s32.f32 v19;
	v22 =	vcvt.s32.f32 v22  }
0xb4: {  	v3 =	vmul.f32 v3, v27;
	v18 =	vcvt.s32.f32 v18  }
0xb5: {  	v0 =	vmul.f32 v0, v29;
	v2 =	vmul.f32 v2, v30  }
0xb6: {  	v9 =	vmul.f32 v9, v25;
	v5 =	vmul.f32 v5, v32  }
0xb7: {  	v11 =	vmul.f32 v11, v33;
	v4 =	vmul.f32 v14, v4  }
0xb8: {  	v6 =	vmul.f32 v6, v34;
	v7 =	vmul.f32 v7, v35  }
0xb9: {  	v12 =	vmul.f32 v12, v36;
	v1 =	vmul.f32 v1, v37  }
0xba: {  	v10 =	vmul.f32 v10, v38;
	v8 =	vmul.f32 v8, v39  }
0xbb: {  	v25 =	vmul.f32 v13, v40;
	v15 =	vmul.f32 v15, v41  }
0xbc: {  	v19 =	vmul.f32 v19, v20;
	v17 =	vmul.f32 v17, v42  }
0xbd: {  	v20 =	vmul.f32 v22, v21;
	v18 =	vmul.f32 v18, v23  }
0xbe: {  	v21 =	vmul.f32 $3.276800000e+04, v26;
	v22 =	vmul.f32 $3.276800000e+04, v24  }
0xbf: {  	v24 =	vmul.f32 $3.276800000e+04, v31;
	v23 =	vmul.f32 $3.276800000e+04, v28  }
0xc0: {  	v16 =	vmul.f32 $3.276800000e+04, v16;
	v26 =	vtrunc.f32 v3  }
0xc1: {  	v27 =	vtrunc.f32 v0;
	v28 =	vtrunc.f32 v2  }
0xc2: {  	v30 =	vtrunc.f32 v9;
	v29 =	vtrunc.f32 v5  }
0xc3: {  	v31 =	vtrunc.f32 v11;
	v32 =	vtrunc.f32 v4  }
0xc4: {  	v33 =	vtrunc.f32 v6;
	v34 =	vtrunc.f32 v7  }
0xc5: {  	v14 =	vtrunc.f32 v12;
	v13 =	vtrunc.f32 v1  }
0xc6: {  	v12 =	vtrunc.f32 v10;
	v11 =	vtrunc.f32 v8  }
0xc7: {  	v10 =	vtrunc.f32 v25;
	v9 =	vtrunc.f32 v15  }
0xc8: {  	v7 =	vtrunc.f32 v19;
	v8 =	vtrunc.f32 v17  }
0xc9: {  	v6 =	vtrunc.f32 v20;
	v5 =	vtrunc.f32 v18  }
0xca: {  	v4 =	vtrunc.f32 v21;
	v3 =	vtrunc.f32 v22  }
0xcb: {  	v1 =	vtrunc.f32 v24;
	v2 =	vtrunc.f32 v23  }
.Ltmp2:
0xcc: {  	v0 =	vtrunc.f32 v16;
	v15 =	vcvt.f32.s32 v26;
	(pc) =	sbr.rel @p0 .LBB2_3-.Ltmp2, $4  }
0xcd: {  	v16 =	vcvt.f32.s32 v27;
	v21 =	vcvt.f32.s32 v28  }
0xce: {  	v19 =	vcvt.f32.s32 v30;
	v20 =	vcvt.f32.s32 v29;
	[tilespmem:s9+$0xFFFFFF40] =	vst v15  }
0xcf: {  	v18 =	vcvt.f32.s32 v31;
	v17 =	vcvt.f32.s32 v32;
	[tilespmem:s9+$0xFFFFFF50] =	vst v16  }
0xd0: {  	v15 =	vcvt.f32.s32 v34;
	v16 =	vcvt.f32.s32 v33;
	s9 =	sadd.s32 $0x190, s9;
	[tilespmem:s6+$0xFFFFFF60] =	vst v21  }
0xd1: {  	[tilespmem:s6+$0xFFFFFF70] =	vst v20  }
0xd2: {  	[tilespmem:s6+$0xFFFFFF90] =	vst v19  }
0xd3: {  	[tilespmem:s6+$0xFFFFFFA0] =	vst v18  }
0xd4: {  	[tilespmem:s6+$0xFFFFFFB0] =	vst v17  }
0xd5: {  	v14 =	vcvt.f32.s32 v14;
	[tilespmem:s6+$0xFFFFFFC0] =	vst v16  }
0xd6: {  	v13 =	vcvt.f32.s32 v13;
	[tilespmem:s6+$0xFFFFFFE0] =	vst v15  }
0xd7: {  	v12 =	vcvt.f32.s32 v12;
	[tilespmem:s6+$0xFFFFFFF0] =	vst v14  }
0xd8: {  	v11 =	vcvt.f32.s32 v11;
	[tilespmem:s6+$0x0] =	vst v13  }
0xd9: {  	v10 =	vcvt.f32.s32 v10;
	[tilespmem:s6+$0x10] =	vst v12  }
0xda: {  	v9 =	vcvt.f32.s32 v9;
	[tilespmem:s6+$0x30] =	vst v11  }
0xdb: {  	v8 =	vcvt.f32.s32 v8;
	[tilespmem:s6+$0x40] =	vst v10  }
0xdc: {  	v7 =	vcvt.f32.s32 v7;
	[tilespmem:s6+$0x50] =	vst v9  }
0xdd: {  	v6 =	vcvt.f32.s32 v6;
	[tilespmem:s6+$0x60] =	vst v8  }
0xde: {  	v5 =	vcvt.f32.s32 v5;
	[tilespmem:s6+$0x80] =	vst v7  }
0xdf: {  	v4 =	vcvt.f32.s32 v4;
	[tilespmem:s6+$0x90] =	vst v6  }
0xe0: {  	v3 =	vcvt.f32.s32 v3;
	[tilespmem:s6+$0xA0] =	vst v5  }
0xe1: {  	v2 =	vcvt.f32.s32 v2;
	[tilespmem:s6+$0xFFFFFF80] =	vst v4  }
0xe2: {  	v1 =	vcvt.f32.s32 v1;
	[tilespmem:s6+$0xFFFFFFD0] =	vst v3  }
0xe3: {  	v0 =	vcvt.f32.s32 v0;
	s14 =	sshll.u32 s13, $0x9;
	[tilespmem:s6+$0x20] =	vst v2  }
0xe4: {  	p0 =	seq.s32 s13, $0x0;
	s3 =	sand.u32 $0x3FFFFE00, s14;
	[tilespmem:s6+$0x70] =	vst v1  }
0xe5: {  	[tilespmem:s6+$0xC0] =	vst v0;
	s10 =	sadd.s32 $0xF000, s3;
	s6 =	simm.s32 @!p0 $0x7  }
0xe6: {  	[spmem:s2] =	stream.indirect.scatter.add.s32 [tilespmem:s16], [sflag:$0x5], $0x50, s10, s15, $0xb8;
	[tilespmem:$0x1D380] =	vst v63  }
0xe7: {  	_ =	swait.ge @!p0 [sflag:s6], $0x2710  }
0xe8: {  	[sflag:s6] =	ssyncset.done @!p0 $0x0  }
0xe9: {  	s24 =	sadd.s32 $0xC900, s14;
	[sflag:s6] =	ssyncadd.s32 @!p0 $0xFFFFD8F0  }
0xea: {  	[tilespmem:s23], [sflag:$0x3] =	stream.indirect.gather [hbm4b:s4+s15], $0x50, s24, s15, $0xb8;
	[tilespmem:$0x1D380] =	vst v63  }
0xeb: {  	s6 =	sadd.s32 $0xF100, s14  }
0xec: {  	[tilespmem:s25], [sflag:$0x3] =	stream.indirect.gather [hbm4b:s5+s15], $0x10, s6, s15, $0xb8;
	[tilespmem:$0x1D380] =	vst v63  }
0xed: {  	_ =	swait.ge [sflag:s26], $0x2710  }
0xee: {  	[sflag:s26] =	ssyncset.done $0x0  }
0xef: {  	[sflag:s26] =	ssyncadd.s32 $0xFFFFD8F0  }
0xf0: {  	_ =	swait.ge [sflag:s26], $0x7D0  }
0xf1: {  	[sflag:s26] =	ssyncset.done $0x0  }
0xf2: {  	s8 =	simm.s32 $0x14090;
	[sflag:s26] =	ssyncadd.s32 $0xFFFFF830  }
0xf3: {  	v0 =	vld [tilespmem:s8+$0x0]  }
0xf4: {  	v1 =	vld [tilespmem:s8+$0xFFFFFF10]  }
0xf5: {  	v2 =	vld [tilespmem:s8+$0xFFFFFF60]  }
0xf6: {  	s9 =	simm.s32 $0x1BC50;
	v3 =	vld [tilespmem:s8+$0xFFFFFFB0]  }
0xf7: {  	v4 =	vld [tilespmem:s9+$0x0]  }
0xf8: {  	v5 =	vld [tilespmem:s8+$0xFFFFFEC0]  }
0xf9: {  	v6 =	vld [tilespmem:s9+$0xFFFFFFD0]  }
0xfa: {  	v10 =	vld [tilespmem:s8+$0xFFFFFE80]  }
0xfb: {  	v16 =	vld [tilespmem:s8+$0xFFFFFF40]  }
0xfc: {  	v19 =	vld [tilespmem:s8+$0xFFFFFF50]  }
0xfd: {  	v24 =	vld [tilespmem:s8+$0xFFFFFF80];
	v0 =	vcvt.s32.f32 v0  }
0xfe: {  	v27 =	vld [tilespmem:s8+$0xFFFFFF90];
	v1 =	vcvt.s32.f32 v1;
	v2 =	vcvt.s32.f32 v2  }
0xff: {  	v7 =	vld [tilespmem:s9+$0xFFFFFFE0];
	v3 =	vcvt.s32.f32 v3;
	v5 =	vcvt.s32.f32 v5  }
0x100: {  	v31 =	vld [tilespmem:s8+$0xFFFFFFA0];
	v10 =	vcvt.s32.f32 v10;
	v0 =	vmul.f32 $3.051757810e-05, v0  }
0x101: {  	v8 =	vld [tilespmem:s9+$0xFFFFFFC0];
	v16 =	vcvt.s32.f32 v16;
	v19 =	vcvt.s32.f32 v19  }
0x102: {  	v34 =	vld [tilespmem:s8+$0xFFFFFFC0];
	v24 =	vcvt.s32.f32 v24;
	v2 =	vmul.f32 $3.051757810e-05, v2;
	v0 =	vadd.f32 v0, v4  }
0x103: {  	v27 =	vcvt.s32.f32 v27;
	v1 =	vmul.f32 $3.051757810e-05, v1;
	v4 =	vld [tilespmem:s9+$0xFFFFFFF0]  }
0x104: {  	v5 =	vmul.f32 $3.051757810e-05, v5;
	v2 =	vadd.f32 v2, v7;
	v9 =	vmul.f32 $2.000000030e-01, v0  }
0x105: {  	v38 =	vld [tilespmem:s8+$0xFFFFFFD0];
	v31 =	vcvt.s32.f32 v31;
	v3 =	vmul.f32 $3.051757810e-05, v3;
	v1 =	vadd.f32 v1, v6  }
0x106: {  	v41 =	vld [tilespmem:s8+$0xFFFFFFE0];
	v5 =	vadd.f32 v5, v8;
	v8 =	vmul.f32 $2.000000030e-01, v2;
	v0 =	vmax.f32 v0, v9  }
0x107: {  	v34 =	vcvt.s32.f32 v34;
	v6 =	vld [tilespmem:s8+$0xFFFFFE90];
	v0 =	vmul.f32 $1.442695020e+00, v0  }
0x108: {  	v2 =	vmax.f32 v2, v8;
	v8 =	vld [tilespmem:s8+$0xFFFFFEE0];
	v3 =	vadd.f32 v3, v4;
	v4 =	vmul.f32 $2.000000030e-01, v1  }
0x109: {  	v7 =	vld [tilespmem:s8+$0xFFFFFEA0];
	v11 =	vmul.f32 $2.000000030e-01, v5;
	(erf) = vpow2.f32 v0  }
0x10a: {  	v38 =	vcvt.s32.f32 v38;
	v9 =	vld [tilespmem:s8+$0xFFFFFEB0];
	v1 =	vmax.f32 v1, v4;
	v4 =	vmul.f32 $2.000000030e-01, v3  }
0x10b: {  	v41 =	vcvt.s32.f32 v41;
	v5 =	vmax.f32 v5, v11;
	v11 =	vld [tilespmem:s8+$0xFFFFFEF0];
	v2 =	vmul.f32 $1.442695020e+00, v2  }
0x10c: {  	v5 =	vmul.f32 $1.442695020e+00, v5;
	v0 =	vld [tilespmem:s8+$0xFFFFFED0];
	v1 =	vmul.f32 $1.442695020e+00, v1;
	v3 =	vmax.f32 v3, v4  }
0x10d: {  	v4 =	vld [tilespmem:s8+$0xFFFFFF00];
	v8 =	vcvt.s32.f32 v8;
	v3 =	vmul.f32 $1.442695020e+00, v3  }
0x10e: {  	(erf) = vpow2.f32 v1;
	v1 =	vcvt.s32.f32 v6;
	v6 =	vld [tilespmem:s8+$0xFFFFFFF0]  }
0x10f: {  	(erf) = vpow2.f32 v5;
	v5 =	vcvt.s32.f32 v7  }
0x110: {  	v7 =	vcvt.s32.f32 v9;
	(erf) = vpow2.f32 v2;
	v2 =	vld [tilespmem:s8+$0xFFFFFF20]  }
0x111: {  	v9 =	vcvt.s32.f32 v11;
	v0 =	vcvt.s32.f32 v0  }
0x112: {  	(erf) = vpow2.f32 v3;
	v3 =	vld [tilespmem:s8+$0xFFFFFF30];
	v4 =	vcvt.s32.f32 v4;
	v11 =	vpop (erf)  }
0x113: {  	v6 =	vcvt.s32.f32 v6;
	v12 =	vbroadcast v11, $0x3  }
0x114: {  	v13 =	vbroadcast v11, $0x0;
	v14 =	vbroadcast v11, $0x1  }
0x115: {  	v15 =	vbroadcast v11, $0x2;
	v2 =	vcvt.s32.f32 v2  }
0x116: {  	v55 =	vmul.f32 $3.276800000e+04, v11;
	v6 =	vmul.f32 v6, v12  }
0x117: {  	v3 =	vcvt.s32.f32 v3;
	v50 =	vmul.f32 v38, v14  }
0x118: {  	v15 =	vmul.f32 v41, v15;
	v12 =	vpop (erf);
	v6 =	vtrunc.f32 v6  }
0x119: {  	v17 =	vbroadcast v12, $0x0;
	v21 =	vcvt.f32.s32 v6  }
0x11a: {  	v26 =	vbroadcast v12, $0x1;
	v29 =	vbroadcast v12, $0x2  }
0x11b: {  	v18 =	vpop (erf);
	v30 =	vbroadcast v12, $0x3;
	v51 =	vmul.f32 $3.276800000e+04, v12  }
0x11c: {  	v20 =	vbroadcast v18, $0x0;
	v22 =	vbroadcast v18, $0x1  }
0x11d: {  	v23 =	vbroadcast v18, $0x2;
	v25 =	vbroadcast v18, $0x3;
	v28 =	vpop (erf)  }
0x11e: {  	v18 =	vmul.f32 $3.276800000e+04, v18;
	v32 =	vbroadcast v28, $0x0  }
0x11f: {  	v33 =	vbroadcast v28, $0x1;
	v36 =	vbroadcast v28, $0x2  }
0x120: {  	v37 =	vbroadcast v28, $0x3;
	v0 =	vmul.f32 v0, v17  }
0x121: {  	v8 =	vmul.f32 v8, v26;
	v9 =	vmul.f32 v9, v29  }
0x122: {  	v35 =	vpop (erf);
	v4 =	vmul.f32 v4, v30;
	v52 =	vmul.f32 $3.276800000e+04, v28  }
0x123: {  	v39 =	vbroadcast v35, $0x0;
	v40 =	vbroadcast v35, $0x1  }
0x124: {  	v42 =	vbroadcast v35, $0x2;
	v10 =	vmul.f32 v10, v20  }
0x125: {  	v20 =	vbroadcast v35, $0x3;
	v1 =	vmul.f32 v1, v22  }
0x126: {  	v5 =	vmul.f32 v5, v23;
	v7 =	vmul.f32 v7, v25  }
0x127: {  	v23 =	vmul.f32 v34, v13;
	v53 =	vmul.f32 $3.276800000e+04, v35  }
0x128: {  	v6 =	vld [tilespmem:s8+$0xFFFFFF70];
	v2 =	vmul.f32 v2, v32;
	v3 =	vmul.f32 v3, v33  }
0x129: {  	v16 =	vmul.f32 v16, v36;
	v17 =	vmul.f32 v19, v37  }
0x12a: {  	v59 =	vtrunc.f32 v0;
	v60 =	vtrunc.f32 v8  }
0x12b: {  	v61 =	vtrunc.f32 v9;
	v62 =	vtrunc.f32 v4  }
0x12c: {  	v4 =	vtrunc.f32 v18;
	v0 =	vtrunc.f32 v55  }
0x12d: {  	v6 =	vcvt.s32.f32 v6;
	v19 =	vmul.f32 v24, v40  }
0x12e: {  	v22 =	vmul.f32 v27, v42;
	v20 =	vmul.f32 v31, v20  }
0x12f: {  	v54 =	vtrunc.f32 v10;
	v56 =	vtrunc.f32 v1  }
0x130: {  	v57 =	vtrunc.f32 v5;
	v58 =	vtrunc.f32 v7  }
0x131: {  	v7 =	vtrunc.f32 v23;
	v5 =	vtrunc.f32 v15  }
0x132: {  	v1 =	vtrunc.f32 v53;
	v18 =	vcvt.f32.s32 v60  }
0x133: {  	v63 =	vtrunc.f32 v2;
	v14 =	vtrunc.f32 v3  }
0x134: {  	v13 =	vtrunc.f32 v16;
	v12 =	vtrunc.f32 v17  }
0x135: {  	v3 =	vtrunc.f32 v51;
	v2 =	vtrunc.f32 v52  }
0x136: {  	v15 =	vcvt.f32.s32 v54;
	v16 =	vcvt.f32.s32 v56  }
0x137: {  	[tilespmem:s8+$0xFFFFFFF0] =	vst v21;
	v21 =	vcvt.f32.s32 v57;
	v17 =	vcvt.f32.s32 v61  }
0x138: {  	v6 =	vmul.f32 v6, v39;
	v10 =	vtrunc.f32 v19  }
0x139: {  	v9 =	vtrunc.f32 v22;
	v8 =	vtrunc.f32 v20  }
0x13a: {  	v20 =	vcvt.f32.s32 v58;
	v19 =	vcvt.f32.s32 v59;
	[tilespmem:s8+$0xFFFFFE80] =	vst v15  }
0x13b: {  	[tilespmem:s8+$0xFFFFFE90] =	vst v16;
	v16 =	vcvt.f32.s32 v62;
	v15 =	vcvt.f32.s32 v63  }
0x13c: {  	s10 =	simm.s32 $0x0;
	s24 =	simm.s32 $0x14220;
	[tilespmem:s8+$0xFFFFFEA0] =	vst v21;
	v11 =	vtrunc.f32 v6;
	v6 =	vtrunc.f32 v50  }
.LBB2_5:
0x13d: {  	v21 =	vld [tilespmem:s24+$0x0];
	s10 =	sadd.s32 $0x5, s10;
	[tilespmem:s8+$0xFFFFFEB0] =	vst v20;
	v14 =	vcvt.f32.s32 v14;
	v13 =	vcvt.f32.s32 v13  }
0x13e: {  	v12 =	vcvt.f32.s32 v12;
	v11 =	vcvt.f32.s32 v11;
	v20 =	vld [tilespmem:s24+$0xFFFFFF10];
	p1 =	slt.u32 s10, $0x78;
	[tilespmem:s8+$0xFFFFFED0] =	vst v19  }
0x13f: {  	v10 =	vcvt.f32.s32 v10;
	v9 =	vcvt.f32.s32 v9;
	v19 =	vld [tilespmem:s24+$0xFFFFFF60];
	[tilespmem:s8+$0xFFFFFEE0] =	vst v18  }
0x140: {  	v8 =	vcvt.f32.s32 v8;
	v7 =	vcvt.f32.s32 v7;
	s9 =	sadd.s32 $0x50, s9;
	v18 =	vld [tilespmem:s24+$0xFFFFFFB0];
	[tilespmem:s8+$0xFFFFFEF0] =	vst v17  }
0x141: {  	v6 =	vcvt.f32.s32 v6;
	v5 =	vcvt.f32.s32 v5;
	v17 =	vld [tilespmem:s9+$0x0];
	[tilespmem:s8+$0xFFFFFF00] =	vst v16  }
0x142: {  	v4 =	vcvt.f32.s32 v4;
	v16 =	vld [tilespmem:s24+$0xFFFFFEC0];
	v21 =	vcvt.s32.f32 v21;
	[tilespmem:s8+$0xFFFFFF20] =	vst v15  }
0x143: {  	v3 =	vcvt.f32.s32 v3;
	v15 =	vld [tilespmem:s9+$0xFFFFFFC0];
	v20 =	vcvt.s32.f32 v20;
	[tilespmem:s8+$0xFFFFFF30] =	vst v14  }
0x144: {  	v14 =	vld [tilespmem:s9+$0xFFFFFFD0];
	v19 =	vcvt.s32.f32 v19;
	v21 =	vmul.f32 $3.051757810e-05, v21;
	[tilespmem:s8+$0xFFFFFF40] =	vst v13  }
0x145: {  	v13 =	vmul.f32 $3.051757810e-05, v20;
	v20 =	vld [tilespmem:s9+$0xFFFFFFE0];
	v18 =	vcvt.s32.f32 v18;
	[tilespmem:s8+$0xFFFFFF50] =	vst v12  }
0x146: {  	v2 =	vcvt.f32.s32 v2;
	v12 =	vmul.f32 $3.051757810e-05, v19;
	v19 =	vld [tilespmem:s9+$0xFFFFFFF0];
	v17 =	vadd.f32 v21, v17;
	[tilespmem:s8+$0xFFFFFF70] =	vst v11  }
0x147: {  	v11 =	vcvt.s32.f32 v16;
	v16 =	vld [tilespmem:s24+$0xFFFFFE80];
	v18 =	vmul.f32 $3.051757810e-05, v18;
	[tilespmem:s8+$0xFFFFFF80] =	vst v10  }
0x148: {  	v1 =	vcvt.f32.s32 v1;
	v10 =	vld [tilespmem:s24+$0xFFFFFE90];
	v21 =	vmul.f32 $2.000000030e-01, v17;
	[tilespmem:s8+$0xFFFFFF90] =	vst v9  }
0x149: {  	v0 =	vcvt.f32.s32 v0;
	v9 =	vmul.f32 $3.051757810e-05, v11;
	v11 =	vld [tilespmem:s24+$0xFFFFFEA0];
	v13 =	vadd.f32 v13, v14;
	[tilespmem:s8+$0xFFFFFFA0] =	vst v8  }
0x14a: {  	v8 =	vld [tilespmem:s24+$0xFFFFFEB0];
	v12 =	vadd.f32 v12, v20;
	v14 =	vmax.f32 v17, v21;
	[tilespmem:s8+$0xFFFFFFC0] =	vst v7  }
0x14b: {  	v7 =	vadd.f32 v9, v15;
	v9 =	vld [tilespmem:s24+$0xFFFFFED0];
	v15 =	vadd.f32 v18, v19;
	v14 =	vmul.f32 $1.442695020e+00, v14;
	[tilespmem:s8+$0xFFFFFFD0] =	vst v6  }
0x14c: {  	v6 =	vmul.f32 $2.000000030e-01, v13;
	v17 =	vld [tilespmem:s24+$0xFFFFFEE0];
	v18 =	vmul.f32 $2.000000030e-01, v12;
	[tilespmem:s8+$0xFFFFFFE0] =	vst v5  }
0x14d: {  	v5 =	vmul.f32 $2.000000030e-01, v7;
	v19 =	vld [tilespmem:s24+$0xFFFFFEF0];
	(erf) = vpow2.f32 v14;
	[tilespmem:s8+$0xFFFFFEC0] =	vst v4  }
0x14e: {  	v4 =	vmax.f32 v13, v6;
	v13 =	vmul.f32 $2.000000030e-01, v15;
	v6 =	vld [tilespmem:s24+$0xFFFFFF00];
	v12 =	vmax.f32 v12, v18;
	[tilespmem:s8+$0xFFFFFF10] =	vst v3  }
0x14f: {  	v4 =	vmul.f32 $1.442695020e+00, v4;
	v3 =	vmax.f32 v7, v5;
	v5 =	vmul.f32 $1.442695020e+00, v12;
	v7 =	vld [tilespmem:s24+$0xFFFFFF20];
	[tilespmem:s8+$0xFFFFFF60] =	vst v2  }
0x150: {  	v13 =	vmax.f32 v15, v13;
	v2 =	vmul.f32 $1.442695020e+00, v3;
	v3 =	vcvt.s32.f32 v16;
	v12 =	vld [tilespmem:s24+$0xFFFFFF30];
	[tilespmem:s8+$0xFFFFFFB0] =	vst v1  }
0x151: {  	v13 =	vmul.f32 $1.442695020e+00, v13;
	v1 =	vld [tilespmem:s24+$0xFFFFFF40];
	(erf) = vpow2.f32 v4;
	[tilespmem:s8+$0x0] =	vst v0;
	s8 =	smov.u32 s24  }
0x152: {  	v0 =	vcvt.s32.f32 v10;
	v4 =	vld [tilespmem:s24+$0xFFFFFFF0];
	(erf) = vpow2.f32 v2  }
0x153: {  	v2 =	vcvt.s32.f32 v11;
	v10 =	vld [tilespmem:s24+$0xFFFFFF50];
	(erf) = vpow2.f32 v5  }
0x154: {  	v5 =	vcvt.s32.f32 v8;
	v8 =	vld [tilespmem:s24+$0xFFFFFF70];
	(erf) = vpow2.f32 v13  }
0x155: {  	v9 =	vcvt.s32.f32 v9;
	v11 =	vcvt.s32.f32 v17;
	v13 =	vld [tilespmem:s24+$0xFFFFFF80]  }
0x156: {  	v14 =	vcvt.s32.f32 v19;
	v6 =	vcvt.s32.f32 v6;
	v15 =	vld [tilespmem:s24+$0xFFFFFF90];
	v16 =	vpop (erf)  }
0x157: {  	v17 =	vld [tilespmem:s24+$0xFFFFFFA0];
	v4 =	vcvt.s32.f32 v4;
	v18 =	vbroadcast v16, $0x3  }
0x158: {  	v20 =	vbroadcast v16, $0x0;
	v21 =	vbroadcast v16, $0x1;
	v19 =	vld [tilespmem:s24+$0xFFFFFFC0]  }
0x159: {  	v23 =	vbroadcast v16, $0x2;
	v22 =	vld [tilespmem:s24+$0xFFFFFFD0];
	v4 =	vmul.f32 v4, v18  }
0x15a: {  	v7 =	vcvt.s32.f32 v7;
	v12 =	vcvt.s32.f32 v12;
	v18 =	vld [tilespmem:s24+$0xFFFFFFE0];
	v24 =	vpop (erf)  }
0x15b: {  	v25 =	vbroadcast v24, $0x0;
	v4 =	vtrunc.f32 v4;
	v26 =	vpop (erf)  }
0x15c: {  	v27 =	vbroadcast v26, $0x0;
	v4 =	vcvt.f32.s32 v4;
	v28 =	vpop (erf)  }
0x15d: {  	v29 =	vbroadcast v26, $0x1;
	v30 =	vbroadcast v26, $0x2;
	v31 =	vpop (erf)  }
0x15e: {  	v33 =	vbroadcast v24, $0x1;
	v32 =	vbroadcast v26, $0x3;
	[tilespmem:s24+$0xFFFFFFF0] =	vst v4  }
0x15f: {  	v34 =	vbroadcast v24, $0x3;
	v4 =	vbroadcast v24, $0x2  }
0x160: {  	v35 =	vbroadcast v28, $0x0;
	v36 =	vbroadcast v28, $0x1  }
0x161: {  	v37 =	vbroadcast v28, $0x2;
	v38 =	vbroadcast v28, $0x3  }
0x162: {  	v39 =	vbroadcast v31, $0x0;
	v40 =	vbroadcast v31, $0x1  }
0x163: {  	v41 =	vbroadcast v31, $0x2;
	v42 =	vbroadcast v31, $0x3  }
0x164: {  	v1 =	vcvt.s32.f32 v1;
	v10 =	vcvt.s32.f32 v10  }
0x165: {  	v8 =	vcvt.s32.f32 v8;
	v13 =	vcvt.s32.f32 v13  }
0x166: {  	v15 =	vcvt.s32.f32 v15;
	v17 =	vcvt.s32.f32 v17  }
0x167: {  	v19 =	vcvt.s32.f32 v19;
	v22 =	vcvt.s32.f32 v22  }
0x168: {  	v3 =	vmul.f32 v3, v27;
	v18 =	vcvt.s32.f32 v18  }
0x169: {  	v0 =	vmul.f32 v0, v29;
	v2 =	vmul.f32 v2, v30  }
0x16a: {  	v9 =	vmul.f32 v9, v25;
	v5 =	vmul.f32 v5, v32  }
0x16b: {  	v11 =	vmul.f32 v11, v33;
	v4 =	vmul.f32 v14, v4  }
0x16c: {  	v6 =	vmul.f32 v6, v34;
	v7 =	vmul.f32 v7, v35  }
0x16d: {  	v12 =	vmul.f32 v12, v36;
	v1 =	vmul.f32 v1, v37  }
0x16e: {  	v10 =	vmul.f32 v10, v38;
	v8 =	vmul.f32 v8, v39  }
0x16f: {  	v25 =	vmul.f32 v13, v40;
	v15 =	vmul.f32 v15, v41  }
0x170: {  	v19 =	vmul.f32 v19, v20;
	v17 =	vmul.f32 v17, v42  }
0x171: {  	v20 =	vmul.f32 v22, v21;
	v18 =	vmul.f32 v18, v23  }
0x172: {  	v21 =	vmul.f32 $3.276800000e+04, v26;
	v22 =	vmul.f32 $3.276800000e+04, v24  }
0x173: {  	v24 =	vmul.f32 $3.276800000e+04, v31;
	v23 =	vmul.f32 $3.276800000e+04, v28  }
0x174: {  	v16 =	vmul.f32 $3.276800000e+04, v16;
	v26 =	vtrunc.f32 v3  }
0x175: {  	v27 =	vtrunc.f32 v0;
	v28 =	vtrunc.f32 v2  }
0x176: {  	v30 =	vtrunc.f32 v9;
	v29 =	vtrunc.f32 v5  }
0x177: {  	v31 =	vtrunc.f32 v11;
	v32 =	vtrunc.f32 v4  }
0x178: {  	v33 =	vtrunc.f32 v6;
	v34 =	vtrunc.f32 v7  }
0x179: {  	v14 =	vtrunc.f32 v12;
	v13 =	vtrunc.f32 v1  }
0x17a: {  	v12 =	vtrunc.f32 v10;
	v11 =	vtrunc.f32 v8  }
0x17b: {  	v10 =	vtrunc.f32 v25;
	v9 =	vtrunc.f32 v15  }
0x17c: {  	v7 =	vtrunc.f32 v19;
	v8 =	vtrunc.f32 v17  }
0x17d: {  	v6 =	vtrunc.f32 v20;
	v5 =	vtrunc.f32 v18  }
0x17e: {  	v4 =	vtrunc.f32 v21;
	v3 =	vtrunc.f32 v22  }
0x17f: {  	v1 =	vtrunc.f32 v24;
	v2 =	vtrunc.f32 v23  }
.Ltmp3:
0x180: {  	v0 =	vtrunc.f32 v16;
	v15 =	vcvt.f32.s32 v26;
	(pc) =	sbr.rel @p1 .LBB2_5-.Ltmp3, $4  }
0x181: {  	v16 =	vcvt.f32.s32 v27;
	v21 =	vcvt.f32.s32 v28  }
0x182: {  	v19 =	vcvt.f32.s32 v30;
	v20 =	vcvt.f32.s32 v29;
	[tilespmem:s24+$0xFFFFFE80] =	vst v15  }
0x183: {  	v18 =	vcvt.f32.s32 v31;
	v17 =	vcvt.f32.s32 v32;
	[tilespmem:s24+$0xFFFFFE90] =	vst v16  }
0x184: {  	v15 =	vcvt.f32.s32 v34;
	v16 =	vcvt.f32.s32 v33;
	s24 =	sadd.s32 $0x190, s24;
	[tilespmem:s8+$0xFFFFFEA0] =	vst v21  }
0x185: {  	[tilespmem:s8+$0xFFFFFEB0] =	vst v20  }
0x186: {  	[tilespmem:s8+$0xFFFFFED0] =	vst v19  }
0x187: {  	[tilespmem:s8+$0xFFFFFEE0] =	vst v18  }
0x188: {  	[tilespmem:s8+$0xFFFFFEF0] =	vst v17  }
0x189: {  	v14 =	vcvt.f32.s32 v14;
	[tilespmem:s8+$0xFFFFFF00] =	vst v16  }
0x18a: {  	v13 =	vcvt.f32.s32 v13;
	[tilespmem:s8+$0xFFFFFF20] =	vst v15  }
0x18b: {  	v12 =	vcvt.f32.s32 v12;
	[tilespmem:s8+$0xFFFFFF30] =	vst v14  }
0x18c: {  	v11 =	vcvt.f32.s32 v11;
	[tilespmem:s8+$0xFFFFFF40] =	vst v13  }
0x18d: {  	v10 =	vcvt.f32.s32 v10;
	[tilespmem:s8+$0xFFFFFF50] =	vst v12  }
0x18e: {  	v9 =	vcvt.f32.s32 v9;
	[tilespmem:s8+$0xFFFFFF70] =	vst v11  }
0x18f: {  	v8 =	vcvt.f32.s32 v8;
	[tilespmem:s8+$0xFFFFFF80] =	vst v10  }
0x190: {  	v7 =	vcvt.f32.s32 v7;
	[tilespmem:s8+$0xFFFFFF90] =	vst v9  }
0x191: {  	v6 =	vcvt.f32.s32 v6;
	[tilespmem:s8+$0xFFFFFFA0] =	vst v8  }
0x192: {  	v5 =	vcvt.f32.s32 v5;
	[tilespmem:s8+$0xFFFFFFC0] =	vst v7  }
0x193: {  	v4 =	vcvt.f32.s32 v4;
	[tilespmem:s8+$0xFFFFFFD0] =	vst v6  }
0x194: {  	v3 =	vcvt.f32.s32 v3;
	[tilespmem:s8+$0xFFFFFFE0] =	vst v5  }
0x195: {  	v2 =	vcvt.f32.s32 v2;
	[tilespmem:s8+$0xFFFFFEC0] =	vst v4  }
0x196: {  	v1 =	vcvt.f32.s32 v1;
	[tilespmem:s8+$0xFFFFFF10] =	vst v3  }
0x197: {  	v0 =	vcvt.f32.s32 v0;
	[tilespmem:s8+$0xFFFFFF60] =	vst v2  }
0x198: {  	[tilespmem:s8+$0xFFFFFFB0] =	vst v1  }
0x199: {  	s3 =	sadd.s32 $0xF080, s3;
	[tilespmem:s8+$0x0] =	vst v0  }
0x19a: {  	[spmem:s2] =	stream.indirect.scatter.add.s32 [tilespmem:s19], [sflag:$0x6], $0x50, s3, s15, $0xb8;
	[tilespmem:$0x1D380] =	vst v63  }
0x19b: {  	s3 =	simm.s32 @!p0 $0x8  }
0x19c: {  	_ =	swait.ge @!p0 [sflag:s3], $0x2710  }
0x19d: {  	[sflag:s3] =	ssyncset.done @!p0 $0x0  }
0x19e: {  	s24 =	sadd.s32 $0xC980, s14;
	[sflag:s3] =	ssyncadd.s32 @!p0 $0xFFFFD8F0  }
0x19f: {  	[tilespmem:s28], [sflag:$0x4] =	stream.indirect.gather [hbm4b:s4+s15], $0x50, s24, s15, $0xb8;
	[tilespmem:$0x1D380] =	vst v63  }
0x1a0: {  	s3 =	sadd.s32 $0xF180, s14  }
0x1a1: {  	[tilespmem:s29], [sflag:$0x4] =	stream.indirect.gather [hbm4b:s5+s15], $0x10, s3, s15, $0xb8;
	[tilespmem:$0x1D380] =	vst v63  }
0x1a2: {  	_ =	swait.ge [sflag:s30], $0x2710  }
0x1a3: {  	[sflag:s30] =	ssyncset.done $0x0  }
0x1a4: {  	[sflag:s30] =	ssyncadd.s32 $0xFFFFD8F0  }
0x1a5: {  	_ =	swait.ge [sflag:s30], $0x7D0  }
0x1a6: {  	[sflag:s30] =	ssyncset.done $0x0  }
0x1a7: {  	s8 =	simm.s32 $0x167A0;
	[sflag:s30] =	ssyncadd.s32 $0xFFFFF830  }
0x1a8: {  	v0 =	vld [tilespmem:s8+$0x0]  }
0x1a9: {  	v1 =	vld [tilespmem:s8+$0xFFFFFF10]  }
0x1aa: {  	v2 =	vld [tilespmem:s8+$0xFFFFFF60]  }
0x1ab: {  	s9 =	simm.s32 $0x1C420;
	v3 =	vld [tilespmem:s8+$0xFFFFFFB0]  }
0x1ac: {  	v4 =	vld [tilespmem:s9+$0x0]  }
0x1ad: {  	v5 =	vld [tilespmem:s8+$0xFFFFFEC0]  }
0x1ae: {  	v6 =	vld [tilespmem:s9+$0xFFFFFFD0]  }
0x1af: {  	v10 =	vld [tilespmem:s8+$0xFFFFFE80]  }
0x1b0: {  	v16 =	vld [tilespmem:s8+$0xFFFFFF40]  }
0x1b1: {  	v19 =	vld [tilespmem:s8+$0xFFFFFF50]  }
0x1b2: {  	v24 =	vld [tilespmem:s8+$0xFFFFFF80];
	v0 =	vcvt.s32.f32 v0  }
0x1b3: {  	v27 =	vld [tilespmem:s8+$0xFFFFFF90];
	v1 =	vcvt.s32.f32 v1;
	v2 =	vcvt.s32.f32 v2  }
0x1b4: {  	v7 =	vld [tilespmem:s9+$0xFFFFFFE0];
	v3 =	vcvt.s32.f32 v3;
	v5 =	vcvt.s32.f32 v5  }
0x1b5: {  	v31 =	vld [tilespmem:s8+$0xFFFFFFA0];
	v10 =	vcvt.s32.f32 v10;
	v0 =	vmul.f32 $3.051757810e-05, v0  }
0x1b6: {  	v8 =	vld [tilespmem:s9+$0xFFFFFFC0];
	v16 =	vcvt.s32.f32 v16;
	v19 =	vcvt.s32.f32 v19  }
0x1b7: {  	v34 =	vld [tilespmem:s8+$0xFFFFFFC0];
	v24 =	vcvt.s32.f32 v24;
	v2 =	vmul.f32 $3.051757810e-05, v2;
	v0 =	vadd.f32 v0, v4  }
0x1b8: {  	v27 =	vcvt.s32.f32 v27;
	v1 =	vmul.f32 $3.051757810e-05, v1;
	v4 =	vld [tilespmem:s9+$0xFFFFFFF0]  }
0x1b9: {  	v5 =	vmul.f32 $3.051757810e-05, v5;
	v2 =	vadd.f32 v2, v7;
	v9 =	vmul.f32 $2.000000030e-01, v0  }
0x1ba: {  	v38 =	vld [tilespmem:s8+$0xFFFFFFD0];
	v31 =	vcvt.s32.f32 v31;
	v3 =	vmul.f32 $3.051757810e-05, v3;
	v1 =	vadd.f32 v1, v6  }
0x1bb: {  	v41 =	vld [tilespmem:s8+$0xFFFFFFE0];
	v5 =	vadd.f32 v5, v8;
	v8 =	vmul.f32 $2.000000030e-01, v2;
	v0 =	vmax.f32 v0, v9  }
0x1bc: {  	v34 =	vcvt.s32.f32 v34;
	v6 =	vld [tilespmem:s8+$0xFFFFFE90];
	v0 =	vmul.f32 $1.442695020e+00, v0  }
0x1bd: {  	v2 =	vmax.f32 v2, v8;
	v8 =	vld [tilespmem:s8+$0xFFFFFEE0];
	v3 =	vadd.f32 v3, v4;
	v4 =	vmul.f32 $2.000000030e-01, v1  }
0x1be: {  	v7 =	vld [tilespmem:s8+$0xFFFFFEA0];
	v11 =	vmul.f32 $2.000000030e-01, v5;
	(erf) = vpow2.f32 v0  }
0x1bf: {  	v38 =	vcvt.s32.f32 v38;
	v9 =	vld [tilespmem:s8+$0xFFFFFEB0];
	v1 =	vmax.f32 v1, v4;
	v4 =	vmul.f32 $2.000000030e-01, v3  }
0x1c0: {  	v41 =	vcvt.s32.f32 v41;
	v5 =	vmax.f32 v5, v11;
	v11 =	vld [tilespmem:s8+$0xFFFFFEF0];
	v2 =	vmul.f32 $1.442695020e+00, v2  }
0x1c1: {  	v5 =	vmul.f32 $1.442695020e+00, v5;
	v0 =	vld [tilespmem:s8+$0xFFFFFED0];
	v1 =	vmul.f32 $1.442695020e+00, v1;
	v3 =	vmax.f32 v3, v4  }
0x1c2: {  	v4 =	vld [tilespmem:s8+$0xFFFFFF00];
	v8 =	vcvt.s32.f32 v8;
	v3 =	vmul.f32 $1.442695020e+00, v3  }
0x1c3: {  	(erf) = vpow2.f32 v1;
	v1 =	vcvt.s32.f32 v6;
	v6 =	vld [tilespmem:s8+$0xFFFFFFF0]  }
0x1c4: {  	(erf) = vpow2.f32 v5;
	v5 =	vcvt.s32.f32 v7  }
0x1c5: {  	v7 =	vcvt.s32.f32 v9;
	(erf) = vpow2.f32 v2;
	v2 =	vld [tilespmem:s8+$0xFFFFFF20]  }
0x1c6: {  	v9 =	vcvt.s32.f32 v11;
	v0 =	vcvt.s32.f32 v0  }
0x1c7: {  	(erf) = vpow2.f32 v3;
	v3 =	vld [tilespmem:s8+$0xFFFFFF30];
	v4 =	vcvt.s32.f32 v4;
	v11 =	vpop (erf)  }
0x1c8: {  	v6 =	vcvt.s32.f32 v6;
	v12 =	vbroadcast v11, $0x3  }
0x1c9: {  	v13 =	vbroadcast v11, $0x0;
	v14 =	vbroadcast v11, $0x1  }
0x1ca: {  	v15 =	vbroadcast v11, $0x2;
	v2 =	vcvt.s32.f32 v2  }
0x1cb: {  	v55 =	vmul.f32 $3.276800000e+04, v11;
	v6 =	vmul.f32 v6, v12  }
0x1cc: {  	v3 =	vcvt.s32.f32 v3;
	v50 =	vmul.f32 v38, v14  }
0x1cd: {  	v15 =	vmul.f32 v41, v15;
	v12 =	vpop (erf);
	v6 =	vtrunc.f32 v6  }
0x1ce: {  	v17 =	vbroadcast v12, $0x0;
	v21 =	vcvt.f32.s32 v6  }
0x1cf: {  	v26 =	vbroadcast v12, $0x1;
	v29 =	vbroadcast v12, $0x2  }
0x1d0: {  	v18 =	vpop (erf);
	v30 =	vbroadcast v12, $0x3;
	v51 =	vmul.f32 $3.276800000e+04, v12  }
0x1d1: {  	v20 =	vbroadcast v18, $0x0;
	v22 =	vbroadcast v18, $0x1  }
0x1d2: {  	v23 =	vbroadcast v18, $0x2;
	v25 =	vbroadcast v18, $0x3;
	v28 =	vpop (erf)  }
0x1d3: {  	v18 =	vmul.f32 $3.276800000e+04, v18;
	v32 =	vbroadcast v28, $0x0  }
0x1d4: {  	v33 =	vbroadcast v28, $0x1;
	v36 =	vbroadcast v28, $0x2  }
0x1d5: {  	v37 =	vbroadcast v28, $0x3;
	v0 =	vmul.f32 v0, v17  }
0x1d6: {  	v8 =	vmul.f32 v8, v26;
	v9 =	vmul.f32 v9, v29  }
0x1d7: {  	v35 =	vpop (erf);
	v4 =	vmul.f32 v4, v30;
	v52 =	vmul.f32 $3.276800000e+04, v28  }
0x1d8: {  	v39 =	vbroadcast v35, $0x0;
	v40 =	vbroadcast v35, $0x1  }
0x1d9: {  	v42 =	vbroadcast v35, $0x2;
	v10 =	vmul.f32 v10, v20  }
0x1da: {  	v20 =	vbroadcast v35, $0x3;
	v1 =	vmul.f32 v1, v22  }
0x1db: {  	v5 =	vmul.f32 v5, v23;
	v7 =	vmul.f32 v7, v25  }
0x1dc: {  	v23 =	vmul.f32 v34, v13;
	v53 =	vmul.f32 $3.276800000e+04, v35  }
0x1dd: {  	v6 =	vld [tilespmem:s8+$0xFFFFFF70];
	v2 =	vmul.f32 v2, v32;
	v3 =	vmul.f32 v3, v33  }
0x1de: {  	v16 =	vmul.f32 v16, v36;
	v17 =	vmul.f32 v19, v37  }
0x1df: {  	v59 =	vtrunc.f32 v0;
	v60 =	vtrunc.f32 v8  }
0x1e0: {  	v61 =	vtrunc.f32 v9;
	v62 =	vtrunc.f32 v4  }
0x1e1: {  	v4 =	vtrunc.f32 v18;
	v0 =	vtrunc.f32 v55  }
0x1e2: {  	v6 =	vcvt.s32.f32 v6;
	v19 =	vmul.f32 v24, v40  }
0x1e3: {  	v22 =	vmul.f32 v27, v42;
	v20 =	vmul.f32 v31, v20  }
0x1e4: {  	v54 =	vtrunc.f32 v10;
	v56 =	vtrunc.f32 v1  }
0x1e5: {  	v57 =	vtrunc.f32 v5;
	v58 =	vtrunc.f32 v7  }
0x1e6: {  	v7 =	vtrunc.f32 v23;
	v5 =	vtrunc.f32 v15  }
0x1e7: {  	v1 =	vtrunc.f32 v53;
	v18 =	vcvt.f32.s32 v60  }
0x1e8: {  	v63 =	vtrunc.f32 v2;
	v14 =	vtrunc.f32 v3  }
0x1e9: {  	v13 =	vtrunc.f32 v16;
	v12 =	vtrunc.f32 v17  }
0x1ea: {  	v3 =	vtrunc.f32 v51;
	v2 =	vtrunc.f32 v52  }
0x1eb: {  	v15 =	vcvt.f32.s32 v54;
	v16 =	vcvt.f32.s32 v56  }
0x1ec: {  	[tilespmem:s8+$0xFFFFFFF0] =	vst v21;
	v21 =	vcvt.f32.s32 v57;
	v17 =	vcvt.f32.s32 v61  }
0x1ed: {  	v6 =	vmul.f32 v6, v39;
	v10 =	vtrunc.f32 v19  }
0x1ee: {  	v9 =	vtrunc.f32 v22;
	v8 =	vtrunc.f32 v20  }
0x1ef: {  	v20 =	vcvt.f32.s32 v58;
	v19 =	vcvt.f32.s32 v59;
	[tilespmem:s8+$0xFFFFFE80] =	vst v15  }
0x1f0: {  	[tilespmem:s8+$0xFFFFFE90] =	vst v16;
	v16 =	vcvt.f32.s32 v62;
	v15 =	vcvt.f32.s32 v63  }
0x1f1: {  	s10 =	simm.s32 $0x0;
	s24 =	simm.s32 $0x16930;
	[tilespmem:s8+$0xFFFFFEA0] =	vst v21;
	v11 =	vtrunc.f32 v6;
	v6 =	vtrunc.f32 v50  }
.LBB2_7:
0x1f2: {  	v21 =	vld [tilespmem:s24+$0x0];
	s10 =	sadd.s32 $0x5, s10;
	[tilespmem:s8+$0xFFFFFEB0] =	vst v20;
	v14 =	vcvt.f32.s32 v14;
	v13 =	vcvt.f32.s32 v13  }
0x1f3: {  	v12 =	vcvt.f32.s32 v12;
	v11 =	vcvt.f32.s32 v11;
	v20 =	vld [tilespmem:s24+$0xFFFFFF10];
	p0 =	slt.u32 s10, $0x78;
	[tilespmem:s8+$0xFFFFFED0] =	vst v19  }
0x1f4: {  	v10 =	vcvt.f32.s32 v10;
	v9 =	vcvt.f32.s32 v9;
	v19 =	vld [tilespmem:s24+$0xFFFFFF60];
	[tilespmem:s8+$0xFFFFFEE0] =	vst v18  }
0x1f5: {  	v8 =	vcvt.f32.s32 v8;
	v7 =	vcvt.f32.s32 v7;
	s9 =	sadd.s32 $0x50, s9;
	v18 =	vld [tilespmem:s24+$0xFFFFFFB0];
	[tilespmem:s8+$0xFFFFFEF0] =	vst v17  }
0x1f6: {  	v6 =	vcvt.f32.s32 v6;
	v5 =	vcvt.f32.s32 v5;
	v17 =	vld [tilespmem:s9+$0x0];
	[tilespmem:s8+$0xFFFFFF00] =	vst v16  }
0x1f7: {  	v4 =	vcvt.f32.s32 v4;
	v16 =	vld [tilespmem:s24+$0xFFFFFEC0];
	v21 =	vcvt.s32.f32 v21;
	[tilespmem:s8+$0xFFFFFF20] =	vst v15  }
0x1f8: {  	v3 =	vcvt.f32.s32 v3;
	v15 =	vld [tilespmem:s9+$0xFFFFFFC0];
	v20 =	vcvt.s32.f32 v20;
	[tilespmem:s8+$0xFFFFFF30] =	vst v14  }
0x1f9: {  	v14 =	vld [tilespmem:s9+$0xFFFFFFD0];
	v19 =	vcvt.s32.f32 v19;
	v21 =	vmul.f32 $3.051757810e-05, v21;
	[tilespmem:s8+$0xFFFFFF40] =	vst v13  }
0x1fa: {  	v13 =	vmul.f32 $3.051757810e-05, v20;
	v20 =	vld [tilespmem:s9+$0xFFFFFFE0];
	v18 =	vcvt.s32.f32 v18;
	[tilespmem:s8+$0xFFFFFF50] =	vst v12  }
0x1fb: {  	v2 =	vcvt.f32.s32 v2;
	v12 =	vmul.f32 $3.051757810e-05, v19;
	v19 =	vld [tilespmem:s9+$0xFFFFFFF0];
	v17 =	vadd.f32 v21, v17;
	[tilespmem:s8+$0xFFFFFF70] =	vst v11  }
0x1fc: {  	v11 =	vcvt.s32.f32 v16;
	v16 =	vld [tilespmem:s24+$0xFFFFFE80];
	v18 =	vmul.f32 $3.051757810e-05, v18;
	[tilespmem:s8+$0xFFFFFF80] =	vst v10  }
0x1fd: {  	v1 =	vcvt.f32.s32 v1;
	v10 =	vld [tilespmem:s24+$0xFFFFFE90];
	v21 =	vmul.f32 $2.000000030e-01, v17;
	[tilespmem:s8+$0xFFFFFF90] =	vst v9  }
0x1fe: {  	v0 =	vcvt.f32.s32 v0;
	v9 =	vmul.f32 $3.051757810e-05, v11;
	v11 =	vld [tilespmem:s24+$0xFFFFFEA0];
	v13 =	vadd.f32 v13, v14;
	[tilespmem:s8+$0xFFFFFFA0] =	vst v8  }
0x1ff: {  	v8 =	vld [tilespmem:s24+$0xFFFFFEB0];
	v12 =	vadd.f32 v12, v20;
	v14 =	vmax.f32 v17, v21;
	[tilespmem:s8+$0xFFFFFFC0] =	vst v7  }
0x200: {  	v7 =	vadd.f32 v9, v15;
	v9 =	vld [tilespmem:s24+$0xFFFFFED0];
	v15 =	vadd.f32 v18, v19;
	v14 =	vmul.f32 $1.442695020e+00, v14;
	[tilespmem:s8+$0xFFFFFFD0] =	vst v6  }
0x201: {  	v6 =	vmul.f32 $2.000000030e-01, v13;
	v17 =	vld [tilespmem:s24+$0xFFFFFEE0];
	v18 =	vmul.f32 $2.000000030e-01, v12;
	[tilespmem:s8+$0xFFFFFFE0] =	vst v5  }
0x202: {  	v5 =	vmul.f32 $2.000000030e-01, v7;
	v19 =	vld [tilespmem:s24+$0xFFFFFEF0];
	(erf) = vpow2.f32 v14;
	[tilespmem:s8+$0xFFFFFEC0] =	vst v4  }
0x203: {  	v4 =	vmax.f32 v13, v6;
	v13 =	vmul.f32 $2.000000030e-01, v15;
	v6 =	vld [tilespmem:s24+$0xFFFFFF00];
	v12 =	vmax.f32 v12, v18;
	[tilespmem:s8+$0xFFFFFF10] =	vst v3  }
0x204: {  	v4 =	vmul.f32 $1.442695020e+00, v4;
	v3 =	vmax.f32 v7, v5;
	v5 =	vmul.f32 $1.442695020e+00, v12;
	v7 =	vld [tilespmem:s24+$0xFFFFFF20];
	[tilespmem:s8+$0xFFFFFF60] =	vst v2  }
0x205: {  	v13 =	vmax.f32 v15, v13;
	v2 =	vmul.f32 $1.442695020e+00, v3;
	v3 =	vcvt.s32.f32 v16;
	v12 =	vld [tilespmem:s24+$0xFFFFFF30];
	[tilespmem:s8+$0xFFFFFFB0] =	vst v1  }
0x206: {  	v13 =	vmul.f32 $1.442695020e+00, v13;
	v1 =	vld [tilespmem:s24+$0xFFFFFF40];
	(erf) = vpow2.f32 v4;
	[tilespmem:s8+$0x0] =	vst v0;
	s8 =	smov.u32 s24  }
0x207: {  	v0 =	vcvt.s32.f32 v10;
	v4 =	vld [tilespmem:s24+$0xFFFFFFF0];
	(erf) = vpow2.f32 v2  }
0x208: {  	v2 =	vcvt.s32.f32 v11;
	v10 =	vld [tilespmem:s24+$0xFFFFFF50];
	(erf) = vpow2.f32 v5  }
0x209: {  	v5 =	vcvt.s32.f32 v8;
	v8 =	vld [tilespmem:s24+$0xFFFFFF70];
	(erf) = vpow2.f32 v13  }
0x20a: {  	v9 =	vcvt.s32.f32 v9;
	v11 =	vcvt.s32.f32 v17;
	v13 =	vld [tilespmem:s24+$0xFFFFFF80]  }
0x20b: {  	v14 =	vcvt.s32.f32 v19;
	v6 =	vcvt.s32.f32 v6;
	v15 =	vld [tilespmem:s24+$0xFFFFFF90];
	v16 =	vpop (erf)  }
0x20c: {  	v17 =	vld [tilespmem:s24+$0xFFFFFFA0];
	v4 =	vcvt.s32.f32 v4;
	v18 =	vbroadcast v16, $0x3  }
0x20d: {  	v20 =	vbroadcast v16, $0x0;
	v21 =	vbroadcast v16, $0x1;
	v19 =	vld [tilespmem:s24+$0xFFFFFFC0]  }
0x20e: {  	v23 =	vbroadcast v16, $0x2;
	v22 =	vld [tilespmem:s24+$0xFFFFFFD0];
	v4 =	vmul.f32 v4, v18  }
0x20f: {  	v7 =	vcvt.s32.f32 v7;
	v12 =	vcvt.s32.f32 v12;
	v18 =	vld [tilespmem:s24+$0xFFFFFFE0];
	v24 =	vpop (erf)  }
0x210: {  	v25 =	vbroadcast v24, $0x0;
	v4 =	vtrunc.f32 v4;
	v26 =	vpop (erf)  }
0x211: {  	v27 =	vbroadcast v26, $0x0;
	v4 =	vcvt.f32.s32 v4;
	v28 =	vpop (erf)  }
0x212: {  	v29 =	vbroadcast v26, $0x1;
	v30 =	vbroadcast v26, $0x2;
	v31 =	vpop (erf)  }
0x213: {  	v33 =	vbroadcast v24, $0x1;
	v32 =	vbroadcast v26, $0x3;
	[tilespmem:s24+$0xFFFFFFF0] =	vst v4  }
0x214: {  	v34 =	vbroadcast v24, $0x3;
	v4 =	vbroadcast v24, $0x2  }
0x215: {  	v35 =	vbroadcast v28, $0x0;
	v36 =	vbroadcast v28, $0x1  }
0x216: {  	v37 =	vbroadcast v28, $0x2;
	v38 =	vbroadcast v28, $0x3  }
0x217: {  	v39 =	vbroadcast v31, $0x0;
	v40 =	vbroadcast v31, $0x1  }
0x218: {  	v41 =	vbroadcast v31, $0x2;
	v42 =	vbroadcast v31, $0x3  }
0x219: {  	v1 =	vcvt.s32.f32 v1;
	v10 =	vcvt.s32.f32 v10  }
0x21a: {  	v8 =	vcvt.s32.f32 v8;
	v13 =	vcvt.s32.f32 v13  }
0x21b: {  	v15 =	vcvt.s32.f32 v15;
	v17 =	vcvt.s32.f32 v17  }
0x21c: {  	v19 =	vcvt.s32.f32 v19;
	v22 =	vcvt.s32.f32 v22  }
0x21d: {  	v3 =	vmul.f32 v3, v27;
	v18 =	vcvt.s32.f32 v18  }
0x21e: {  	v0 =	vmul.f32 v0, v29;
	v2 =	vmul.f32 v2, v30  }
0x21f: {  	v9 =	vmul.f32 v9, v25;
	v5 =	vmul.f32 v5, v32  }
0x220: {  	v11 =	vmul.f32 v11, v33;
	v4 =	vmul.f32 v14, v4  }
0x221: {  	v6 =	vmul.f32 v6, v34;
	v7 =	vmul.f32 v7, v35  }
0x222: {  	v12 =	vmul.f32 v12, v36;
	v1 =	vmul.f32 v1, v37  }
0x223: {  	v10 =	vmul.f32 v10, v38;
	v8 =	vmul.f32 v8, v39  }
0x224: {  	v25 =	vmul.f32 v13, v40;
	v15 =	vmul.f32 v15, v41  }
0x225: {  	v19 =	vmul.f32 v19, v20;
	v17 =	vmul.f32 v17, v42  }
0x226: {  	v20 =	vmul.f32 v22, v21;
	v18 =	vmul.f32 v18, v23  }
0x227: {  	v21 =	vmul.f32 $3.276800000e+04, v26;
	v22 =	vmul.f32 $3.276800000e+04, v24  }
0x228: {  	v24 =	vmul.f32 $3.276800000e+04, v31;
	v23 =	vmul.f32 $3.276800000e+04, v28  }
0x229: {  	v16 =	vmul.f32 $3.276800000e+04, v16;
	v26 =	vtrunc.f32 v3  }
0x22a: {  	v27 =	vtrunc.f32 v0;
	v28 =	vtrunc.f32 v2  }
0x22b: {  	v30 =	vtrunc.f32 v9;
	v29 =	vtrunc.f32 v5  }
0x22c: {  	v31 =	vtrunc.f32 v11;
	v32 =	vtrunc.f32 v4  }
0x22d: {  	v33 =	vtrunc.f32 v6;
	v34 =	vtrunc.f32 v7  }
0x22e: {  	v14 =	vtrunc.f32 v12;
	v13 =	vtrunc.f32 v1  }
0x22f: {  	v12 =	vtrunc.f32 v10;
	v11 =	vtrunc.f32 v8  }
0x230: {  	v10 =	vtrunc.f32 v25;
	v9 =	vtrunc.f32 v15  }
0x231: {  	v7 =	vtrunc.f32 v19;
	v8 =	vtrunc.f32 v17  }
0x232: {  	v6 =	vtrunc.f32 v20;
	v5 =	vtrunc.f32 v18  }
0x233: {  	v4 =	vtrunc.f32 v21;
	v3 =	vtrunc.f32 v22  }
0x234: {  	v1 =	vtrunc.f32 v24;
	v2 =	vtrunc.f32 v23  }
.Ltmp4:
0x235: {  	v0 =	vtrunc.f32 v16;
	v15 =	vcvt.f32.s32 v26;
	(pc) =	sbr.rel @p0 .LBB2_7-.Ltmp4, $4  }
0x236: {  	v16 =	vcvt.f32.s32 v27;
	v21 =	vcvt.f32.s32 v28  }
0x237: {  	v19 =	vcvt.f32.s32 v30;
	v20 =	vcvt.f32.s32 v29;
	[tilespmem:s24+$0xFFFFFE80] =	vst v15  }
0x238: {  	v18 =	vcvt.f32.s32 v31;
	v17 =	vcvt.f32.s32 v32;
	[tilespmem:s24+$0xFFFFFE90] =	vst v16  }
0x239: {  	v15 =	vcvt.f32.s32 v34;
	v16 =	vcvt.f32.s32 v33;
	s24 =	sadd.s32 $0x190, s24;
	[tilespmem:s8+$0xFFFFFEA0] =	vst v21  }
0x23a: {  	[tilespmem:s8+$0xFFFFFEB0] =	vst v20  }
0x23b: {  	[tilespmem:s8+$0xFFFFFED0] =	vst v19  }
0x23c: {  	[tilespmem:s8+$0xFFFFFEE0] =	vst v18  }
0x23d: {  	[tilespmem:s8+$0xFFFFFEF0] =	vst v17  }
0x23e: {  	v14 =	vcvt.f32.s32 v14;
	[tilespmem:s8+$0xFFFFFF00] =	vst v16  }
0x23f: {  	v13 =	vcvt.f32.s32 v13;
	[tilespmem:s8+$0xFFFFFF20] =	vst v15  }
0x240: {  	v12 =	vcvt.f32.s32 v12;
	[tilespmem:s8+$0xFFFFFF30] =	vst v14  }
0x241: {  	v11 =	vcvt.f32.s32 v11;
	[tilespmem:s8+$0xFFFFFF40] =	vst v13  }
0x242: {  	v10 =	vcvt.f32.s32 v10;
	[tilespmem:s8+$0xFFFFFF50] =	vst v12  }
0x243: {  	v9 =	vcvt.f32.s32 v9;
	[tilespmem:s8+$0xFFFFFF70] =	vst v11  }
0x244: {  	v8 =	vcvt.f32.s32 v8;
	[tilespmem:s8+$0xFFFFFF80] =	vst v10  }
0x245: {  	v7 =	vcvt.f32.s32 v7;
	[tilespmem:s8+$0xFFFFFF90] =	vst v9  }
0x246: {  	v6 =	vcvt.f32.s32 v6;
	[tilespmem:s8+$0xFFFFFFA0] =	vst v8  }
0x247: {  	v5 =	vcvt.f32.s32 v5;
	[tilespmem:s8+$0xFFFFFFC0] =	vst v7  }
0x248: {  	v4 =	vcvt.f32.s32 v4;
	[tilespmem:s8+$0xFFFFFFD0] =	vst v6  }
0x249: {  	v3 =	vcvt.f32.s32 v3;
	[tilespmem:s8+$0xFFFFFFE0] =	vst v5  }
0x24a: {  	v2 =	vcvt.f32.s32 v2;
	[tilespmem:s8+$0xFFFFFEC0] =	vst v4  }
0x24b: {  	v1 =	vcvt.f32.s32 v1;
	[tilespmem:s8+$0xFFFFFF10] =	vst v3  }
0x24c: {  	v0 =	vcvt.f32.s32 v0;
	[tilespmem:s8+$0xFFFFFF60] =	vst v2  }
0x24d: {  	[tilespmem:s8+$0xFFFFFFB0] =	vst v1  }
0x24e: {  	[tilespmem:s8+$0x0] =	vst v0  }
0x24f: {  	[spmem:s2] =	stream.indirect.scatter.add.s32 [tilespmem:s23], [sflag:$0x7], $0x50, s6, s15, $0xb8;
	[tilespmem:$0x1D380] =	vst v63  }
0x250: {  	p0 =	seq.s32 s13, $0x13;
	_ =	swait.ge [sflag:s31], $0x2710  }
0x251: {  	s9 =	simm.s32 @!p0 $0x11800;
	[sflag:s31] =	ssyncset.done $0x0  }
0x252: {  	s8 =	simm.s32 @!p0 $0x7D;
	s6 =	sadd.s32 @!p0 $0xCA00, s14;
	[sflag:s31] =	ssyncadd.s32 $0xFFFFD8F0  }
0x253: {  	[tilespmem:s9], [sflag:$0x1] =	stream.indirect.gather @!p0 [hbm4b:s4+s8], $0x50, s6, s8, $0xb8;
	[tilespmem:$0x1D380] =	vst v63  }
0x254: {  	s6 =	sadd.s32 @!p0 $0xF200, s14;
	s9 =	simm.s32 @!p0 $0x1B440  }
0x255: {  	[tilespmem:s9], [sflag:$0x1] =	stream.indirect.gather @!p0 [hbm4b:s5+s8], $0x10, s6, s8, $0xb8;
	[tilespmem:$0x1D380] =	vst v63  }
0x256: {  	_ =	swait.ge [sflag:s0], $0x2710  }
0x257: {  	[sflag:s0] =	ssyncset.done $0x0  }
0x258: {  	[sflag:s0] =	ssyncadd.s32 $0xFFFFD8F0  }
0x259: {  	_ =	swait.ge [sflag:s0], $0x7D0  }
0x25a: {  	[sflag:s0] =	ssyncset.done $0x0  }
0x25b: {  	s6 =	simm.s32 $0x18EB0;
	[sflag:s0] =	ssyncadd.s32 $0xFFFFF830  }
0x25c: {  	v0 =	vld [tilespmem:s6+$0x0]  }
0x25d: {  	v1 =	vld [tilespmem:s6+$0xFFFFFF10]  }
0x25e: {  	v2 =	vld [tilespmem:s6+$0xFFFFFF60]  }
0x25f: {  	s8 =	simm.s32 $0x1CBF0;
	v3 =	vld [tilespmem:s6+$0xFFFFFFB0]  }
0x260: {  	v4 =	vld [tilespmem:s8+$0x0]  }
0x261: {  	v5 =	vld [tilespmem:s6+$0xFFFFFEC0]  }
0x262: {  	v6 =	vld [tilespmem:s8+$0xFFFFFFD0]  }
0x263: {  	v10 =	vld [tilespmem:s6+$0xFFFFFE80]  }
0x264: {  	v16 =	vld [tilespmem:s6+$0xFFFFFF40]  }
0x265: {  	v19 =	vld [tilespmem:s6+$0xFFFFFF50]  }
0x266: {  	v24 =	vld [tilespmem:s6+$0xFFFFFF80];
	v0 =	vcvt.s32.f32 v0  }
0x267: {  	v27 =	vld [tilespmem:s6+$0xFFFFFF90];
	v1 =	vcvt.s32.f32 v1;
	v2 =	vcvt.s32.f32 v2  }
0x268: {  	v7 =	vld [tilespmem:s8+$0xFFFFFFE0];
	v3 =	vcvt.s32.f32 v3;
	v5 =	vcvt.s32.f32 v5  }
0x269: {  	v31 =	vld [tilespmem:s6+$0xFFFFFFA0];
	v10 =	vcvt.s32.f32 v10;
	v0 =	vmul.f32 $3.051757810e-05, v0  }
0x26a: {  	v8 =	vld [tilespmem:s8+$0xFFFFFFC0];
	v16 =	vcvt.s32.f32 v16;
	v19 =	vcvt.s32.f32 v19  }
0x26b: {  	v34 =	vld [tilespmem:s6+$0xFFFFFFC0];
	v24 =	vcvt.s32.f32 v24;
	v2 =	vmul.f32 $3.051757810e-05, v2;
	v0 =	vadd.f32 v0, v4  }
0x26c: {  	v27 =	vcvt.s32.f32 v27;
	v1 =	vmul.f32 $3.051757810e-05, v1;
	v4 =	vld [tilespmem:s8+$0xFFFFFFF0]  }
0x26d: {  	v5 =	vmul.f32 $3.051757810e-05, v5;
	v2 =	vadd.f32 v2, v7;
	v9 =	vmul.f32 $2.000000030e-01, v0  }
0x26e: {  	v38 =	vld [tilespmem:s6+$0xFFFFFFD0];
	v31 =	vcvt.s32.f32 v31;
	v3 =	vmul.f32 $3.051757810e-05, v3;
	v1 =	vadd.f32 v1, v6  }
0x26f: {  	v41 =	vld [tilespmem:s6+$0xFFFFFFE0];
	v5 =	vadd.f32 v5, v8;
	v8 =	vmul.f32 $2.000000030e-01, v2;
	v0 =	vmax.f32 v0, v9  }
0x270: {  	v34 =	vcvt.s32.f32 v34;
	v6 =	vld [tilespmem:s6+$0xFFFFFE90];
	v0 =	vmul.f32 $1.442695020e+00, v0  }
0x271: {  	v2 =	vmax.f32 v2, v8;
	v8 =	vld [tilespmem:s6+$0xFFFFFEE0];
	v3 =	vadd.f32 v3, v4;
	v4 =	vmul.f32 $2.000000030e-01, v1  }
0x272: {  	v7 =	vld [tilespmem:s6+$0xFFFFFEA0];
	v11 =	vmul.f32 $2.000000030e-01, v5;
	(erf) = vpow2.f32 v0  }
0x273: {  	v38 =	vcvt.s32.f32 v38;
	v9 =	vld [tilespmem:s6+$0xFFFFFEB0];
	v1 =	vmax.f32 v1, v4;
	v4 =	vmul.f32 $2.000000030e-01, v3  }
0x274: {  	v41 =	vcvt.s32.f32 v41;
	v5 =	vmax.f32 v5, v11;
	v11 =	vld [tilespmem:s6+$0xFFFFFEF0];
	v2 =	vmul.f32 $1.442695020e+00, v2  }
0x275: {  	v5 =	vmul.f32 $1.442695020e+00, v5;
	v0 =	vld [tilespmem:s6+$0xFFFFFED0];
	v1 =	vmul.f32 $1.442695020e+00, v1;
	v3 =	vmax.f32 v3, v4  }
0x276: {  	v4 =	vld [tilespmem:s6+$0xFFFFFF00];
	v8 =	vcvt.s32.f32 v8;
	v3 =	vmul.f32 $1.442695020e+00, v3  }
0x277: {  	(erf) = vpow2.f32 v1;
	v1 =	vcvt.s32.f32 v6;
	v6 =	vld [tilespmem:s6+$0xFFFFFFF0]  }
0x278: {  	(erf) = vpow2.f32 v5;
	v5 =	vcvt.s32.f32 v7  }
0x279: {  	v7 =	vcvt.s32.f32 v9;
	(erf) = vpow2.f32 v2;
	v2 =	vld [tilespmem:s6+$0xFFFFFF20]  }
0x27a: {  	v9 =	vcvt.s32.f32 v11;
	v0 =	vcvt.s32.f32 v0  }
0x27b: {  	(erf) = vpow2.f32 v3;
	v3 =	vld [tilespmem:s6+$0xFFFFFF30];
	v4 =	vcvt.s32.f32 v4;
	v11 =	vpop (erf)  }
0x27c: {  	v6 =	vcvt.s32.f32 v6;
	v12 =	vbroadcast v11, $0x3  }
0x27d: {  	v13 =	vbroadcast v11, $0x0;
	v14 =	vbroadcast v11, $0x1  }
0x27e: {  	v15 =	vbroadcast v11, $0x2;
	v2 =	vcvt.s32.f32 v2  }
0x27f: {  	v55 =	vmul.f32 $3.276800000e+04, v11;
	v6 =	vmul.f32 v6, v12  }
0x280: {  	v3 =	vcvt.s32.f32 v3;
	v50 =	vmul.f32 v38, v14  }
0x281: {  	v15 =	vmul.f32 v41, v15;
	v12 =	vpop (erf);
	v6 =	vtrunc.f32 v6  }
0x282: {  	v17 =	vbroadcast v12, $0x0;
	v21 =	vcvt.f32.s32 v6  }
0x283: {  	v26 =	vbroadcast v12, $0x1;
	v29 =	vbroadcast v12, $0x2  }
0x284: {  	v18 =	vpop (erf);
	v30 =	vbroadcast v12, $0x3;
	v51 =	vmul.f32 $3.276800000e+04, v12  }
0x285: {  	v20 =	vbroadcast v18, $0x0;
	v22 =	vbroadcast v18, $0x1  }
0x286: {  	v23 =	vbroadcast v18, $0x2;
	v25 =	vbroadcast v18, $0x3;
	v28 =	vpop (erf)  }
0x287: {  	v18 =	vmul.f32 $3.276800000e+04, v18;
	v32 =	vbroadcast v28, $0x0  }
0x288: {  	v33 =	vbroadcast v28, $0x1;
	v36 =	vbroadcast v28, $0x2  }
0x289: {  	v37 =	vbroadcast v28, $0x3;
	v0 =	vmul.f32 v0, v17  }
0x28a: {  	v8 =	vmul.f32 v8, v26;
	v9 =	vmul.f32 v9, v29  }
0x28b: {  	v35 =	vpop (erf);
	v4 =	vmul.f32 v4, v30;
	v52 =	vmul.f32 $3.276800000e+04, v28  }
0x28c: {  	v39 =	vbroadcast v35, $0x0;
	v40 =	vbroadcast v35, $0x1  }
0x28d: {  	v42 =	vbroadcast v35, $0x2;
	v10 =	vmul.f32 v10, v20  }
0x28e: {  	v20 =	vbroadcast v35, $0x3;
	v1 =	vmul.f32 v1, v22  }
0x28f: {  	v5 =	vmul.f32 v5, v23;
	v7 =	vmul.f32 v7, v25  }
0x290: {  	v23 =	vmul.f32 v34, v13;
	v53 =	vmul.f32 $3.276800000e+04, v35  }
0x291: {  	v6 =	vld [tilespmem:s6+$0xFFFFFF70];
	v2 =	vmul.f32 v2, v32;
	v3 =	vmul.f32 v3, v33  }
0x292: {  	v16 =	vmul.f32 v16, v36;
	v17 =	vmul.f32 v19, v37  }
0x293: {  	v59 =	vtrunc.f32 v0;
	v60 =	vtrunc.f32 v8  }
0x294: {  	v61 =	vtrunc.f32 v9;
	v62 =	vtrunc.f32 v4  }
0x295: {  	v4 =	vtrunc.f32 v18;
	v0 =	vtrunc.f32 v55  }
0x296: {  	v6 =	vcvt.s32.f32 v6;
	v19 =	vmul.f32 v24, v40  }
0x297: {  	v22 =	vmul.f32 v27, v42;
	v20 =	vmul.f32 v31, v20  }
0x298: {  	v54 =	vtrunc.f32 v10;
	v56 =	vtrunc.f32 v1  }
0x299: {  	v57 =	vtrunc.f32 v5;
	v58 =	vtrunc.f32 v7  }
0x29a: {  	v7 =	vtrunc.f32 v23;
	v5 =	vtrunc.f32 v15  }
0x29b: {  	v1 =	vtrunc.f32 v53;
	v18 =	vcvt.f32.s32 v60  }
0x29c: {  	v63 =	vtrunc.f32 v2;
	v14 =	vtrunc.f32 v3  }
0x29d: {  	v13 =	vtrunc.f32 v16;
	v12 =	vtrunc.f32 v17  }
0x29e: {  	v3 =	vtrunc.f32 v51;
	v2 =	vtrunc.f32 v52  }
0x29f: {  	v15 =	vcvt.f32.s32 v54;
	v16 =	vcvt.f32.s32 v56  }
0x2a0: {  	[tilespmem:s6+$0xFFFFFFF0] =	vst v21;
	v21 =	vcvt.f32.s32 v57;
	v17 =	vcvt.f32.s32 v61  }
0x2a1: {  	v6 =	vmul.f32 v6, v39;
	v10 =	vtrunc.f32 v19  }
0x2a2: {  	v9 =	vtrunc.f32 v22;
	v8 =	vtrunc.f32 v20  }
0x2a3: {  	v20 =	vcvt.f32.s32 v58;
	v19 =	vcvt.f32.s32 v59;
	[tilespmem:s6+$0xFFFFFE80] =	vst v15  }
0x2a4: {  	[tilespmem:s6+$0xFFFFFE90] =	vst v16;
	v16 =	vcvt.f32.s32 v62;
	v15 =	vcvt.f32.s32 v63  }
0x2a5: {  	s10 =	simm.s32 $0x19040;
	s9 =	simm.s32 $0x0;
	[tilespmem:s6+$0xFFFFFEA0] =	vst v21;
	v11 =	vtrunc.f32 v6;
	v6 =	vtrunc.f32 v50  }
.LBB2_9:
0x2a6: {  	v21 =	vld [tilespmem:s10+$0x0];
	s9 =	sadd.s32 $0x5, s9;
	[tilespmem:s6+$0xFFFFFEB0] =	vst v20;
	v14 =	vcvt.f32.s32 v14;
	v13 =	vcvt.f32.s32 v13  }
0x2a7: {  	v12 =	vcvt.f32.s32 v12;
	v11 =	vcvt.f32.s32 v11;
	v20 =	vld [tilespmem:s10+$0xFFFFFF10];
	p1 =	slt.u32 s9, $0x78;
	[tilespmem:s6+$0xFFFFFED0] =	vst v19  }
0x2a8: {  	v10 =	vcvt.f32.s32 v10;
	v9 =	vcvt.f32.s32 v9;
	v19 =	vld [tilespmem:s10+$0xFFFFFF60];
	[tilespmem:s6+$0xFFFFFEE0] =	vst v18  }
0x2a9: {  	v8 =	vcvt.f32.s32 v8;
	v7 =	vcvt.f32.s32 v7;
	s8 =	sadd.s32 $0x50, s8;
	v18 =	vld [tilespmem:s10+$0xFFFFFFB0];
	[tilespmem:s6+$0xFFFFFEF0] =	vst v17  }
0x2aa: {  	v6 =	vcvt.f32.s32 v6;
	v5 =	vcvt.f32.s32 v5;
	v17 =	vld [tilespmem:s8+$0x0];
	[tilespmem:s6+$0xFFFFFF00] =	vst v16  }
0x2ab: {  	v4 =	vcvt.f32.s32 v4;
	v16 =	vld [tilespmem:s10+$0xFFFFFEC0];
	v21 =	vcvt.s32.f32 v21;
	[tilespmem:s6+$0xFFFFFF20] =	vst v15  }
0x2ac: {  	v3 =	vcvt.f32.s32 v3;
	v15 =	vld [tilespmem:s8+$0xFFFFFFC0];
	v20 =	vcvt.s32.f32 v20;
	[tilespmem:s6+$0xFFFFFF30] =	vst v14  }
0x2ad: {  	v14 =	vld [tilespmem:s8+$0xFFFFFFD0];
	v19 =	vcvt.s32.f32 v19;
	v21 =	vmul.f32 $3.051757810e-05, v21;
	[tilespmem:s6+$0xFFFFFF40] =	vst v13  }
0x2ae: {  	v13 =	vmul.f32 $3.051757810e-05, v20;
	v20 =	vld [tilespmem:s8+$0xFFFFFFE0];
	v18 =	vcvt.s32.f32 v18;
	[tilespmem:s6+$0xFFFFFF50] =	vst v12  }
0x2af: {  	v2 =	vcvt.f32.s32 v2;
	v12 =	vmul.f32 $3.051757810e-05, v19;
	v19 =	vld [tilespmem:s8+$0xFFFFFFF0];
	v17 =	vadd.f32 v21, v17;
	[tilespmem:s6+$0xFFFFFF70] =	vst v11  }
0x2b0: {  	v11 =	vcvt.s32.f32 v16;
	v16 =	vld [tilespmem:s10+$0xFFFFFE80];
	v18 =	vmul.f32 $3.051757810e-05, v18;
	[tilespmem:s6+$0xFFFFFF80] =	vst v10  }
0x2b1: {  	v1 =	vcvt.f32.s32 v1;
	v10 =	vld [tilespmem:s10+$0xFFFFFE90];
	v21 =	vmul.f32 $2.000000030e-01, v17;
	[tilespmem:s6+$0xFFFFFF90] =	vst v9  }
0x2b2: {  	v0 =	vcvt.f32.s32 v0;
	v9 =	vmul.f32 $3.051757810e-05, v11;
	v11 =	vld [tilespmem:s10+$0xFFFFFEA0];
	v13 =	vadd.f32 v13, v14;
	[tilespmem:s6+$0xFFFFFFA0] =	vst v8  }
0x2b3: {  	v8 =	vld [tilespmem:s10+$0xFFFFFEB0];
	v12 =	vadd.f32 v12, v20;
	v14 =	vmax.f32 v17, v21;
	[tilespmem:s6+$0xFFFFFFC0] =	vst v7  }
0x2b4: {  	v7 =	vadd.f32 v9, v15;
	v9 =	vld [tilespmem:s10+$0xFFFFFED0];
	v15 =	vadd.f32 v18, v19;
	v14 =	vmul.f32 $1.442695020e+00, v14;
	[tilespmem:s6+$0xFFFFFFD0] =	vst v6  }
0x2b5: {  	v6 =	vmul.f32 $2.000000030e-01, v13;
	v17 =	vld [tilespmem:s10+$0xFFFFFEE0];
	v18 =	vmul.f32 $2.000000030e-01, v12;
	[tilespmem:s6+$0xFFFFFFE0] =	vst v5  }
0x2b6: {  	v5 =	vmul.f32 $2.000000030e-01, v7;
	v19 =	vld [tilespmem:s10+$0xFFFFFEF0];
	(erf) = vpow2.f32 v14;
	[tilespmem:s6+$0xFFFFFEC0] =	vst v4  }
0x2b7: {  	v4 =	vmax.f32 v13, v6;
	v13 =	vmul.f32 $2.000000030e-01, v15;
	v6 =	vld [tilespmem:s10+$0xFFFFFF00];
	v12 =	vmax.f32 v12, v18;
	[tilespmem:s6+$0xFFFFFF10] =	vst v3  }
0x2b8: {  	v4 =	vmul.f32 $1.442695020e+00, v4;
	v3 =	vmax.f32 v7, v5;
	v5 =	vmul.f32 $1.442695020e+00, v12;
	v7 =	vld [tilespmem:s10+$0xFFFFFF20];
	[tilespmem:s6+$0xFFFFFF60] =	vst v2  }
0x2b9: {  	v13 =	vmax.f32 v15, v13;
	v2 =	vmul.f32 $1.442695020e+00, v3;
	v3 =	vcvt.s32.f32 v16;
	v12 =	vld [tilespmem:s10+$0xFFFFFF30];
	[tilespmem:s6+$0xFFFFFFB0] =	vst v1  }
0x2ba: {  	v13 =	vmul.f32 $1.442695020e+00, v13;
	v1 =	vld [tilespmem:s10+$0xFFFFFF40];
	(erf) = vpow2.f32 v4;
	[tilespmem:s6+$0x0] =	vst v0;
	s6 =	smov.u32 s10  }
0x2bb: {  	v0 =	vcvt.s32.f32 v10;
	v4 =	vld [tilespmem:s10+$0xFFFFFFF0];
	(erf) = vpow2.f32 v2  }
0x2bc: {  	v2 =	vcvt.s32.f32 v11;
	v10 =	vld [tilespmem:s10+$0xFFFFFF50];
	(erf) = vpow2.f32 v5  }
0x2bd: {  	v5 =	vcvt.s32.f32 v8;
	v8 =	vld [tilespmem:s10+$0xFFFFFF70];
	(erf) = vpow2.f32 v13  }
0x2be: {  	v9 =	vcvt.s32.f32 v9;
	v11 =	vcvt.s32.f32 v17;
	v13 =	vld [tilespmem:s10+$0xFFFFFF80]  }
0x2bf: {  	v14 =	vcvt.s32.f32 v19;
	v6 =	vcvt.s32.f32 v6;
	v15 =	vld [tilespmem:s10+$0xFFFFFF90];
	v16 =	vpop (erf)  }
0x2c0: {  	v17 =	vld [tilespmem:s10+$0xFFFFFFA0];
	v4 =	vcvt.s32.f32 v4;
	v18 =	vbroadcast v16, $0x3  }
0x2c1: {  	v20 =	vbroadcast v16, $0x0;
	v21 =	vbroadcast v16, $0x1;
	v19 =	vld [tilespmem:s10+$0xFFFFFFC0]  }
0x2c2: {  	v23 =	vbroadcast v16, $0x2;
	v22 =	vld [tilespmem:s10+$0xFFFFFFD0];
	v4 =	vmul.f32 v4, v18  }
0x2c3: {  	v7 =	vcvt.s32.f32 v7;
	v12 =	vcvt.s32.f32 v12;
	v18 =	vld [tilespmem:s10+$0xFFFFFFE0];
	v24 =	vpop (erf)  }
0x2c4: {  	v25 =	vbroadcast v24, $0x0;
	v4 =	vtrunc.f32 v4;
	v26 =	vpop (erf)  }
0x2c5: {  	v27 =	vbroadcast v26, $0x0;
	v4 =	vcvt.f32.s32 v4;
	v28 =	vpop (erf)  }
0x2c6: {  	v29 =	vbroadcast v26, $0x1;
	v30 =	vbroadcast v26, $0x2;
	v31 =	vpop (erf)  }
0x2c7: {  	v33 =	vbroadcast v24, $0x1;
	v32 =	vbroadcast v26, $0x3;
	[tilespmem:s10+$0xFFFFFFF0] =	vst v4  }
0x2c8: {  	v34 =	vbroadcast v24, $0x3;
	v4 =	vbroadcast v24, $0x2  }
0x2c9: {  	v35 =	vbroadcast v28, $0x0;
	v36 =	vbroadcast v28, $0x1  }
0x2ca: {  	v37 =	vbroadcast v28, $0x2;
	v38 =	vbroadcast v28, $0x3  }
0x2cb: {  	v39 =	vbroadcast v31, $0x0;
	v40 =	vbroadcast v31, $0x1  }
0x2cc: {  	v41 =	vbroadcast v31, $0x2;
	v42 =	vbroadcast v31, $0x3  }
0x2cd: {  	v1 =	vcvt.s32.f32 v1;
	v10 =	vcvt.s32.f32 v10  }
0x2ce: {  	v8 =	vcvt.s32.f32 v8;
	v13 =	vcvt.s32.f32 v13  }
0x2cf: {  	v15 =	vcvt.s32.f32 v15;
	v17 =	vcvt.s32.f32 v17  }
0x2d0: {  	v19 =	vcvt.s32.f32 v19;
	v22 =	vcvt.s32.f32 v22  }
0x2d1: {  	v3 =	vmul.f32 v3, v27;
	v18 =	vcvt.s32.f32 v18  }
0x2d2: {  	v0 =	vmul.f32 v0, v29;
	v2 =	vmul.f32 v2, v30  }
0x2d3: {  	v9 =	vmul.f32 v9, v25;
	v5 =	vmul.f32 v5, v32  }
0x2d4: {  	v11 =	vmul.f32 v11, v33;
	v4 =	vmul.f32 v14, v4  }
0x2d5: {  	v6 =	vmul.f32 v6, v34;
	v7 =	vmul.f32 v7, v35  }
0x2d6: {  	v12 =	vmul.f32 v12, v36;
	v1 =	vmul.f32 v1, v37  }
0x2d7: {  	v10 =	vmul.f32 v10, v38;
	v8 =	vmul.f32 v8, v39  }
0x2d8: {  	v25 =	vmul.f32 v13, v40;
	v15 =	vmul.f32 v15, v41  }
0x2d9: {  	v19 =	vmul.f32 v19, v20;
	v17 =	vmul.f32 v17, v42  }
0x2da: {  	v20 =	vmul.f32 v22, v21;
	v18 =	vmul.f32 v18, v23  }
0x2db: {  	v21 =	vmul.f32 $3.276800000e+04, v26;
	v22 =	vmul.f32 $3.276800000e+04, v24  }
0x2dc: {  	v24 =	vmul.f32 $3.276800000e+04, v31;
	v23 =	vmul.f32 $3.276800000e+04, v28  }
0x2dd: {  	v16 =	vmul.f32 $3.276800000e+04, v16;
	v26 =	vtrunc.f32 v3  }
0x2de: {  	v27 =	vtrunc.f32 v0;
	v28 =	vtrunc.f32 v2  }
0x2df: {  	v30 =	vtrunc.f32 v9;
	v29 =	vtrunc.f32 v5  }
0x2e0: {  	v31 =	vtrunc.f32 v11;
	v32 =	vtrunc.f32 v4  }
0x2e1: {  	v33 =	vtrunc.f32 v6;
	v34 =	vtrunc.f32 v7  }
0x2e2: {  	v14 =	vtrunc.f32 v12;
	v13 =	vtrunc.f32 v1  }
0x2e3: {  	v12 =	vtrunc.f32 v10;
	v11 =	vtrunc.f32 v8  }
0x2e4: {  	v10 =	vtrunc.f32 v25;
	v9 =	vtrunc.f32 v15  }
0x2e5: {  	v7 =	vtrunc.f32 v19;
	v8 =	vtrunc.f32 v17  }
0x2e6: {  	v6 =	vtrunc.f32 v20;
	v5 =	vtrunc.f32 v18  }
0x2e7: {  	v4 =	vtrunc.f32 v21;
	v3 =	vtrunc.f32 v22  }
0x2e8: {  	v1 =	vtrunc.f32 v24;
	v2 =	vtrunc.f32 v23  }
.Ltmp5:
0x2e9: {  	v0 =	vtrunc.f32 v16;
	v15 =	vcvt.f32.s32 v26;
	(pc) =	sbr.rel @p1 .LBB2_9-.Ltmp5, $4  }
0x2ea: {  	v16 =	vcvt.f32.s32 v27;
	v21 =	vcvt.f32.s32 v28  }
0x2eb: {  	v19 =	vcvt.f32.s32 v30;
	v20 =	vcvt.f32.s32 v29;
	[tilespmem:s10+$0xFFFFFE80] =	vst v15  }
0x2ec: {  	v18 =	vcvt.f32.s32 v31;
	v17 =	vcvt.f32.s32 v32;
	[tilespmem:s10+$0xFFFFFE90] =	vst v16  }
0x2ed: {  	v15 =	vcvt.f32.s32 v34;
	v16 =	vcvt.f32.s32 v33;
	s10 =	sadd.s32 $0x190, s10;
	[tilespmem:s6+$0xFFFFFEA0] =	vst v21  }
0x2ee: {  	[tilespmem:s6+$0xFFFFFEB0] =	vst v20  }
0x2ef: {  	[tilespmem:s6+$0xFFFFFED0] =	vst v19  }
0x2f0: {  	[tilespmem:s6+$0xFFFFFEE0] =	vst v18  }
0x2f1: {  	[tilespmem:s6+$0xFFFFFEF0] =	vst v17  }
0x2f2: {  	v14 =	vcvt.f32.s32 v14;
	[tilespmem:s6+$0xFFFFFF00] =	vst v16  }
0x2f3: {  	v13 =	vcvt.f32.s32 v13;
	[tilespmem:s6+$0xFFFFFF20] =	vst v15  }
0x2f4: {  	v12 =	vcvt.f32.s32 v12;
	[tilespmem:s6+$0xFFFFFF30] =	vst v14  }
0x2f5: {  	v11 =	vcvt.f32.s32 v11;
	[tilespmem:s6+$0xFFFFFF40] =	vst v13  }
0x2f6: {  	v10 =	vcvt.f32.s32 v10;
	[tilespmem:s6+$0xFFFFFF50] =	vst v12  }
0x2f7: {  	v9 =	vcvt.f32.s32 v9;
	[tilespmem:s6+$0xFFFFFF70] =	vst v11  }
0x2f8: {  	v8 =	vcvt.f32.s32 v8;
	[tilespmem:s6+$0xFFFFFF80] =	vst v10  }
0x2f9: {  	v7 =	vcvt.f32.s32 v7;
	[tilespmem:s6+$0xFFFFFF90] =	vst v9  }
0x2fa: {  	v6 =	vcvt.f32.s32 v6;
	[tilespmem:s6+$0xFFFFFFA0] =	vst v8  }
0x2fb: {  	v5 =	vcvt.f32.s32 v5;
	[tilespmem:s6+$0xFFFFFFC0] =	vst v7  }
0x2fc: {  	v4 =	vcvt.f32.s32 v4;
	[tilespmem:s6+$0xFFFFFFD0] =	vst v6  }
0x2fd: {  	v3 =	vcvt.f32.s32 v3;
	[tilespmem:s6+$0xFFFFFFE0] =	vst v5  }
0x2fe: {  	v2 =	vcvt.f32.s32 v2;
	[tilespmem:s6+$0xFFFFFEC0] =	vst v4  }
0x2ff: {  	v1 =	vcvt.f32.s32 v1;
	[tilespmem:s6+$0xFFFFFF10] =	vst v3  }
0x300: {  	v0 =	vcvt.f32.s32 v0;
	[tilespmem:s6+$0xFFFFFF60] =	vst v2  }
0x301: {  	[tilespmem:s6+$0xFFFFFFB0] =	vst v1  }
.Ltmp6:
0x302: {  	[tilespmem:s6+$0x0] =	vst v0;
	(pc) =	sbr.rel @p0 .LBB2_12-.Ltmp6, $4  }
0x303: {  	[spmem:s2] =	stream.indirect.scatter.add.s32 [tilespmem:s28], [sflag:$0x8], $0x50, s3, s15, $0xb8;
	[tilespmem:$0x1D380] =	vst v63  }
0x304: {  	_ =	swait.ge [sflag:s1], $0x2710  }
0x305: {  	[sflag:s1] =	ssyncset.done $0x0  }
0x306: {  	[sflag:s1] =	ssyncadd.s32 $0xFFFFD8F0  }
.Ltmp7:
0x307: {  	(pc) =	sbr.rel .LBB2_2-.Ltmp7, $4  }
0x308: {  	s3 =	sadd.s32 $0xCA80, s14  }
0x309: {  	[tilespmem:s19], [sflag:$0x2] =	stream.indirect.gather [hbm4b:s4+s15], $0x50, s3, s15, $0xb8;
	[tilespmem:$0x1D380] =	vst v63  }
0x30a: {  	s24 =	sadd.s32 $0xF280, s14;
	s13 =	sadd.s32 $0x1, s13  }
0x30b: {  	[tilespmem:s21], [sflag:$0x2] =	stream.indirect.gather [hbm4b:s5+s15], $0x10, s24, s15, $0xb8;
	[tilespmem:$0x1D380] =	vst v63  }
.LBB2_13:
0x30c: {  	_ =	sfence.sel $0x180000  }
0x30d: {  	[bflag:$0x0] =	sbarrier.arrive $0xFFFF  }
0x30e: {  	_ =	strace $0x90000047  }
0x30f: {  	s0 =	stileid.u32;
	[bflag:$0x2] =	sbarrier.arrive $0xFFFF  }
0x310: {  	p0 =	sne.s32 s0, $0x0;
	s0 =	rddreg [dreg:$0x2]  }
0x311: {  	s0 =	sadd.s32 @!p0 $0x100000, s0  }
0x312: {  	[sflag:s0] =	ssyncadd.tile.s32 @!p0 $0x1;
	_ =	shalt  }
.Lfunc_end2:
_tile_overlayer_lowered:
.L_overlay_start_2:
0x313: {  	(tag) =	ssettag $0x2  }
0x314: {  	s0 =	rddreg [dreg:$0x0];
	s2 =	stileid.u32  }
0x315: {  	s1 =	rddreg [dreg:$0x1];
	p0 =	sne.s32 s2, $0x0  }
0x316: {  	s3 =	rddreg [dreg:$0x2];
	[bflag:$0x3] =	sbarrier.arrive $0xFFFF;
	s2 =	simm.s32 @!p0 $0x1C09  }
0x317: {  	[timem:s3], [sflag:s2] =	dma.local @!p0 [hbm:s0], s1  }
0x318: {  	s0 =	simm.s32 @!p0 $0x9  }
0x319: {  	_ =	swait.ge @!p0 [sflag:s0], s1  }
0x31a: {  	s1 =	ssub.s32 @!p0 $0x0, s1;
	[sflag:s0] =	ssyncset.done @!p0 $0x0  }
0x31b: {  	[sflag:s0] =	ssyncadd.s32 @!p0 s1  }
0x31c: {  	[bflag:$0x3] =	sbarrier.arrive $0xFFFF  }
0x31d: {  	_ =	shalt  }

</sc_bundles>
